<compile_context>
chip_gen: v7x
topology: tpu7x:2x2x1
jax: 0.10.2.dev20260603
libtpu: 0.0.44.dev20260713+nightly
codegen_flags: <defaults>
</compile_context>

<pallas_src>
import functools

import jax
import jax.numpy as jnp
from jax import lax
from jax.experimental import pallas as pl
from jax.experimental.pallas import tpu as pltpu
from jax.experimental.pallas import tpu_sc as plsc

_R, _C = 1024, 4096
_N = _R * _C
_GRID = 4
_BR = _R // _GRID

_NC, _NS, _L = 2, 16, 16
_NW = _NC * _NS
_PER_W = _N // _NW
_ROWS_W = _R // _NW
_CROWS = 4
_NCH = _ROWS_W // _CROWS


def _bce_body(lp_ref, lt_ref, dp_ref, dt_ref, bits_ref, scal_ref, acc_ref):
    i = pl.program_id(0)

    dt = dt_ref[...]
    dp = dp_ref[...]
    pos = dt == 1.0
    neg = dt == 0.0
    q = jnp.where(pos, dp, 1.0 - dp)
    bce = -jnp.clip(jnp.log(q), -100.0, None)

    bits_ref[...] = jnp.where(
        neg, lax.bitcast_convert_type(bce, jnp.int32), jnp.int32(0))

    @pl.when(i == 0)
    def _init():
        acc_ref[0] = 0.0
        acc_ref[1] = 0.0
        acc_ref[2] = 0.0

    acc_ref[0] += jnp.sum(jnp.where(pos, bce, 0.0))
    acc_ref[1] += jnp.sum(pos.astype(jnp.int32)).astype(jnp.float32)
    acc_ref[2] += jnp.sum(neg.astype(jnp.int32)).astype(jnp.float32)

    @pl.when(i == _GRID - 1)
    def _fin():
        d = lp_ref[...] - lt_ref[...]
        n_neg = acc_ref[2]
        scal_ref[0] = acc_ref[0]
        scal_ref[1] = acc_ref[1]
        scal_ref[2] = n_neg
        scal_ref[3] = jnp.mean(d * d)
        scal_ref[4] = jnp.floor(0.7 * n_neg)
        scal_ref[5] = 0.0
        scal_ref[6] = 0.0
        scal_ref[7] = 0.0


def _stage_a(label_p, label_t, dp, dt):
    return pl.pallas_call(
        _bce_body,
        grid=(_GRID,),
        in_specs=[
            pl.BlockSpec((_R, 4), lambda i: (0, 0)),
            pl.BlockSpec((_R, 4), lambda i: (0, 0)),
            pl.BlockSpec((_BR, _C), lambda i: (i, 0)),
            pl.BlockSpec((_BR, _C), lambda i: (i, 0)),
        ],
        out_shape=[
            jax.ShapeDtypeStruct((_R, _C), jnp.int32),
            jax.ShapeDtypeStruct((8,), jnp.float32),
        ],
        out_specs=[
            pl.BlockSpec((_BR, _C), lambda i: (i, 0)),
            pl.BlockSpec(memory_space=pltpu.SMEM),
        ],
        scratch_shapes=[pltpu.SMEM((4,), jnp.float32)],
    )(label_p, label_t, dp, dt)


_MESH = plsc.VectorSubcoreMesh(core_axis_name="c", subcore_axis_name="s")


@functools.partial(
    pl.kernel,
    mesh=_MESH,
    compiler_params=pltpu.CompilerParams(needs_layout_passes=False),
    out_type=jax.ShapeDtypeStruct((_NW, 32768), jnp.int32),
    scratch_types=[
        pltpu.VMEM((_CROWS, _C), jnp.int32),
        pltpu.VMEM((_CROWS, _C), jnp.int32),
        pltpu.VMEM((32768,), jnp.int32),
        pltpu.SemaphoreType.DMA,
        pltpu.SemaphoreType.DMA,
    ],
)
def _hist_hi(bits_hbm, hist_hbm, buf0, buf1, hist_v, sem0, sem1):
    wid = lax.axis_index("s") * _NC + lax.axis_index("c")
    base = wid * _ROWS_W
    bufs, sems = (buf0, buf1), (sem0, sem1)

    @plsc.parallel_loop(0, 32768 // _L, unroll=16)
    def _zero(i):
        hist_v[pl.ds(i * _L, _L)] = jnp.zeros((_L,), jnp.int32)

    ones = jnp.ones((_L,), jnp.int32)

    def cp(c, b):
        return pltpu.make_async_copy(
            bits_hbm.at[pl.ds(base + c * _CROWS, _CROWS)], bufs[b], sems[b])

    cp(0, 0).start()
    cp(1, 1).start()

    def outer(g0, _):
        for b in range(2):
            g = g0 * 2 + b
            cp(g, b).wait()

            for rr in range(_CROWS):
                @plsc.parallel_loop(0, _C // _L, unroll=16)
                def _inner(j):
                    vec = bufs[b][rr, pl.ds(j * _L, _L)]
                    binv = lax.shift_right_logical(vec, 16)
                    plsc.addupdate_scatter(hist_v, [binv], ones,
                                           mask=binv > 0)

            @pl.when(g + 2 < _NCH)
            def _next():
                cp(g + 2, b).start()
        return 0
    lax.fori_loop(0, _NCH // 2, outer, 0)

    pltpu.sync_copy(hist_v, hist_hbm.at[wid])


def _suffix_counts(hf):
    rows = hf.shape[0]
    ci = lax.broadcasted_iota(jnp.int32, (128, 128), 0)
    cj = lax.broadcasted_iota(jnp.int32, (128, 128), 1)
    u = (ci > cj).astype(jnp.float32)
    ws = jax.lax.dot_general(hf, u, (((1,), (0,)), ((), ())),
                             preferred_element_type=jnp.float32)
    ri = lax.broadcasted_iota(jnp.int32, (rows, rows), 0)
    rj = lax.broadcasted_iota(jnp.int32, (rows, rows), 1)
    a = (rj > ri).astype(jnp.float32)
    rowsum = jnp.sum(hf, axis=1, keepdims=True)
    rowsuf = jax.lax.dot_general(a, rowsum, (((1,), (0,)), ((), ())),
                                 preferred_element_type=jnp.float32)
    return ws + rowsuf


def _pick_body(hist_ref, scal_ref, out_ref):
    h = jnp.sum(hist_ref[...].reshape(32, 256, 128), axis=0)
    rc = _suffix_counts(h.astype(jnp.float32))
    k = scal_ref[4]
    bstar = jnp.sum((rc >= k).astype(jnp.int32))
    ri = lax.broadcasted_iota(jnp.int32, (256, 128), 0)
    cj = lax.broadcasted_iota(jnp.int32, (256, 128), 1)
    flat = ri * 128 + cj
    count_above = jnp.sum(jnp.where(flat == bstar, rc, 0.0))
    out_ref[0] = bstar.astype(jnp.float32)
    out_ref[1] = count_above


def _stage_c(hist, scal):
    return pl.pallas_call(
        _pick_body,
        in_specs=[
            pl.BlockSpec((8192, 128), lambda: (0, 0)),
            pl.BlockSpec(memory_space=pltpu.SMEM),
        ],
        out_shape=jax.ShapeDtypeStruct((8,), jnp.float32),
        out_specs=pl.BlockSpec(memory_space=pltpu.SMEM),
    )(hist, scal)


@functools.partial(
    pl.kernel,
    mesh=_MESH,
    compiler_params=pltpu.CompilerParams(needs_layout_passes=False),
    out_type=[
        jax.ShapeDtypeStruct((_NW, 65536), jnp.int32),
        jax.ShapeDtypeStruct((_NW, _L), jnp.float32),
    ],
    scratch_types=[
        pltpu.VMEM((_CROWS, _C), jnp.int32),
        pltpu.VMEM((_CROWS, _C), jnp.int32),
        pltpu.VMEM((65536,), jnp.int32),
        pltpu.VMEM((_L,), jnp.int32),
        pltpu.VMEM((_L,), jnp.float32),
        pltpu.SemaphoreType.DMA,
        pltpu.SemaphoreType.DMA,
    ],
)
def _hist_lo(bits_hbm, bstar_hbm, hist_hbm, sums_hbm,
             buf0, buf1, hist_v, bv, sv, sem0, sem1):
    wid = lax.axis_index("s") * _NC + lax.axis_index("c")
    base = wid * _ROWS_W
    bufs, sems = (buf0, buf1), (sem0, sem1)

    pltpu.sync_copy(bstar_hbm, bv)
    bstar = bv[...]

    @plsc.parallel_loop(0, 65536 // _L, unroll=16)
    def _zero(i):
        hist_v[pl.ds(i * _L, _L)] = jnp.zeros((_L,), jnp.int32)

    ones = jnp.ones((_L,), jnp.int32)
    lo_mask = jnp.int32(0xFFFF)

    def cp(c, b):
        return pltpu.make_async_copy(
            bits_hbm.at[pl.ds(base + c * _CROWS, _CROWS)], bufs[b], sems[b])

    cp(0, 0).start()
    cp(1, 1).start()

    def outer(g0, acc):
        for b in range(2):
            g = g0 * 2 + b
            cp(g, b).wait()

            for rr in range(_CROWS):
                @plsc.parallel_loop(0, _C // _L, unroll=16, carry=acc)
                def _inner(j, a):
                    vec = bufs[b][rr, pl.ds(j * _L, _L)]
                    hi = lax.shift_right_logical(vec, 16)
                    match = hi == bstar
                    low = vec & lo_mask
                    plsc.addupdate_scatter(hist_v, [low], ones, mask=match)
                    vals = plsc.bitcast(vec, jnp.float32)
                    return a + jnp.where(hi > bstar, vals, 0.0)
                acc = _inner

            @pl.when(g + 2 < _NCH)
            def _next():
                cp(g + 2, b).start()
        return acc

    acc = lax.fori_loop(0, _NCH // 2, outer, jnp.zeros((_L,), jnp.float32))
    sv[...] = acc

    pltpu.sync_copy(hist_v, hist_hbm.at[wid])
    pltpu.sync_copy(sv, sums_hbm.at[wid])


def _final_body(hist_ref, sums_ref, scal_a_ref, scal_c_ref, out_ref):
    h2 = jnp.sum(hist_ref[...].reshape(32, 512, 128), axis=0)
    rc2 = _suffix_counts(h2.astype(jnp.float32))
    k = scal_a_ref[4]
    count_above = scal_c_ref[1]
    bstar_i = scal_c_ref[0].astype(jnp.int32)

    lstar = jnp.sum((count_above + rc2 >= k).astype(jnp.int32))
    ri = lax.broadcasted_iota(jnp.int32, (512, 128), 0)
    cj = lax.broadcasted_iota(jnp.int32, (512, 128), 1)
    flat = ri * 128 + cj
    vbits = bstar_i * 65536 + flat
    vvals = lax.bitcast_convert_type(vbits, jnp.float32)
    h2f = h2.astype(jnp.float32)
    above = flat > lstar
    inbin_cnt = jnp.sum(jnp.where(above, h2f, 0.0))
    inbin_sum = jnp.sum(jnp.where(above, h2f * vvals, 0.0))

    sum_hi = jnp.sum(sums_ref[...])
    vstar = lax.bitcast_convert_type(bstar_i * 65536 + lstar, jnp.float32)
    cnt_tot = count_above + inbin_cnt
    loss_neg = (sum_hi + inbin_sum + (k - cnt_tot) * vstar) / k
    loss_pos = scal_a_ref[0] / scal_a_ref[1]
    out_ref[0, 0] = scal_a_ref[3] + loss_pos + loss_neg


def _stage_e(hist2, sums, scal_a, scal_c):
    return pl.pallas_call(
        _final_body,
        in_specs=[
            pl.BlockSpec((16384, 128), lambda: (0, 0)),
            pl.BlockSpec((_NW, _L), lambda: (0, 0)),
            pl.BlockSpec(memory_space=pltpu.SMEM),
            pl.BlockSpec(memory_space=pltpu.SMEM),
        ],
        out_shape=jax.ShapeDtypeStruct((1, 1), jnp.float32),
        out_specs=pl.BlockSpec(memory_space=pltpu.SMEM),
    )(hist2, sums, scal_a, scal_c)


def kernel(label_p, label_t, denselabel_p, denselabel_t):
    bits, scal_a = _stage_a(label_p, label_t, denselabel_p, denselabel_t)
    hist1 = _hist_hi(bits)
    scal_c = _stage_c(hist1.reshape(8192, 128), scal_a)
    bvec = jnp.broadcast_to(scal_c[0].astype(jnp.int32), (_L,))
    hist2, sums = _hist_lo(bits, bvec)
    out = _stage_e(hist2.reshape(16384, 128), sums, scal_a, scal_c)
    return out[0, 0]

# --- scband reference (transcript-rebuilt; emitter-appended) ---
"""Pipeline reference for scband-ohem-neg-loss-75694503624866 (READ-ONLY COPY).

The authoritative reference and input builder live on the scoring server;
editing this copy changes nothing except your own understanding.
"""

import jax, jax.numpy as jnp
import numpy as np

A1 = 1.0
A2 = 1.0
THRESH = 0.7


def setup_inputs(seed: int = 0) -> dict:
    key = jax.random.key(seed)
    k1, k2, k3, k4 = jax.random.split(key, 4)
    label_p = jax.random.normal(k1, (1024, 4), dtype=jnp.float32)
    label_t = jax.random.normal(k2, (1024, 4), dtype=jnp.float32)
    # predictions must lie in (0,1) for BCE; keep away from exact 0/1
    denselabel_p = jax.random.uniform(k3, (1024, 4096), dtype=jnp.float32, minval=1e-4, maxval=1.0 - 1e-4)
    denselabel_t = jax.random.randint(k4, (1024, 4096), 0, 2).astype(jnp.float32)
    return {
        "label_p": label_p,
        "label_t": label_t,
        "denselabel_p": denselabel_p,
        "denselabel_t": denselabel_t,
    }


def _bce_elementwise(p, t):
    # matches torch BCELoss(reduction='none') incl. log clamping at -100
    logp = jnp.clip(jnp.log(p), -100.0, None)
    log1mp = jnp.clip(jnp.log(1.0 - p), -100.0, None)
    return -(t * logp + (1.0 - t) * log1mp)


def reference(label_p, label_t, denselabel_p, denselabel_t):
    lp = label_p.reshape(-1)
    lt = label_t.reshape(-1)
    dp = denselabel_p.reshape(-1)
    dt = denselabel_t.reshape(-1)

    index_pos = dt == 1.0
    index_neg = dt == 0.0

    bce = _bce_elementwise(dp, dt)

    n_pos = jnp.sum(index_pos).astype(jnp.float32)
    n_neg = jnp.sum(index_neg).astype(jnp.float32)

    # mean BCE over positive elements
    loss_pos = jnp.sum(jnp.where(index_pos, bce, 0.0)) / n_pos

    # OHEM over negatives: sort descending, keep top int(thresh * n_neg)
    # static-shape formulation: non-negatives masked to -1 (< any BCE value >= 0)
    neg_loss = jnp.where(index_neg, bce, -1.0)
    sorted_desc = -jnp.sort(-neg_loss)
    number_neg = jnp.floor(THRESH * n_neg).astype(jnp.int32)
    sel = jnp.arange(sorted_desc.shape[0]) < number_neg
    loss_neg = jnp.sum(jnp.where(sel, sorted_desc, 0.0)) / number_neg.astype(jnp.float32)

    loss = loss_pos + loss_neg
    mse = jnp.mean((lp - lt) ** 2)
    loss_total = A1 * mse + A2 * loss
    return loss_total

if __name__ == "__main__":
    import jax
    _d = setup_inputs()
    print(jax.jit(kernel)(*tuple(_d.values())))

</pallas_src>

<mosaic_0001>
#map = affine_map<(d0, d1) -> (0, 0)>
module attributes {stable_mosaic.version = 14 : i64} {
  func.func @_hist_hi(%arg0: i32, %arg1: i32, %arg2: memref<1024x4096xi32, #tpu.memory_space<hbm>>, %arg3: memref<32x32768xi32, #tpu.memory_space<hbm>>, %arg4: memref<4x4096xi32, #tpu.memory_space<vmem>>, %arg5: memref<4x4096xi32, #tpu.memory_space<vmem>>, %arg6: memref<32768xi32, #tpu.memory_space<vmem>>, %arg7: memref<!tpu.dma_semaphore, #tpu.memory_space<semaphore_mem>>, %arg8: memref<!tpu.dma_semaphore, #tpu.memory_space<semaphore_mem>>) attributes {dimension_semantics = [#tpu.dimension_semantics<core_parallel>, #tpu.dimension_semantics<subcore_parallel>], iteration_bounds = array<i64: 2, 16>, scalar_prefetch = 0 : i64, scratch_operands = 5 : i64, tpu.core_type = #tpu.core_type<sc_vector_subcore>, window_params = [{transform_indices = #map}, {transform_indices = #map}]} {
    %mul3A = arith.constant 2 : i32
    %mul3A_0 = arith.muli %arg1, %mul3A : i32
    %add3A = arith.addi %mul3A_0, %arg0 : i32
    %mul3A_1 = arith.constant 32 : i32
    %mul3A_2 = arith.muli %add3A, %mul3A_1 : i32
    %parallel_loop3A = arith.constant 0 : i32
    %parallel_loop3A_3 = arith.constant 2048 : i32
    %parallel_loop3A_4 = arith.constant 1 : i32
    scf.for %parallel_loop3A_23 = %parallel_loop3A to %parallel_loop3A_3 step %parallel_loop3A_4  : i32 {
      %parallel_loop3A_24 = arith.constant 0 : i32
      %parallel_loop3A_25 = vector.broadcast %parallel_loop3A_24 : i32 to vector<16xi32>
      %parallel_loop3A_26 = arith.constant 16 : i32
      %parallel_loop3A_27 = arith.muli %parallel_loop3A_23, %parallel_loop3A_26 : i32
      %parallel_loop3A_28 = arith.index_cast %parallel_loop3A_27 : i32 to index
      %parallel_loop3A_29 = tpu.vector_load %arg6[%parallel_loop3A_28] {strides = array<i32>} : memref<32768xi32, #tpu.memory_space<vmem>>, vector<16xi32>,
      tpu.vector_store %arg6[%parallel_loop3A_28], %parallel_loop3A_25 {strides = array<i32>} : memref<32768xi32, #tpu.memory_space<vmem>>, vector<16xi32>,
    } {sc.loop_unroll_factor = 16 : i64, sc.parallel_access}
    %broadcast_in_dim3A = arith.constant 1 : i32
    %broadcast_in_dim3A_5 = vector.broadcast %broadcast_in_dim3A : i32 to vector<16xi32>
    %add3A_6 = arith.constant 0 : i32
    %add3A_7 = arith.addi %mul3A_2, %add3A_6 : i32
    %dma_start3A = arith.constant 0 : i32
    %dma_start3A_8 = tpu.memref_slice %arg2[%add3A_7, %dma_start3A] : memref<1024x4096xi32, #tpu.memory_space<hbm>> -> memref<4x4096xi32, #tpu.memory_space<hbm>>
    %dma_start3A_9 = arith.constant 0 : i32
    %dma_start3A_10 = tpu.memref_slice %arg2[%add3A_7, %dma_start3A_9] : memref<1024x4096xi32, #tpu.memory_space<hbm>> -> memref<4x4096xi32, #tpu.memory_space<hbm>>
    tpu.enqueue_dma source(%dma_start3A_10 : memref<4x4096xi32, #tpu.memory_space<hbm>>) target(%arg4 : memref<4x4096xi32, #tpu.memory_space<vmem>>) target_semaphore(%arg7 : memref<!tpu.dma_semaphore, #tpu.memory_space<semaphore_mem>>)
    %add3A_11 = arith.constant 4 : i32
    %add3A_12 = arith.addi %mul3A_2, %add3A_11 : i32
    %dma_start3A_13 = arith.constant 0 : i32
    %dma_start3A_14 = tpu.memref_slice %arg2[%add3A_12, %dma_start3A_13] : memref<1024x4096xi32, #tpu.memory_space<hbm>> -> memref<4x4096xi32, #tpu.memory_space<hbm>>
    %dma_start3A_15 = arith.constant 0 : i32
    %dma_start3A_16 = tpu.memref_slice %arg2[%add3A_12, %dma_start3A_15] : memref<1024x4096xi32, #tpu.memory_space<hbm>> -> memref<4x4096xi32, #tpu.memory_space<hbm>>
    tpu.enqueue_dma source(%dma_start3A_16 : memref<4x4096xi32, #tpu.memory_space<hbm>>) target(%arg5 : memref<4x4096xi32, #tpu.memory_space<vmem>>) target_semaphore(%arg8 : memref<!tpu.dma_semaphore, #tpu.memory_space<semaphore_mem>>)
    %scan3A = arith.constant 0 : i32
    %scan3A_17 = arith.constant 0 : i32
    %scan3A_18 = arith.constant 4 : i32
    %scan3A_19 = arith.addi %scan3A_17, %scan3A_18 : i32
    %scan3A_20 = arith.constant 1 : i32
    %scan3A_21 = scf.for %scan3A_23 = %scan3A_17 to %scan3A_19 step %scan3A_20 iter_args(%scan3A_24 = %scan3A) -> (i32)  : i32 {
      %mul3A_25 = arith.constant 2 : i32
      %mul3A_26 = arith.muli %scan3A_23, %mul3A_25 : i32
      %add3A_27 = arith.constant 0 : i32
      %add3A_28 = arith.addi %mul3A_26, %add3A_27 : i32
      %mul3A_29 = arith.constant 4 : i32
      %mul3A_30 = arith.muli %add3A_28, %mul3A_29 : i32
      %add3A_31 = arith.addi %mul3A_2, %mul3A_30 : i32
      %dma_wait3A = arith.constant 0 : i32
      %dma_wait3A_32 = tpu.memref_slice %arg2[%add3A_31, %dma_wait3A] : memref<1024x4096xi32, #tpu.memory_space<hbm>> -> memref<4x4096xi32, #tpu.memory_space<hbm>>
      %dma_wait3A_33 = arith.constant 0 : i32
      %dma_wait3A_34 = tpu.memref_slice %arg2[%add3A_31, %dma_wait3A_33] : memref<1024x4096xi32, #tpu.memory_space<hbm>> -> memref<4x4096xi32, #tpu.memory_space<hbm>>
      tpu.wait_dma2 semaphore(%arg7 : memref<!tpu.dma_semaphore, #tpu.memory_space<semaphore_mem>>) src(%dma_wait3A_34 : memref<4x4096xi32, #tpu.memory_space<hbm>>) dst(%arg4 : memref<4x4096xi32, #tpu.memory_space<vmem>>)
      %parallel_loop3A_35 = arith.constant 0 : i32
      %parallel_loop3A_36 = arith.constant 256 : i32
      %parallel_loop3A_37 = arith.constant 1 : i32
      scf.for %parallel_loop3A_82 = %parallel_loop3A_35 to %parallel_loop3A_36 step %parallel_loop3A_37  : i32 {
        %parallel_loop3A_83 = arith.constant 16 : i32
        %parallel_loop3A_84 = arith.muli %parallel_loop3A_82, %parallel_loop3A_83 : i32
        %parallel_loop3A_85 = arith.constant 0 : i32
        %parallel_loop3A_86 = arith.index_cast %parallel_loop3A_85 : i32 to index
        %parallel_loop3A_87 = arith.index_cast %parallel_loop3A_84 : i32 to index
        %parallel_loop3A_88 = tpu.vector_load %arg4[%parallel_loop3A_86, %parallel_loop3A_87] {strides = array<i32>} : memref<4x4096xi32, #tpu.memory_space<vmem>>, vector<16xi32>,
        %parallel_loop3A_89 = arith.constant 16 : i32
        %parallel_loop3A_90 = vector.broadcast %parallel_loop3A_89 : i32 to vector<16xi32>
        %parallel_loop3A_91 = arith.shrui %parallel_loop3A_88, %parallel_loop3A_90 : vector<16xi32>
        %parallel_loop3A_92 = arith.constant 0 : i32
        %parallel_loop3A_93 = vector.broadcast %parallel_loop3A_92 : i32 to vector<16xi32>
        %parallel_loop3A_94 = arith.cmpi sgt, %parallel_loop3A_91, %parallel_loop3A_93 : vector<16xi32>
        tpu.vector_store_idx %arg6[%parallel_loop3A_91], %broadcast_in_dim3A_5 masked %parallel_loop3A_94 {add = true} : memref<32768xi32, #tpu.memory_space<vmem>>[vector<16xi32>], vector<16xi32>, vector<16xi1>
      } {sc.loop_unroll_factor = 16 : i64, sc.parallel_access}
      %parallel_loop3A_38 = arith.constant 0 : i32
      %parallel_loop3A_39 = arith.constant 256 : i32
      %parallel_loop3A_40 = arith.constant 1 : i32
      scf.for %parallel_loop3A_82 = %parallel_loop3A_38 to %parallel_loop3A_39 step %parallel_loop3A_40  : i32 {
        %parallel_loop3A_83 = arith.constant 16 : i32
        %parallel_loop3A_84 = arith.muli %parallel_loop3A_82, %parallel_loop3A_83 : i32
        %parallel_loop3A_85 = arith.constant 1 : i32
        %parallel_loop3A_86 = arith.index_cast %parallel_loop3A_85 : i32 to index
        %parallel_loop3A_87 = arith.index_cast %parallel_loop3A_84 : i32 to index
        %parallel_loop3A_88 = tpu.vector_load %arg4[%parallel_loop3A_86, %parallel_loop3A_87] {strides = array<i32>} : memref<4x4096xi32, #tpu.memory_space<vmem>>, vector<16xi32>,
        %parallel_loop3A_89 = arith.constant 16 : i32
        %parallel_loop3A_90 = vector.broadcast %parallel_loop3A_89 : i32 to vector<16xi32>
        %parallel_loop3A_91 = arith.shrui %parallel_loop3A_88, %parallel_loop3A_90 : vector<16xi32>
        %parallel_loop3A_92 = arith.constant 0 : i32
        %parallel_loop3A_93 = vector.broadcast %parallel_loop3A_92 : i32 to vector<16xi32>
        %parallel_loop3A_94 = arith.cmpi sgt, %parallel_loop3A_91, %parallel_loop3A_93 : vector<16xi32>
        tpu.vector_store_idx %arg6[%parallel_loop3A_91], %broadcast_in_dim3A_5 masked %parallel_loop3A_94 {add = true} : memref<32768xi32, #tpu.memory_space<vmem>>[vector<16xi32>], vector<16xi32>, vector<16xi1>
      } {sc.loop_unroll_factor = 16 : i64, sc.parallel_access}
      %parallel_loop3A_41 = arith.constant 0 : i32
      %parallel_loop3A_42 = arith.constant 256 : i32
      %parallel_loop3A_43 = arith.constant 1 : i32
      scf.for %parallel_loop3A_82 = %parallel_loop3A_41 to %parallel_loop3A_42 step %parallel_loop3A_43  : i32 {
        %parallel_loop3A_83 = arith.constant 16 : i32
        %parallel_loop3A_84 = arith.muli %parallel_loop3A_82, %parallel_loop3A_83 : i32
        %parallel_loop3A_85 = arith.constant 2 : i32
        %parallel_loop3A_86 = arith.index_cast %parallel_loop3A_85 : i32 to index
        %parallel_loop3A_87 = arith.index_cast %parallel_loop3A_84 : i32 to index
        %parallel_loop3A_88 = tpu.vector_load %arg4[%parallel_loop3A_86, %parallel_loop3A_87] {strides = array<i32>} : memref<4x4096xi32, #tpu.memory_space<vmem>>, vector<16xi32>,
        %parallel_loop3A_89 = arith.constant 16 : i32
        %parallel_loop3A_90 = vector.broadcast %parallel_loop3A_89 : i32 to vector<16xi32>
        %parallel_loop3A_91 = arith.shrui %parallel_loop3A_88, %parallel_loop3A_90 : vector<16xi32>
        %parallel_loop3A_92 = arith.constant 0 : i32
        %parallel_loop3A_93 = vector.broadcast %parallel_loop3A_92 : i32 to vector<16xi32>
        %parallel_loop3A_94 = arith.cmpi sgt, %parallel_loop3A_91, %parallel_loop3A_93 : vector<16xi32>
        tpu.vector_store_idx %arg6[%parallel_loop3A_91], %broadcast_in_dim3A_5 masked %parallel_loop3A_94 {add = true} : memref<32768xi32, #tpu.memory_space<vmem>>[vector<16xi32>], vector<16xi32>, vector<16xi1>
      } {sc.loop_unroll_factor = 16 : i64, sc.parallel_access}
      %parallel_loop3A_44 = arith.constant 0 : i32
      %parallel_loop3A_45 = arith.constant 256 : i32
      %parallel_loop3A_46 = arith.constant 1 : i32
      scf.for %parallel_loop3A_82 = %parallel_loop3A_44 to %parallel_loop3A_45 step %parallel_loop3A_46  : i32 {
        %parallel_loop3A_83 = arith.constant 16 : i32
        %parallel_loop3A_84 = arith.muli %parallel_loop3A_82, %parallel_loop3A_83 : i32
        %parallel_loop3A_85 = arith.constant 3 : i32
        %parallel_loop3A_86 = arith.index_cast %parallel_loop3A_85 : i32 to index
        %parallel_loop3A_87 = arith.index_cast %parallel_loop3A_84 : i32 to index
        %parallel_loop3A_88 = tpu.vector_load %arg4[%parallel_loop3A_86, %parallel_loop3A_87] {strides = array<i32>} : memref<4x4096xi32, #tpu.memory_space<vmem>>, vector<16xi32>,
        %parallel_loop3A_89 = arith.constant 16 : i32
        %parallel_loop3A_90 = vector.broadcast %parallel_loop3A_89 : i32 to vector<16xi32>
        %parallel_loop3A_91 = arith.shrui %parallel_loop3A_88, %parallel_loop3A_90 : vector<16xi32>
        %parallel_loop3A_92 = arith.constant 0 : i32
        %parallel_loop3A_93 = vector.broadcast %parallel_loop3A_92 : i32 to vector<16xi32>
        %parallel_loop3A_94 = arith.cmpi sgt, %parallel_loop3A_91, %parallel_loop3A_93 : vector<16xi32>
        tpu.vector_store_idx %arg6[%parallel_loop3A_91], %broadcast_in_dim3A_5 masked %parallel_loop3A_94 {add = true} : memref<32768xi32, #tpu.memory_space<vmem>>[vector<16xi32>], vector<16xi32>, vector<16xi1>
      } {sc.loop_unroll_factor = 16 : i64, sc.parallel_access}
      %add3A_47 = arith.constant 2 : i32
      %add3A_48 = arith.addi %add3A_28, %add3A_47 : i32
      %lt3A = arith.constant 8 : i32
      %lt3A_49 = arith.cmpi slt, %add3A_48, %lt3A : i32
      %convert_element_type3A = arith.extui %lt3A_49 : i1 to i32
      %cond3A = arith.constant 0 : i32
      %cond3A_50 = arith.cmpi ne, %convert_element_type3A, %cond3A : i32
      scf.if %cond3A_50 {
        %add3A_82 = arith.constant 2 : i32
        %add3A_83 = arith.addi %add3A_28, %add3A_82 : i32
        %mul3A_84 = arith.constant 4 : i32
        %mul3A_85 = arith.muli %add3A_83, %mul3A_84 : i32
        %add3A_86 = arith.addi %mul3A_2, %mul3A_85 : i32
        %dma_start3A_87 = arith.constant 0 : i32
        %dma_start3A_88 = tpu.memref_slice %arg2[%add3A_86, %dma_start3A_87] : memref<1024x4096xi32, #tpu.memory_space<hbm>> -> memref<4x4096xi32, #tpu.memory_space<hbm>>
        %dma_start3A_89 = arith.constant 0 : i32
        %dma_start3A_90 = tpu.memref_slice %arg2[%add3A_86, %dma_start3A_89] : memref<1024x4096xi32, #tpu.memory_space<hbm>> -> memref<4x4096xi32, #tpu.memory_space<hbm>>
        tpu.enqueue_dma source(%dma_start3A_90 : memref<4x4096xi32, #tpu.memory_space<hbm>>) target(%arg4 : memref<4x4096xi32, #tpu.memory_space<vmem>>) target_semaphore(%arg7 : memref<!tpu.dma_semaphore, #tpu.memory_space<semaphore_mem>>)
      } else {
      }
      %mul3A_51 = arith.constant 2 : i32
      %mul3A_52 = arith.muli %scan3A_23, %mul3A_51 : i32
      %add3A_53 = arith.constant 1 : i32
      %add3A_54 = arith.addi %mul3A_52, %add3A_53 : i32
      %mul3A_55 = arith.constant 4 : i32
      %mul3A_56 = arith.muli %add3A_54, %mul3A_55 : i32
      %add3A_57 = arith.addi %mul3A_2, %mul3A_56 : i32
      %dma_wait3A_58 = arith.constant 0 : i32
      %dma_wait3A_59 = tpu.memref_slice %arg2[%add3A_57, %dma_wait3A_58] : memref<1024x4096xi32, #tpu.memory_space<hbm>> -> memref<4x4096xi32, #tpu.memory_space<hbm>>
      %dma_wait3A_60 = arith.constant 0 : i32
      %dma_wait3A_61 = tpu.memref_slice %arg2[%add3A_57, %dma_wait3A_60] : memref<1024x4096xi32, #tpu.memory_space<hbm>> -> memref<4x4096xi32, #tpu.memory_space<hbm>>
      tpu.wait_dma2 semaphore(%arg8 : memref<!tpu.dma_semaphore, #tpu.memory_space<semaphore_mem>>) src(%dma_wait3A_61 : memref<4x4096xi32, #tpu.memory_space<hbm>>) dst(%arg5 : memref<4x4096xi32, #tpu.memory_space<vmem>>)
      %parallel_loop3A_62 = arith.constant 0 : i32
      %parallel_loop3A_63 = arith.constant 256 : i32
      %parallel_loop3A_64 = arith.constant 1 : i32
      scf.for %parallel_loop3A_82 = %parallel_loop3A_62 to %parallel_loop3A_63 step %parallel_loop3A_64  : i32 {
        %parallel_loop3A_83 = arith.constant 16 : i32
        %parallel_loop3A_84 = arith.muli %parallel_loop3A_82, %parallel_loop3A_83 : i32
        %parallel_loop3A_85 = arith.constant 0 : i32
        %parallel_loop3A_86 = arith.index_cast %parallel_loop3A_85 : i32 to index
        %parallel_loop3A_87 = arith.index_cast %parallel_loop3A_84 : i32 to index
        %parallel_loop3A_88 = tpu.vector_load %arg5[%parallel_loop3A_86, %parallel_loop3A_87] {strides = array<i32>} : memref<4x4096xi32, #tpu.memory_space<vmem>>, vector<16xi32>,
        %parallel_loop3A_89 = arith.constant 16 : i32
        %parallel_loop3A_90 = vector.broadcast %parallel_loop3A_89 : i32 to vector<16xi32>
        %parallel_loop3A_91 = arith.shrui %parallel_loop3A_88, %parallel_loop3A_90 : vector<16xi32>
        %parallel_loop3A_92 = arith.constant 0 : i32
        %parallel_loop3A_93 = vector.broadcast %parallel_loop3A_92 : i32 to vector<16xi32>
        %parallel_loop3A_94 = arith.cmpi sgt, %parallel_loop3A_91, %parallel_loop3A_93 : vector<16xi32>
        tpu.vector_store_idx %arg6[%parallel_loop3A_91], %broadcast_in_dim3A_5 masked %parallel_loop3A_94 {add = true} : memref<32768xi32, #tpu.memory_space<vmem>>[vector<16xi32>], vector<16xi32>, vector<16xi1>
      } {sc.loop_unroll_factor = 16 : i64, sc.parallel_access}
      %parallel_loop3A_65 = arith.constant 0 : i32
      %parallel_loop3A_66 = arith.constant 256 : i32
      %parallel_loop3A_67 = arith.constant 1 : i32
      scf.for %parallel_loop3A_82 = %parallel_loop3A_65 to %parallel_loop3A_66 step %parallel_loop3A_67  : i32 {
        %parallel_loop3A_83 = arith.constant 16 : i32
        %parallel_loop3A_84 = arith.muli %parallel_loop3A_82, %parallel_loop3A_83 : i32
        %parallel_loop3A_85 = arith.constant 1 : i32
        %parallel_loop3A_86 = arith.index_cast %parallel_loop3A_85 : i32 to index
        %parallel_loop3A_87 = arith.index_cast %parallel_loop3A_84 : i32 to index
        %parallel_loop3A_88 = tpu.vector_load %arg5[%parallel_loop3A_86, %parallel_loop3A_87] {strides = array<i32>} : memref<4x4096xi32, #tpu.memory_space<vmem>>, vector<16xi32>,
        %parallel_loop3A_89 = arith.constant 16 : i32
        %parallel_loop3A_90 = vector.broadcast %parallel_loop3A_89 : i32 to vector<16xi32>
        %parallel_loop3A_91 = arith.shrui %parallel_loop3A_88, %parallel_loop3A_90 : vector<16xi32>
        %parallel_loop3A_92 = arith.constant 0 : i32
        %parallel_loop3A_93 = vector.broadcast %parallel_loop3A_92 : i32 to vector<16xi32>
        %parallel_loop3A_94 = arith.cmpi sgt, %parallel_loop3A_91, %parallel_loop3A_93 : vector<16xi32>
        tpu.vector_store_idx %arg6[%parallel_loop3A_91], %broadcast_in_dim3A_5 masked %parallel_loop3A_94 {add = true} : memref<32768xi32, #tpu.memory_space<vmem>>[vector<16xi32>], vector<16xi32>, vector<16xi1>
      } {sc.loop_unroll_factor = 16 : i64, sc.parallel_access}
      %parallel_loop3A_68 = arith.constant 0 : i32
      %parallel_loop3A_69 = arith.constant 256 : i32
      %parallel_loop3A_70 = arith.constant 1 : i32
      scf.for %parallel_loop3A_82 = %parallel_loop3A_68 to %parallel_loop3A_69 step %parallel_loop3A_70  : i32 {
        %parallel_loop3A_83 = arith.constant 16 : i32
        %parallel_loop3A_84 = arith.muli %parallel_loop3A_82, %parallel_loop3A_83 : i32
        %parallel_loop3A_85 = arith.constant 2 : i32
        %parallel_loop3A_86 = arith.index_cast %parallel_loop3A_85 : i32 to index
        %parallel_loop3A_87 = arith.index_cast %parallel_loop3A_84 : i32 to index
        %parallel_loop3A_88 = tpu.vector_load %arg5[%parallel_loop3A_86, %parallel_loop3A_87] {strides = array<i32>} : memref<4x4096xi32, #tpu.memory_space<vmem>>, vector<16xi32>,
        %parallel_loop3A_89 = arith.constant 16 : i32
        %parallel_loop3A_90 = vector.broadcast %parallel_loop3A_89 : i32 to vector<16xi32>
        %parallel_loop3A_91 = arith.shrui %parallel_loop3A_88, %parallel_loop3A_90 : vector<16xi32>
        %parallel_loop3A_92 = arith.constant 0 : i32
        %parallel_loop3A_93 = vector.broadcast %parallel_loop3A_92 : i32 to vector<16xi32>
        %parallel_loop3A_94 = arith.cmpi sgt, %parallel_loop3A_91, %parallel_loop3A_93 : vector<16xi32>
        tpu.vector_store_idx %arg6[%parallel_loop3A_91], %broadcast_in_dim3A_5 masked %parallel_loop3A_94 {add = true} : memref<32768xi32, #tpu.memory_space<vmem>>[vector<16xi32>], vector<16xi32>, vector<16xi1>
      } {sc.loop_unroll_factor = 16 : i64, sc.parallel_access}
      %parallel_loop3A_71 = arith.constant 0 : i32
      %parallel_loop3A_72 = arith.constant 256 : i32
      %parallel_loop3A_73 = arith.constant 1 : i32
      scf.for %parallel_loop3A_82 = %parallel_loop3A_71 to %parallel_loop3A_72 step %parallel_loop3A_73  : i32 {
        %parallel_loop3A_83 = arith.constant 16 : i32
        %parallel_loop3A_84 = arith.muli %parallel_loop3A_82, %parallel_loop3A_83 : i32
        %parallel_loop3A_85 = arith.constant 3 : i32
        %parallel_loop3A_86 = arith.index_cast %parallel_loop3A_85 : i32 to index
        %parallel_loop3A_87 = arith.index_cast %parallel_loop3A_84 : i32 to index
        %parallel_loop3A_88 = tpu.vector_load %arg5[%parallel_loop3A_86, %parallel_loop3A_87] {strides = array<i32>} : memref<4x4096xi32, #tpu.memory_space<vmem>>, vector<16xi32>,
        %parallel_loop3A_89 = arith.constant 16 : i32
        %parallel_loop3A_90 = vector.broadcast %parallel_loop3A_89 : i32 to vector<16xi32>
        %parallel_loop3A_91 = arith.shrui %parallel_loop3A_88, %parallel_loop3A_90 : vector<16xi32>
        %parallel_loop3A_92 = arith.constant 0 : i32
        %parallel_loop3A_93 = vector.broadcast %parallel_loop3A_92 : i32 to vector<16xi32>
        %parallel_loop3A_94 = arith.cmpi sgt, %parallel_loop3A_91, %parallel_loop3A_93 : vector<16xi32>
        tpu.vector_store_idx %arg6[%parallel_loop3A_91], %broadcast_in_dim3A_5 masked %parallel_loop3A_94 {add = true} : memref<32768xi32, #tpu.memory_space<vmem>>[vector<16xi32>], vector<16xi32>, vector<16xi1>
      } {sc.loop_unroll_factor = 16 : i64, sc.parallel_access}
      %add3A_74 = arith.constant 2 : i32
      %add3A_75 = arith.addi %add3A_54, %add3A_74 : i32
      %lt3A_76 = arith.constant 8 : i32
      %lt3A_77 = arith.cmpi slt, %add3A_75, %lt3A_76 : i32
      %convert_element_type3A_78 = arith.extui %lt3A_77 : i1 to i32
      %cond3A_79 = arith.constant 0 : i32
      %cond3A_80 = arith.cmpi ne, %convert_element_type3A_78, %cond3A_79 : i32
      scf.if %cond3A_80 {
        %add3A_82 = arith.constant 2 : i32
        %add3A_83 = arith.addi %add3A_54, %add3A_82 : i32
        %mul3A_84 = arith.constant 4 : i32
        %mul3A_85 = arith.muli %add3A_83, %mul3A_84 : i32
        %add3A_86 = arith.addi %mul3A_2, %mul3A_85 : i32
        %dma_start3A_87 = arith.constant 0 : i32
        %dma_start3A_88 = tpu.memref_slice %arg2[%add3A_86, %dma_start3A_87] : memref<1024x4096xi32, #tpu.memory_space<hbm>> -> memref<4x4096xi32, #tpu.memory_space<hbm>>
        %dma_start3A_89 = arith.constant 0 : i32
        %dma_start3A_90 = tpu.memref_slice %arg2[%add3A_86, %dma_start3A_89] : memref<1024x4096xi32, #tpu.memory_space<hbm>> -> memref<4x4096xi32, #tpu.memory_space<hbm>>
        tpu.enqueue_dma source(%dma_start3A_90 : memref<4x4096xi32, #tpu.memory_space<hbm>>) target(%arg5 : memref<4x4096xi32, #tpu.memory_space<vmem>>) target_semaphore(%arg8 : memref<!tpu.dma_semaphore, #tpu.memory_space<semaphore_mem>>)
      } else {
      }
      %scan3A_81 = arith.constant 0 : i32
      scf.yield %scan3A_81 : i32
    }
    %scan3A_22 = arith.constant 4 : i32
    "tpu.region"() ({
      %run_scoped3A = tpu.sem_alloc : memref<!tpu.dma_semaphore, #tpu.memory_space<semaphore_mem>>
      %dma_start3A_23 = arith.constant 0 : i32
      %dma_start3A_24 = tpu.memref_slice %arg3[%add3A, %dma_start3A_23] : memref<32x32768xi32, #tpu.memory_space<hbm>> -> memref<1x32768xi32, #tpu.memory_space<hbm>>
      %dma_start3A_25 = tpu.memref_squeeze %dma_start3A_24 : memref<1x32768xi32, #tpu.memory_space<hbm>> -> memref<32768xi32, #tpu.memory_space<hbm>>
      %dma_start3A_26 = arith.constant 0 : i32
      %dma_start3A_27 = tpu.memref_slice %arg3[%add3A, %dma_start3A_26] : memref<32x32768xi32, #tpu.memory_space<hbm>> -> memref<1x32768xi32, #tpu.memory_space<hbm>>
      %dma_start3A_28 = tpu.memref_squeeze %dma_start3A_27 : memref<1x32768xi32, #tpu.memory_space<hbm>> -> memref<32768xi32, #tpu.memory_space<hbm>>
      tpu.enqueue_dma source(%arg6 : memref<32768xi32, #tpu.memory_space<vmem>>) target(%dma_start3A_28 : memref<32768xi32, #tpu.memory_space<hbm>>) target_semaphore(%run_scoped3A : memref<!tpu.dma_semaphore, #tpu.memory_space<semaphore_mem>>)
      %dma_wait3A = arith.constant 0 : i32
      %dma_wait3A_29 = tpu.memref_slice %arg3[%add3A, %dma_wait3A] : memref<32x32768xi32, #tpu.memory_space<hbm>> -> memref<1x32768xi32, #tpu.memory_space<hbm>>
      %dma_wait3A_30 = tpu.memref_squeeze %dma_wait3A_29 : memref<1x32768xi32, #tpu.memory_space<hbm>> -> memref<32768xi32, #tpu.memory_space<hbm>>
      %dma_wait3A_31 = arith.constant 0 : i32
      %dma_wait3A_32 = tpu.memref_slice %arg3[%add3A, %dma_wait3A_31] : memref<32x32768xi32, #tpu.memory_space<hbm>> -> memref<1x32768xi32, #tpu.memory_space<hbm>>
      %dma_wait3A_33 = tpu.memref_squeeze %dma_wait3A_32 : memref<1x32768xi32, #tpu.memory_space<hbm>> -> memref<32768xi32, #tpu.memory_space<hbm>>
      tpu.wait_dma2 semaphore(%run_scoped3A : memref<!tpu.dma_semaphore, #tpu.memory_space<semaphore_mem>>) src(%arg6 : memref<32768xi32, #tpu.memory_space<vmem>>) dst(%dma_wait3A_33 : memref<32768xi32, #tpu.memory_space<hbm>>)
      tpu.yield
    }) : () -> ()
    return
  }
}

#map = affine_map<(d0, d1) -> (0, 0)>
#map1 = affine_map<(d0, d1) -> (0)>
module attributes {stable_mosaic.version = 14 : i64} {
  func.func @_hist_lo(%arg0: i32, %arg1: i32, %arg2: memref<1024x4096xi32, #tpu.memory_space<hbm>>, %arg3: memref<16xi32, #tpu.memory_space<hbm>>, %arg4: memref<32x65536xi32, #tpu.memory_space<hbm>>, %arg5: memref<32x16xf32, #tpu.memory_space<hbm>>, %arg6: memref<4x4096xi32, #tpu.memory_space<vmem>>, %arg7: memref<4x4096xi32, #tpu.memory_space<vmem>>, %arg8: memref<65536xi32, #tpu.memory_space<vmem>>, %arg9: memref<16xi32, #tpu.memory_space<vmem>>, %arg10: memref<16xf32, #tpu.memory_space<vmem>>, %arg11: memref<!tpu.dma_semaphore, #tpu.memory_space<semaphore_mem>>, %arg12: memref<!tpu.dma_semaphore, #tpu.memory_space<semaphore_mem>>) attributes {dimension_semantics = [#tpu.dimension_semantics<core_parallel>, #tpu.dimension_semantics<subcore_parallel>], iteration_bounds = array<i64: 2, 16>, scalar_prefetch = 0 : i64, scratch_operands = 7 : i64, tpu.core_type = #tpu.core_type<sc_vector_subcore>, window_params = [{transform_indices = #map}, {transform_indices = #map1}, {transform_indices = #map}, {transform_indices = #map}]} {
    %mul3A = arith.constant 2 : i32
    %mul3A_0 = arith.muli %arg1, %mul3A : i32
    %add3A = arith.addi %mul3A_0, %arg0 : i32
    %mul3A_1 = arith.constant 32 : i32
    %mul3A_2 = arith.muli %add3A, %mul3A_1 : i32
    "tpu.region"() ({
      %run_scoped3A = tpu.sem_alloc : memref<!tpu.dma_semaphore, #tpu.memory_space<semaphore_mem>>
      tpu.enqueue_dma source(%arg3 : memref<16xi32, #tpu.memory_space<hbm>>) target(%arg9 : memref<16xi32, #tpu.memory_space<vmem>>) target_semaphore(%run_scoped3A : memref<!tpu.dma_semaphore, #tpu.memory_space<semaphore_mem>>)
      tpu.wait_dma2 semaphore(%run_scoped3A : memref<!tpu.dma_semaphore, #tpu.memory_space<semaphore_mem>>) src(%arg3 : memref<16xi32, #tpu.memory_space<hbm>>) dst(%arg9 : memref<16xi32, #tpu.memory_space<vmem>>)
      tpu.yield
    }) : () -> ()
    %get3A = arith.constant 0 : index
    %get3A_3 = tpu.vector_load %arg9[%get3A] {strides = array<i32>} : memref<16xi32, #tpu.memory_space<vmem>>, vector<16xi32>,
    %parallel_loop3A = arith.constant 0 : i32
    %parallel_loop3A_4 = arith.constant 4096 : i32
    %parallel_loop3A_5 = arith.constant 1 : i32
    scf.for %parallel_loop3A_27 = %parallel_loop3A to %parallel_loop3A_4 step %parallel_loop3A_5  : i32 {
      %parallel_loop3A_28 = arith.constant 0 : i32
      %parallel_loop3A_29 = vector.broadcast %parallel_loop3A_28 : i32 to vector<16xi32>
      %parallel_loop3A_30 = arith.constant 16 : i32
      %parallel_loop3A_31 = arith.muli %parallel_loop3A_27, %parallel_loop3A_30 : i32
      %parallel_loop3A_32 = arith.index_cast %parallel_loop3A_31 : i32 to index
      %parallel_loop3A_33 = tpu.vector_load %arg8[%parallel_loop3A_32] {strides = array<i32>} : memref<65536xi32, #tpu.memory_space<vmem>>, vector<16xi32>,
      tpu.vector_store %arg8[%parallel_loop3A_32], %parallel_loop3A_29 {strides = array<i32>} : memref<65536xi32, #tpu.memory_space<vmem>>, vector<16xi32>,
    } {sc.loop_unroll_factor = 16 : i64, sc.parallel_access}
    %broadcast_in_dim3A = arith.constant 1 : i32
    %broadcast_in_dim3A_6 = vector.broadcast %broadcast_in_dim3A : i32 to vector<16xi32>
    %add3A_7 = arith.constant 0 : i32
    %add3A_8 = arith.addi %mul3A_2, %add3A_7 : i32
    %dma_start3A = arith.constant 0 : i32
    %dma_start3A_9 = tpu.memref_slice %arg2[%add3A_8, %dma_start3A] : memref<1024x4096xi32, #tpu.memory_space<hbm>> -> memref<4x4096xi32, #tpu.memory_space<hbm>>
    %dma_start3A_10 = arith.constant 0 : i32
    %dma_start3A_11 = tpu.memref_slice %arg2[%add3A_8, %dma_start3A_10] : memref<1024x4096xi32, #tpu.memory_space<hbm>> -> memref<4x4096xi32, #tpu.memory_space<hbm>>
    tpu.enqueue_dma source(%dma_start3A_11 : memref<4x4096xi32, #tpu.memory_space<hbm>>) target(%arg6 : memref<4x4096xi32, #tpu.memory_space<vmem>>) target_semaphore(%arg11 : memref<!tpu.dma_semaphore, #tpu.memory_space<semaphore_mem>>)
    %add3A_12 = arith.constant 4 : i32
    %add3A_13 = arith.addi %mul3A_2, %add3A_12 : i32
    %dma_start3A_14 = arith.constant 0 : i32
    %dma_start3A_15 = tpu.memref_slice %arg2[%add3A_13, %dma_start3A_14] : memref<1024x4096xi32, #tpu.memory_space<hbm>> -> memref<4x4096xi32, #tpu.memory_space<hbm>>
    %dma_start3A_16 = arith.constant 0 : i32
    %dma_start3A_17 = tpu.memref_slice %arg2[%add3A_13, %dma_start3A_16] : memref<1024x4096xi32, #tpu.memory_space<hbm>> -> memref<4x4096xi32, #tpu.memory_space<hbm>>
    tpu.enqueue_dma source(%dma_start3A_17 : memref<4x4096xi32, #tpu.memory_space<hbm>>) target(%arg7 : memref<4x4096xi32, #tpu.memory_space<vmem>>) target_semaphore(%arg12 : memref<!tpu.dma_semaphore, #tpu.memory_space<semaphore_mem>>)
    %broadcast_in_dim3A_18 = arith.constant 0.000000e+00 : f32
    %broadcast_in_dim3A_19 = vector.broadcast %broadcast_in_dim3A_18 : f32 to vector<16xf32>
    %scan3A = arith.constant 65535 : i32
    %scan3A_20 = arith.constant 0 : i32
    %scan3A_21 = arith.constant 4 : i32
    %scan3A_22 = arith.addi %scan3A_20, %scan3A_21 : i32
    %scan3A_23 = arith.constant 1 : i32
    %scan3A_24 = scf.for %scan3A_27 = %scan3A_20 to %scan3A_22 step %scan3A_23 iter_args(%scan3A_28 = %broadcast_in_dim3A_19) -> (vector<16xf32>)  : i32 {
      %mul3A_29 = arith.constant 2 : i32
      %mul3A_30 = arith.muli %scan3A_27, %mul3A_29 : i32
      %add3A_31 = arith.constant 0 : i32
      %add3A_32 = arith.addi %mul3A_30, %add3A_31 : i32
      %mul3A_33 = arith.constant 4 : i32
      %mul3A_34 = arith.muli %add3A_32, %mul3A_33 : i32
      %add3A_35 = arith.addi %mul3A_2, %mul3A_34 : i32
      %dma_wait3A = arith.constant 0 : i32
      %dma_wait3A_36 = tpu.memref_slice %arg2[%add3A_35, %dma_wait3A] : memref<1024x4096xi32, #tpu.memory_space<hbm>> -> memref<4x4096xi32, #tpu.memory_space<hbm>>
      %dma_wait3A_37 = arith.constant 0 : i32
      %dma_wait3A_38 = tpu.memref_slice %arg2[%add3A_35, %dma_wait3A_37] : memref<1024x4096xi32, #tpu.memory_space<hbm>> -> memref<4x4096xi32, #tpu.memory_space<hbm>>
      tpu.wait_dma2 semaphore(%arg11 : memref<!tpu.dma_semaphore, #tpu.memory_space<semaphore_mem>>) src(%dma_wait3A_38 : memref<4x4096xi32, #tpu.memory_space<hbm>>) dst(%arg6 : memref<4x4096xi32, #tpu.memory_space<vmem>>)
      %parallel_loop3A_39 = arith.constant 0 : i32
      %parallel_loop3A_40 = arith.constant 256 : i32
      %parallel_loop3A_41 = arith.constant 1 : i32
      %parallel_loop3A_42 = scf.for %parallel_loop3A_93 = %parallel_loop3A_39 to %parallel_loop3A_40 step %parallel_loop3A_41 iter_args(%parallel_loop3A_94 = %scan3A_28) -> (vector<16xf32>)  : i32 {
        %parallel_loop3A_95 = arith.constant 16 : i32
        %parallel_loop3A_96 = arith.muli %parallel_loop3A_93, %parallel_loop3A_95 : i32
        %parallel_loop3A_97 = arith.constant 0 : i32
        %parallel_loop3A_98 = arith.index_cast %parallel_loop3A_97 : i32 to index
        %parallel_loop3A_99 = arith.index_cast %parallel_loop3A_96 : i32 to index
        %parallel_loop3A_100 = tpu.vector_load %arg6[%parallel_loop3A_98, %parallel_loop3A_99] {strides = array<i32>} : memref<4x4096xi32, #tpu.memory_space<vmem>>, vector<16xi32>,
        %parallel_loop3A_101 = arith.constant 16 : i32
        %parallel_loop3A_102 = vector.broadcast %parallel_loop3A_101 : i32 to vector<16xi32>
        %parallel_loop3A_103 = arith.shrui %parallel_loop3A_100, %parallel_loop3A_102 : vector<16xi32>
        %parallel_loop3A_104 = arith.cmpi eq, %parallel_loop3A_103, %get3A_3 : vector<16xi32>
        %parallel_loop3A_105 = vector.broadcast %scan3A : i32 to vector<16xi32>
        %parallel_loop3A_106 = arith.andi %parallel_loop3A_100, %parallel_loop3A_105 : vector<16xi32>
        tpu.vector_store_idx %arg8[%parallel_loop3A_106], %broadcast_in_dim3A_6 masked %parallel_loop3A_104 {add = true} : memref<65536xi32, #tpu.memory_space<vmem>>[vector<16xi32>], vector<16xi32>, vector<16xi1>
        %parallel_loop3A_107 = vector.bitcast %parallel_loop3A_100 : vector<16xi32> to vector<16xf32>
        %parallel_loop3A_108 = arith.cmpi sgt, %parallel_loop3A_103, %get3A_3 : vector<16xi32>
        %parallel_loop3A_109 = arith.constant 0.000000e+00 : f32
        %parallel_loop3A_110 = vector.broadcast %parallel_loop3A_109 : f32 to vector<16xf32>
        %parallel_loop3A_111 = arith.select %parallel_loop3A_108, %parallel_loop3A_107, %parallel_loop3A_110 : vector<16xi1>, vector<16xf32>
        %parallel_loop3A_112 = arith.addf %parallel_loop3A_94, %parallel_loop3A_111 : vector<16xf32>
        scf.yield %parallel_loop3A_112 : vector<16xf32>
      } {sc.loop_unroll_factor = 16 : i64, sc.parallel_access}
      %parallel_loop3A_43 = arith.constant 0 : i32
      %parallel_loop3A_44 = arith.constant 256 : i32
      %parallel_loop3A_45 = arith.constant 1 : i32
      %parallel_loop3A_46 = scf.for %parallel_loop3A_93 = %parallel_loop3A_43 to %parallel_loop3A_44 step %parallel_loop3A_45 iter_args(%parallel_loop3A_94 = %parallel_loop3A_42) -> (vector<16xf32>)  : i32 {
        %parallel_loop3A_95 = arith.constant 16 : i32
        %parallel_loop3A_96 = arith.muli %parallel_loop3A_93, %parallel_loop3A_95 : i32
        %parallel_loop3A_97 = arith.constant 1 : i32
        %parallel_loop3A_98 = arith.index_cast %parallel_loop3A_97 : i32 to index
        %parallel_loop3A_99 = arith.index_cast %parallel_loop3A_96 : i32 to index
        %parallel_loop3A_100 = tpu.vector_load %arg6[%parallel_loop3A_98, %parallel_loop3A_99] {strides = array<i32>} : memref<4x4096xi32, #tpu.memory_space<vmem>>, vector<16xi32>,
        %parallel_loop3A_101 = arith.constant 16 : i32
        %parallel_loop3A_102 = vector.broadcast %parallel_loop3A_101 : i32 to vector<16xi32>
        %parallel_loop3A_103 = arith.shrui %parallel_loop3A_100, %parallel_loop3A_102 : vector<16xi32>
        %parallel_loop3A_104 = arith.cmpi eq, %parallel_loop3A_103, %get3A_3 : vector<16xi32>
        %parallel_loop3A_105 = vector.broadcast %scan3A : i32 to vector<16xi32>
        %parallel_loop3A_106 = arith.andi %parallel_loop3A_100, %parallel_loop3A_105 : vector<16xi32>
        tpu.vector_store_idx %arg8[%parallel_loop3A_106], %broadcast_in_dim3A_6 masked %parallel_loop3A_104 {add = true} : memref<65536xi32, #tpu.memory_space<vmem>>[vector<16xi32>], vector<16xi32>, vector<16xi1>
        %parallel_loop3A_107 = vector.bitcast %parallel_loop3A_100 : vector<16xi32> to vector<16xf32>
        %parallel_loop3A_108 = arith.cmpi sgt, %parallel_loop3A_103, %get3A_3 : vector<16xi32>
        %parallel_loop3A_109 = arith.constant 0.000000e+00 : f32
        %parallel_loop3A_110 = vector.broadcast %parallel_loop3A_109 : f32 to vector<16xf32>
        %parallel_loop3A_111 = arith.select %parallel_loop3A_108, %parallel_loop3A_107, %parallel_loop3A_110 : vector<16xi1>, vector<16xf32>
        %parallel_loop3A_112 = arith.addf %parallel_loop3A_94, %parallel_loop3A_111 : vector<16xf32>
        scf.yield %parallel_loop3A_112 : vector<16xf32>
      } {sc.loop_unroll_factor = 16 : i64, sc.parallel_access}
      %parallel_loop3A_47 = arith.constant 0 : i32
      %parallel_loop3A_48 = arith.constant 256 : i32
      %parallel_loop3A_49 = arith.constant 1 : i32
      %parallel_loop3A_50 = scf.for %parallel_loop3A_93 = %parallel_loop3A_47 to %parallel_loop3A_48 step %parallel_loop3A_49 iter_args(%parallel_loop3A_94 = %parallel_loop3A_46) -> (vector<16xf32>)  : i32 {
        %parallel_loop3A_95 = arith.constant 16 : i32
        %parallel_loop3A_96 = arith.muli %parallel_loop3A_93, %parallel_loop3A_95 : i32
        %parallel_loop3A_97 = arith.constant 2 : i32
        %parallel_loop3A_98 = arith.index_cast %parallel_loop3A_97 : i32 to index
        %parallel_loop3A_99 = arith.index_cast %parallel_loop3A_96 : i32 to index
        %parallel_loop3A_100 = tpu.vector_load %arg6[%parallel_loop3A_98, %parallel_loop3A_99] {strides = array<i32>} : memref<4x4096xi32, #tpu.memory_space<vmem>>, vector<16xi32>,
        %parallel_loop3A_101 = arith.constant 16 : i32
        %parallel_loop3A_102 = vector.broadcast %parallel_loop3A_101 : i32 to vector<16xi32>
        %parallel_loop3A_103 = arith.shrui %parallel_loop3A_100, %parallel_loop3A_102 : vector<16xi32>
        %parallel_loop3A_104 = arith.cmpi eq, %parallel_loop3A_103, %get3A_3 : vector<16xi32>
        %parallel_loop3A_105 = vector.broadcast %scan3A : i32 to vector<16xi32>
        %parallel_loop3A_106 = arith.andi %parallel_loop3A_100, %parallel_loop3A_105 : vector<16xi32>
        tpu.vector_store_idx %arg8[%parallel_loop3A_106], %broadcast_in_dim3A_6 masked %parallel_loop3A_104 {add = true} : memref<65536xi32, #tpu.memory_space<vmem>>[vector<16xi32>], vector<16xi32>, vector<16xi1>
        %parallel_loop3A_107 = vector.bitcast %parallel_loop3A_100 : vector<16xi32> to vector<16xf32>
        %parallel_loop3A_108 = arith.cmpi sgt, %parallel_loop3A_103, %get3A_3 : vector<16xi32>
        %parallel_loop3A_109 = arith.constant 0.000000e+00 : f32
        %parallel_loop3A_110 = vector.broadcast %parallel_loop3A_109 : f32 to vector<16xf32>
        %parallel_loop3A_111 = arith.select %parallel_loop3A_108, %parallel_loop3A_107, %parallel_loop3A_110 : vector<16xi1>, vector<16xf32>
        %parallel_loop3A_112 = arith.addf %parallel_loop3A_94, %parallel_loop3A_111 : vector<16xf32>
        scf.yield %parallel_loop3A_112 : vector<16xf32>
      } {sc.loop_unroll_factor = 16 : i64, sc.parallel_access}
      %parallel_loop3A_51 = arith.constant 0 : i32
      %parallel_loop3A_52 = arith.constant 256 : i32
      %parallel_loop3A_53 = arith.constant 1 : i32
      %parallel_loop3A_54 = scf.for %parallel_loop3A_93 = %parallel_loop3A_51 to %parallel_loop3A_52 step %parallel_loop3A_53 iter_args(%parallel_loop3A_94 = %parallel_loop3A_50) -> (vector<16xf32>)  : i32 {
        %parallel_loop3A_95 = arith.constant 16 : i32
        %parallel_loop3A_96 = arith.muli %parallel_loop3A_93, %parallel_loop3A_95 : i32
        %parallel_loop3A_97 = arith.constant 3 : i32
        %parallel_loop3A_98 = arith.index_cast %parallel_loop3A_97 : i32 to index
        %parallel_loop3A_99 = arith.index_cast %parallel_loop3A_96 : i32 to index
        %parallel_loop3A_100 = tpu.vector_load %arg6[%parallel_loop3A_98, %parallel_loop3A_99] {strides = array<i32>} : memref<4x4096xi32, #tpu.memory_space<vmem>>, vector<16xi32>,
        %parallel_loop3A_101 = arith.constant 16 : i32
        %parallel_loop3A_102 = vector.broadcast %parallel_loop3A_101 : i32 to vector<16xi32>
        %parallel_loop3A_103 = arith.shrui %parallel_loop3A_100, %parallel_loop3A_102 : vector<16xi32>
        %parallel_loop3A_104 = arith.cmpi eq, %parallel_loop3A_103, %get3A_3 : vector<16xi32>
        %parallel_loop3A_105 = vector.broadcast %scan3A : i32 to vector<16xi32>
        %parallel_loop3A_106 = arith.andi %parallel_loop3A_100, %parallel_loop3A_105 : vector<16xi32>
        tpu.vector_store_idx %arg8[%parallel_loop3A_106], %broadcast_in_dim3A_6 masked %parallel_loop3A_104 {add = true} : memref<65536xi32, #tpu.memory_space<vmem>>[vector<16xi32>], vector<16xi32>, vector<16xi1>
        %parallel_loop3A_107 = vector.bitcast %parallel_loop3A_100 : vector<16xi32> to vector<16xf32>
        %parallel_loop3A_108 = arith.cmpi sgt, %parallel_loop3A_103, %get3A_3 : vector<16xi32>
        %parallel_loop3A_109 = arith.constant 0.000000e+00 : f32
        %parallel_loop3A_110 = vector.broadcast %parallel_loop3A_109 : f32 to vector<16xf32>
        %parallel_loop3A_111 = arith.select %parallel_loop3A_108, %parallel_loop3A_107, %parallel_loop3A_110 : vector<16xi1>, vector<16xf32>
        %parallel_loop3A_112 = arith.addf %parallel_loop3A_94, %parallel_loop3A_111 : vector<16xf32>
        scf.yield %parallel_loop3A_112 : vector<16xf32>
      } {sc.loop_unroll_factor = 16 : i64, sc.parallel_access}
      %add3A_55 = arith.constant 2 : i32
      %add3A_56 = arith.addi %add3A_32, %add3A_55 : i32
      %lt3A = arith.constant 8 : i32
      %lt3A_57 = arith.cmpi slt, %add3A_56, %lt3A : i32
      %convert_element_type3A = arith.extui %lt3A_57 : i1 to i32
      %cond3A = arith.constant 0 : i32
      %cond3A_58 = arith.cmpi ne, %convert_element_type3A, %cond3A : i32
      scf.if %cond3A_58 {
        %add3A_93 = arith.constant 2 : i32
        %add3A_94 = arith.addi %add3A_32, %add3A_93 : i32
        %mul3A_95 = arith.constant 4 : i32
        %mul3A_96 = arith.muli %add3A_94, %mul3A_95 : i32
        %add3A_97 = arith.addi %mul3A_2, %mul3A_96 : i32
        %dma_start3A_98 = arith.constant 0 : i32
        %dma_start3A_99 = tpu.memref_slice %arg2[%add3A_97, %dma_start3A_98] : memref<1024x4096xi32, #tpu.memory_space<hbm>> -> memref<4x4096xi32, #tpu.memory_space<hbm>>
        %dma_start3A_100 = arith.constant 0 : i32
        %dma_start3A_101 = tpu.memref_slice %arg2[%add3A_97, %dma_start3A_100] : memref<1024x4096xi32, #tpu.memory_space<hbm>> -> memref<4x4096xi32, #tpu.memory_space<hbm>>
        tpu.enqueue_dma source(%dma_start3A_101 : memref<4x4096xi32, #tpu.memory_space<hbm>>) target(%arg6 : memref<4x4096xi32, #tpu.memory_space<vmem>>) target_semaphore(%arg11 : memref<!tpu.dma_semaphore, #tpu.memory_space<semaphore_mem>>)
      } else {
      }
      %mul3A_59 = arith.constant 2 : i32
      %mul3A_60 = arith.muli %scan3A_27, %mul3A_59 : i32
      %add3A_61 = arith.constant 1 : i32
      %add3A_62 = arith.addi %mul3A_60, %add3A_61 : i32
      %mul3A_63 = arith.constant 4 : i32
      %mul3A_64 = arith.muli %add3A_62, %mul3A_63 : i32
      %add3A_65 = arith.addi %mul3A_2, %mul3A_64 : i32
      %dma_wait3A_66 = arith.constant 0 : i32
      %dma_wait3A_67 = tpu.memref_slice %arg2[%add3A_65, %dma_wait3A_66] : memref<1024x4096xi32, #tpu.memory_space<hbm>> -> memref<4x4096xi32, #tpu.memory_space<hbm>>
      %dma_wait3A_68 = arith.constant 0 : i32
      %dma_wait3A_69 = tpu.memref_slice %arg2[%add3A_65, %dma_wait3A_68] : memref<1024x4096xi32, #tpu.memory_space<hbm>> -> memref<4x4096xi32, #tpu.memory_space<hbm>>
      tpu.wait_dma2 semaphore(%arg12 : memref<!tpu.dma_semaphore, #tpu.memory_space<semaphore_mem>>) src(%dma_wait3A_69 : memref<4x4096xi32, #tpu.memory_space<hbm>>) dst(%arg7 : memref<4x4096xi32, #tpu.memory_space<vmem>>)
      %parallel_loop3A_70 = arith.constant 0 : i32
      %parallel_loop3A_71 = arith.constant 256 : i32
      %parallel_loop3A_72 = arith.constant 1 : i32
      %parallel_loop3A_73 = scf.for %parallel_loop3A_93 = %parallel_loop3A_70 to %parallel_loop3A_71 step %parallel_loop3A_72 iter_args(%parallel_loop3A_94 = %parallel_loop3A_54) -> (vector<16xf32>)  : i32 {
        %parallel_loop3A_95 = arith.constant 16 : i32
        %parallel_loop3A_96 = arith.muli %parallel_loop3A_93, %parallel_loop3A_95 : i32
        %parallel_loop3A_97 = arith.constant 0 : i32
        %parallel_loop3A_98 = arith.index_cast %parallel_loop3A_97 : i32 to index
        %parallel_loop3A_99 = arith.index_cast %parallel_loop3A_96 : i32 to index
        %parallel_loop3A_100 = tpu.vector_load %arg7[%parallel_loop3A_98, %parallel_loop3A_99] {strides = array<i32>} : memref<4x4096xi32, #tpu.memory_space<vmem>>, vector<16xi32>,
        %parallel_loop3A_101 = arith.constant 16 : i32
        %parallel_loop3A_102 = vector.broadcast %parallel_loop3A_101 : i32 to vector<16xi32>
        %parallel_loop3A_103 = arith.shrui %parallel_loop3A_100, %parallel_loop3A_102 : vector<16xi32>
        %parallel_loop3A_104 = arith.cmpi eq, %parallel_loop3A_103, %get3A_3 : vector<16xi32>
        %parallel_loop3A_105 = vector.broadcast %scan3A : i32 to vector<16xi32>
        %parallel_loop3A_106 = arith.andi %parallel_loop3A_100, %parallel_loop3A_105 : vector<16xi32>
        tpu.vector_store_idx %arg8[%parallel_loop3A_106], %broadcast_in_dim3A_6 masked %parallel_loop3A_104 {add = true} : memref<65536xi32, #tpu.memory_space<vmem>>[vector<16xi32>], vector<16xi32>, vector<16xi1>
        %parallel_loop3A_107 = vector.bitcast %parallel_loop3A_100 : vector<16xi32> to vector<16xf32>
        %parallel_loop3A_108 = arith.cmpi sgt, %parallel_loop3A_103, %get3A_3 : vector<16xi32>
        %parallel_loop3A_109 = arith.constant 0.000000e+00 : f32
        %parallel_loop3A_110 = vector.broadcast %parallel_loop3A_109 : f32 to vector<16xf32>
        %parallel_loop3A_111 = arith.select %parallel_loop3A_108, %parallel_loop3A_107, %parallel_loop3A_110 : vector<16xi1>, vector<16xf32>
        %parallel_loop3A_112 = arith.addf %parallel_loop3A_94, %parallel_loop3A_111 : vector<16xf32>
        scf.yield %parallel_loop3A_112 : vector<16xf32>
      } {sc.loop_unroll_factor = 16 : i64, sc.parallel_access}
      %parallel_loop3A_74 = arith.constant 0 : i32
      %parallel_loop3A_75 = arith.constant 256 : i32
      %parallel_loop3A_76 = arith.constant 1 : i32
      %parallel_loop3A_77 = scf.for %parallel_loop3A_93 = %parallel_loop3A_74 to %parallel_loop3A_75 step %parallel_loop3A_76 iter_args(%parallel_loop3A_94 = %parallel_loop3A_73) -> (vector<16xf32>)  : i32 {
        %parallel_loop3A_95 = arith.constant 16 : i32
        %parallel_loop3A_96 = arith.muli %parallel_loop3A_93, %parallel_loop3A_95 : i32
        %parallel_loop3A_97 = arith.constant 1 : i32
        %parallel_loop3A_98 = arith.index_cast %parallel_loop3A_97 : i32 to index
        %parallel_loop3A_99 = arith.index_cast %parallel_loop3A_96 : i32 to index
        %parallel_loop3A_100 = tpu.vector_load %arg7[%parallel_loop3A_98, %parallel_loop3A_99] {strides = array<i32>} : memref<4x4096xi32, #tpu.memory_space<vmem>>, vector<16xi32>,
        %parallel_loop3A_101 = arith.constant 16 : i32
        %parallel_loop3A_102 = vector.broadcast %parallel_loop3A_101 : i32 to vector<16xi32>
        %parallel_loop3A_103 = arith.shrui %parallel_loop3A_100, %parallel_loop3A_102 : vector<16xi32>
        %parallel_loop3A_104 = arith.cmpi eq, %parallel_loop3A_103, %get3A_3 : vector<16xi32>
        %parallel_loop3A_105 = vector.broadcast %scan3A : i32 to vector<16xi32>
        %parallel_loop3A_106 = arith.andi %parallel_loop3A_100, %parallel_loop3A_105 : vector<16xi32>
        tpu.vector_store_idx %arg8[%parallel_loop3A_106], %broadcast_in_dim3A_6 masked %parallel_loop3A_104 {add = true} : memref<65536xi32, #tpu.memory_space<vmem>>[vector<16xi32>], vector<16xi32>, vector<16xi1>
        %parallel_loop3A_107 = vector.bitcast %parallel_loop3A_100 : vector<16xi32> to vector<16xf32>
        %parallel_loop3A_108 = arith.cmpi sgt, %parallel_loop3A_103, %get3A_3 : vector<16xi32>
        %parallel_loop3A_109 = arith.constant 0.000000e+00 : f32
        %parallel_loop3A_110 = vector.broadcast %parallel_loop3A_109 : f32 to vector<16xf32>
        %parallel_loop3A_111 = arith.select %parallel_loop3A_108, %parallel_loop3A_107, %parallel_loop3A_110 : vector<16xi1>, vector<16xf32>
        %parallel_loop3A_112 = arith.addf %parallel_loop3A_94, %parallel_loop3A_111 : vector<16xf32>
        scf.yield %parallel_loop3A_112 : vector<16xf32>
      } {sc.loop_unroll_factor = 16 : i64, sc.parallel_access}
      %parallel_loop3A_78 = arith.constant 0 : i32
      %parallel_loop3A_79 = arith.constant 256 : i32
      %parallel_loop3A_80 = arith.constant 1 : i32
      %parallel_loop3A_81 = scf.for %parallel_loop3A_93 = %parallel_loop3A_78 to %parallel_loop3A_79 step %parallel_loop3A_80 iter_args(%parallel_loop3A_94 = %parallel_loop3A_77) -> (vector<16xf32>)  : i32 {
        %parallel_loop3A_95 = arith.constant 16 : i32
        %parallel_loop3A_96 = arith.muli %parallel_loop3A_93, %parallel_loop3A_95 : i32
        %parallel_loop3A_97 = arith.constant 2 : i32
        %parallel_loop3A_98 = arith.index_cast %parallel_loop3A_97 : i32 to index
        %parallel_loop3A_99 = arith.index_cast %parallel_loop3A_96 : i32 to index
        %parallel_loop3A_100 = tpu.vector_load %arg7[%parallel_loop3A_98, %parallel_loop3A_99] {strides = array<i32>} : memref<4x4096xi32, #tpu.memory_space<vmem>>, vector<16xi32>,
        %parallel_loop3A_101 = arith.constant 16 : i32
        %parallel_loop3A_102 = vector.broadcast %parallel_loop3A_101 : i32 to vector<16xi32>
        %parallel_loop3A_103 = arith.shrui %parallel_loop3A_100, %parallel_loop3A_102 : vector<16xi32>
        %parallel_loop3A_104 = arith.cmpi eq, %parallel_loop3A_103, %get3A_3 : vector<16xi32>
        %parallel_loop3A_105 = vector.broadcast %scan3A : i32 to vector<16xi32>
        %parallel_loop3A_106 = arith.andi %parallel_loop3A_100, %parallel_loop3A_105 : vector<16xi32>
        tpu.vector_store_idx %arg8[%parallel_loop3A_106], %broadcast_in_dim3A_6 masked %parallel_loop3A_104 {add = true} : memref<65536xi32, #tpu.memory_space<vmem>>[vector<16xi32>], vector<16xi32>, vector<16xi1>
        %parallel_loop3A_107 = vector.bitcast %parallel_loop3A_100 : vector<16xi32> to vector<16xf32>
        %parallel_loop3A_108 = arith.cmpi sgt, %parallel_loop3A_103, %get3A_3 : vector<16xi32>
        %parallel_loop3A_109 = arith.constant 0.000000e+00 : f32
        %parallel_loop3A_110 = vector.broadcast %parallel_loop3A_109 : f32 to vector<16xf32>
        %parallel_loop3A_111 = arith.select %parallel_loop3A_108, %parallel_loop3A_107, %parallel_loop3A_110 : vector<16xi1>, vector<16xf32>
        %parallel_loop3A_112 = arith.addf %parallel_loop3A_94, %parallel_loop3A_111 : vector<16xf32>
        scf.yield %parallel_loop3A_112 : vector<16xf32>
      } {sc.loop_unroll_factor = 16 : i64, sc.parallel_access}
      %parallel_loop3A_82 = arith.constant 0 : i32
      %parallel_loop3A_83 = arith.constant 256 : i32
      %parallel_loop3A_84 = arith.constant 1 : i32
      %parallel_loop3A_85 = scf.for %parallel_loop3A_93 = %parallel_loop3A_82 to %parallel_loop3A_83 step %parallel_loop3A_84 iter_args(%parallel_loop3A_94 = %parallel_loop3A_81) -> (vector<16xf32>)  : i32 {
        %parallel_loop3A_95 = arith.constant 16 : i32
        %parallel_loop3A_96 = arith.muli %parallel_loop3A_93, %parallel_loop3A_95 : i32
        %parallel_loop3A_97 = arith.constant 3 : i32
        %parallel_loop3A_98 = arith.index_cast %parallel_loop3A_97 : i32 to index
        %parallel_loop3A_99 = arith.index_cast %parallel_loop3A_96 : i32 to index
        %parallel_loop3A_100 = tpu.vector_load %arg7[%parallel_loop3A_98, %parallel_loop3A_99] {strides = array<i32>} : memref<4x4096xi32, #tpu.memory_space<vmem>>, vector<16xi32>,
        %parallel_loop3A_101 = arith.constant 16 : i32
        %parallel_loop3A_102 = vector.broadcast %parallel_loop3A_101 : i32 to vector<16xi32>
        %parallel_loop3A_103 = arith.shrui %parallel_loop3A_100, %parallel_loop3A_102 : vector<16xi32>
        %parallel_loop3A_104 = arith.cmpi eq, %parallel_loop3A_103, %get3A_3 : vector<16xi32>
        %parallel_loop3A_105 = vector.broadcast %scan3A : i32 to vector<16xi32>
        %parallel_loop3A_106 = arith.andi %parallel_loop3A_100, %parallel_loop3A_105 : vector<16xi32>
        tpu.vector_store_idx %arg8[%parallel_loop3A_106], %broadcast_in_dim3A_6 masked %parallel_loop3A_104 {add = true} : memref<65536xi32, #tpu.memory_space<vmem>>[vector<16xi32>], vector<16xi32>, vector<16xi1>
        %parallel_loop3A_107 = vector.bitcast %parallel_loop3A_100 : vector<16xi32> to vector<16xf32>
        %parallel_loop3A_108 = arith.cmpi sgt, %parallel_loop3A_103, %get3A_3 : vector<16xi32>
        %parallel_loop3A_109 = arith.constant 0.000000e+00 : f32
        %parallel_loop3A_110 = vector.broadcast %parallel_loop3A_109 : f32 to vector<16xf32>
        %parallel_loop3A_111 = arith.select %parallel_loop3A_108, %parallel_loop3A_107, %parallel_loop3A_110 : vector<16xi1>, vector<16xf32>
        %parallel_loop3A_112 = arith.addf %parallel_loop3A_94, %parallel_loop3A_111 : vector<16xf32>
        scf.yield %parallel_loop3A_112 : vector<16xf32>
      } {sc.loop_unroll_factor = 16 : i64, sc.parallel_access}
      %add3A_86 = arith.constant 2 : i32
      %add3A_87 = arith.addi %add3A_62, %add3A_86 : i32
      %lt3A_88 = arith.constant 8 : i32
      %lt3A_89 = arith.cmpi slt, %add3A_87, %lt3A_88 : i32
      %convert_element_type3A_90 = arith.extui %lt3A_89 : i1 to i32
      %cond3A_91 = arith.constant 0 : i32
      %cond3A_92 = arith.cmpi ne, %convert_element_type3A_90, %cond3A_91 : i32
      scf.if %cond3A_92 {
        %add3A_93 = arith.constant 2 : i32
        %add3A_94 = arith.addi %add3A_62, %add3A_93 : i32
        %mul3A_95 = arith.constant 4 : i32
        %mul3A_96 = arith.muli %add3A_94, %mul3A_95 : i32
        %add3A_97 = arith.addi %mul3A_2, %mul3A_96 : i32
        %dma_start3A_98 = arith.constant 0 : i32
        %dma_start3A_99 = tpu.memref_slice %arg2[%add3A_97, %dma_start3A_98] : memref<1024x4096xi32, #tpu.memory_space<hbm>> -> memref<4x4096xi32, #tpu.memory_space<hbm>>
        %dma_start3A_100 = arith.constant 0 : i32
        %dma_start3A_101 = tpu.memref_slice %arg2[%add3A_97, %dma_start3A_100] : memref<1024x4096xi32, #tpu.memory_space<hbm>> -> memref<4x4096xi32, #tpu.memory_space<hbm>>
        tpu.enqueue_dma source(%dma_start3A_101 : memref<4x4096xi32, #tpu.memory_space<hbm>>) target(%arg7 : memref<4x4096xi32, #tpu.memory_space<vmem>>) target_semaphore(%arg12 : memref<!tpu.dma_semaphore, #tpu.memory_space<semaphore_mem>>)
      } else {
      }
      scf.yield %parallel_loop3A_85 : vector<16xf32>
    }
    %scan3A_25 = arith.constant 4 : i32
    %swap3A = arith.constant 0 : index
    %swap3A_26 = tpu.vector_load %arg10[%swap3A] {strides = array<i32>} : memref<16xf32, #tpu.memory_space<vmem>>, vector<16xf32>,
    tpu.vector_store %arg10[%swap3A], %scan3A_24 {strides = array<i32>} : memref<16xf32, #tpu.memory_space<vmem>>, vector<16xf32>,
    "tpu.region"() ({
      %run_scoped3A = tpu.sem_alloc : memref<!tpu.dma_semaphore, #tpu.memory_space<semaphore_mem>>
      %dma_start3A_27 = arith.constant 0 : i32
      %dma_start3A_28 = tpu.memref_slice %arg4[%add3A, %dma_start3A_27] : memref<32x65536xi32, #tpu.memory_space<hbm>> -> memref<1x65536xi32, #tpu.memory_space<hbm>>
      %dma_start3A_29 = tpu.memref_squeeze %dma_start3A_28 : memref<1x65536xi32, #tpu.memory_space<hbm>> -> memref<65536xi32, #tpu.memory_space<hbm>>
      %dma_start3A_30 = arith.constant 0 : i32
      %dma_start3A_31 = tpu.memref_slice %arg4[%add3A, %dma_start3A_30] : memref<32x65536xi32, #tpu.memory_space<hbm>> -> memref<1x65536xi32, #tpu.memory_space<hbm>>
      %dma_start3A_32 = tpu.memref_squeeze %dma_start3A_31 : memref<1x65536xi32, #tpu.memory_space<hbm>> -> memref<65536xi32, #tpu.memory_space<hbm>>
      tpu.enqueue_dma source(%arg8 : memref<65536xi32, #tpu.memory_space<vmem>>) target(%dma_start3A_32 : memref<65536xi32, #tpu.memory_space<hbm>>) target_semaphore(%run_scoped3A : memref<!tpu.dma_semaphore, #tpu.memory_space<semaphore_mem>>)
      %dma_wait3A = arith.constant 0 : i32
      %dma_wait3A_33 = tpu.memref_slice %arg4[%add3A, %dma_wait3A] : memref<32x65536xi32, #tpu.memory_space<hbm>> -> memref<1x65536xi32, #tpu.memory_space<hbm>>
      %dma_wait3A_34 = tpu.memref_squeeze %dma_wait3A_33 : memref<1x65536xi32, #tpu.memory_space<hbm>> -> memref<65536xi32, #tpu.memory_space<hbm>>
      %dma_wait3A_35 = arith.constant 0 : i32
      %dma_wait3A_36 = tpu.memref_slice %arg4[%add3A, %dma_wait3A_35] : memref<32x65536xi32, #tpu.memory_space<hbm>> -> memref<1x65536xi32, #tpu.memory_space<hbm>>
      %dma_wait3A_37 = tpu.memref_squeeze %dma_wait3A_36 : memref<1x65536xi32, #tpu.memory_space<hbm>> -> memref<65536xi32, #tpu.memory_space<hbm>>
      tpu.wait_dma2 semaphore(%run_scoped3A : memref<!tpu.dma_semaphore, #tpu.memory_space<semaphore_mem>>) src(%arg8 : memref<65536xi32, #tpu.memory_space<vmem>>) dst(%dma_wait3A_37 : memref<65536xi32, #tpu.memory_space<hbm>>)
      tpu.yield
    }) : () -> ()
    "tpu.region"() ({
      %run_scoped3A = tpu.sem_alloc : memref<!tpu.dma_semaphore, #tpu.memory_space<semaphore_mem>>
      %dma_start3A_27 = arith.constant 0 : i32
      %dma_start3A_28 = tpu.memref_slice %arg5[%add3A, %dma_start3A_27] : memref<32x16xf32, #tpu.memory_space<hbm>> -> memref<1x16xf32, #tpu.memory_space<hbm>>
      %dma_start3A_29 = tpu.memref_squeeze %dma_start3A_28 : memref<1x16xf32, #tpu.memory_space<hbm>> -> memref<16xf32, #tpu.memory_space<hbm>>
      %dma_start3A_30 = arith.constant 0 : i32
      %dma_start3A_31 = tpu.memref_slice %arg5[%add3A, %dma_start3A_30] : memref<32x16xf32, #tpu.memory_space<hbm>> -> memref<1x16xf32, #tpu.memory_space<hbm>>
      %dma_start3A_32 = tpu.memref_squeeze %dma_start3A_31 : memref<1x16xf32, #tpu.memory_space<hbm>> -> memref<16xf32, #tpu.memory_space<hbm>>
      tpu.enqueue_dma source(%arg10 : memref<16xf32, #tpu.memory_space<vmem>>) target(%dma_start3A_32 : memref<16xf32, #tpu.memory_space<hbm>>) target_semaphore(%run_scoped3A : memref<!tpu.dma_semaphore, #tpu.memory_space<semaphore_mem>>)
      %dma_wait3A = arith.constant 0 : i32
      %dma_wait3A_33 = tpu.memref_slice %arg5[%add3A, %dma_wait3A] : memref<32x16xf32, #tpu.memory_space<hbm>> -> memref<1x16xf32, #tpu.memory_space<hbm>>
      %dma_wait3A_34 = tpu.memref_squeeze %dma_wait3A_33 : memref<1x16xf32, #tpu.memory_space<hbm>> -> memref<16xf32, #tpu.memory_space<hbm>>
      %dma_wait3A_35 = arith.constant 0 : i32
      %dma_wait3A_36 = tpu.memref_slice %arg5[%add3A, %dma_wait3A_35] : memref<32x16xf32, #tpu.memory_space<hbm>> -> memref<1x16xf32, #tpu.memory_space<hbm>>
      %dma_wait3A_37 = tpu.memref_squeeze %dma_wait3A_36 : memref<1x16xf32, #tpu.memory_space<hbm>> -> memref<16xf32, #tpu.memory_space<hbm>>
      tpu.wait_dma2 semaphore(%run_scoped3A : memref<!tpu.dma_semaphore, #tpu.memory_space<semaphore_mem>>) src(%arg10 : memref<16xf32, #tpu.memory_space<vmem>>) dst(%dma_wait3A_37 : memref<16xf32, #tpu.memory_space<hbm>>)
      tpu.yield
    }) : () -> ()
    return
  }
}

module attributes {stable_mosaic.version = 14 : i64} {
  func.func @_pick_body(%arg0: memref<8192x128xi32, #tpu.memory_space<vmem>>, %arg1: memref<8xf32, #tpu.memory_space<smem>>, %arg2: memref<8xf32, #tpu.memory_space<smem>>) attributes {dimension_semantics = [], scalar_prefetch = 0 : i64, scratch_operands = 0 : i64, tpu.core_type = #tpu.core_type<tc>} {
    %get3A = arith.constant 0 : index
    %get3A_0 = arith.constant 0 : index
    %get3A_1 = vector.load %arg0[%get3A, %get3A_0] : memref<8192x128xi32, #tpu.memory_space<vmem>>, vector<8192x128xi32>
    %reshape3A = vector.shape_cast %get3A_1 : vector<8192x128xi32> to vector<32x256x128xi32>
    %reduce_sum3A = arith.constant dense<0> : vector<256x128xi32>
    %reduce_sum3A_2 = vector.multi_reduction <add>, %reshape3A, %reduce_sum3A [0] : vector<32x256x128xi32> to vector<256x128xi32>
    %convert_element_type3A = arith.sitofp %reduce_sum3A_2 : vector<256x128xi32> to vector<256x128xf32>
    %iota3A = tpu.iota {dimensions = array<i32: 0>} : vector<128x128xi32>
    %iota3A_3 = tpu.iota {dimensions = array<i32: 1>} : vector<128x128xi32>
    %gt3A = arith.cmpi sgt, %iota3A, %iota3A_3 : vector<128x128xi32>
    %convert_element_type3A_4 = arith.extui %gt3A : vector<128x128xi1> to vector<128x128xi32>
    %convert_element_type3A_5 = arith.sitofp %convert_element_type3A_4 : vector<128x128xi32> to vector<128x128xf32>
    %dot_general3A = arith.constant dense<0.000000e+00> : vector<256x128xf32>
    %dot_general3A_6 = tpu.matmul %convert_element_type3A, %convert_element_type3A_5, %dot_general3A {dimension_numbers = #tpu.dot_dimension_numbers<[1], [0], [0], [1], [0, 0, 1, 1], [], []>, transpose_lhs_hint = false} : vector<256x128xf32>, vector<128x128xf32>, vector<256x128xf32> -> vector<256x128xf32>
    %iota3A_7 = tpu.iota {dimensions = array<i32: 0>} : vector<256x256xi32>
    %iota3A_8 = tpu.iota {dimensions = array<i32: 1>} : vector<256x256xi32>
    %gt3A_9 = arith.cmpi sgt, %iota3A_8, %iota3A_7 : vector<256x256xi32>
    %convert_element_type3A_10 = arith.extui %gt3A_9 : vector<256x256xi1> to vector<256x256xi32>
    %convert_element_type3A_11 = arith.sitofp %convert_element_type3A_10 : vector<256x256xi32> to vector<256x256xf32>
    %reduce_sum3A_12 = arith.constant dense<0.000000e+00> : vector<256xf32>
    %reduce_sum3A_13 = vector.multi_reduction <add>, %convert_element_type3A, %reduce_sum3A_12 [1] : vector<256x128xf32> to vector<256xf32>
    %broadcast_in_dim3A = vector.shape_cast %reduce_sum3A_13 : vector<256xf32> to vector<256x1xf32>
    %dot_general3A_14 = arith.constant dense<0.000000e+00> : vector<256x1xf32>
    %dot_general3A_15 = tpu.matmul %convert_element_type3A_11, %broadcast_in_dim3A, %dot_general3A_14 {dimension_numbers = #tpu.dot_dimension_numbers<[1], [0], [0], [1], [0, 0, 1, 1], [], []>, transpose_lhs_hint = false} : vector<256x256xf32>, vector<256x1xf32>, vector<256x1xf32> -> vector<256x1xf32>
    %add3A = vector.broadcast %dot_general3A_15 : vector<256x1xf32> to vector<256x128xf32>
    %add3A_16 = arith.addf %dot_general3A_6, %add3A : vector<256x128xf32>
    %get3A_17 = arith.constant 4 : index
    %get3A_18 = memref.load %arg1[%get3A_17] : memref<8xf32, #tpu.memory_space<smem>>
    %ge3A = vector.broadcast %get3A_18 : f32 to vector<256x128xf32>
    %ge3A_19 = arith.cmpf oge, %add3A_16, %ge3A : vector<256x128xf32>
    %convert_element_type3A_20 = arith.extui %ge3A_19 : vector<256x128xi1> to vector<256x128xi32>
    %reduce_sum3A_21 = vector.shape_cast %convert_element_type3A_20 : vector<256x128xi32> to vector<1x256x128xi32>
    %reduce_sum3A_22 = arith.constant dense<0> : vector<1xi32>
    %reduce_sum3A_23 = vector.multi_reduction <add>, %reduce_sum3A_21, %reduce_sum3A_22 [1, 2] : vector<1x256x128xi32> to vector<1xi32>
    %reduce_sum3A_24 = vector.shape_cast %reduce_sum3A_23 : vector<1xi32> to vector<1x1x1xi32>
    %reduce_sum3A_25 = vector.extract %reduce_sum3A_24[0, 0, 0] : i32 from vector<1x1x1xi32>
    %iota3A_26 = tpu.iota {dimensions = array<i32: 0>} : vector<256x128xi32>
    %iota3A_27 = tpu.iota {dimensions = array<i32: 1>} : vector<256x128xi32>
    %mul3A = arith.constant 128 : i32
    %mul3A_28 = vector.broadcast %mul3A : i32 to vector<256x128xi32>
    %mul3A_29 = arith.muli %iota3A_26, %mul3A_28 : vector<256x128xi32>
    %add3A_30 = arith.addi %mul3A_29, %iota3A_27 : vector<256x128xi32>
    %eq3A = vector.broadcast %reduce_sum3A_25 : i32 to vector<256x128xi32>
    %eq3A_31 = arith.cmpi eq, %add3A_30, %eq3A : vector<256x128xi32>
    %jit3A = arith.constant 0.000000e+00 : f32
    %broadcast_in_dim3A_32 = vector.broadcast %jit3A : f32 to vector<256x128xf32>
    %select_n3A = arith.select %eq3A_31, %add3A_16, %broadcast_in_dim3A_32 : vector<256x128xi1>, vector<256x128xf32>
    %reduce_sum3A_33 = vector.shape_cast %select_n3A : vector<256x128xf32> to vector<1x256x128xf32>
    %reduce_sum3A_34 = arith.constant dense<0.000000e+00> : vector<1xf32>
    %reduce_sum3A_35 = vector.multi_reduction <add>, %reduce_sum3A_33, %reduce_sum3A_34 [1, 2] : vector<1x256x128xf32> to vector<1xf32>
    %reduce_sum3A_36 = vector.shape_cast %reduce_sum3A_35 : vector<1xf32> to vector<1x1x1xf32>
    %reduce_sum3A_37 = vector.extract %reduce_sum3A_36[0, 0, 0] : f32 from vector<1x1x1xf32>
    %convert_element_type3A_38 = arith.sitofp %reduce_sum3A_25 : i32 to f32
    %swap3A = arith.constant 0 : index
    %swap3A_39 = memref.load %arg2[%swap3A] : memref<8xf32, #tpu.memory_space<smem>>
    memref.store %convert_element_type3A_38, %arg2[%swap3A] : memref<8xf32, #tpu.memory_space<smem>>
    %swap3A_40 = arith.constant 1 : index
    %swap3A_41 = memref.load %arg2[%swap3A_40] : memref<8xf32, #tpu.memory_space<smem>>
    memref.store %reduce_sum3A_37, %arg2[%swap3A_40] : memref<8xf32, #tpu.memory_space<smem>>
    return
  }
}

module attributes {stable_mosaic.version = 14 : i64} {
  func.func @_bce_body(%arg0: i32, %arg1: memref<1024x4xf32, #tpu.memory_space<vmem>>, %arg2: memref<1024x4xf32, #tpu.memory_space<vmem>>, %arg3: memref<256x4096xf32, #tpu.memory_space<vmem>>, %arg4: memref<256x4096xf32, #tpu.memory_space<vmem>>, %arg5: memref<256x4096xi32, #tpu.memory_space<vmem>>, %arg6: memref<8xf32, #tpu.memory_space<smem>>, %arg7: memref<4xf32, #tpu.memory_space<smem>>) attributes {dimension_semantics = [#tpu.dimension_semantics<arbitrary>], iteration_bounds = array<i64: 4>, scalar_prefetch = 0 : i64, scratch_operands = 1 : i64, tpu.core_type = #tpu.core_type<tc>, window_params = [{pipeline_mode = #tpu.pipeline_mode<synchronous>, transform_indices = @transform_0, window_bounds = array<i64: 1024, 4>}, {pipeline_mode = #tpu.pipeline_mode<synchronous>, transform_indices = @transform_1, window_bounds = array<i64: 1024, 4>}, {transform_indices = @transform_2, window_bounds = array<i64: 256, 4096>}, {transform_indices = @transform_3, window_bounds = array<i64: 256, 4096>}, {transform_indices = @transform_4, window_bounds = array<i64: 256, 4096>}, {transform_indices = @transform_5, window_bounds = array<i64: 8>}]} {
    %get3A = arith.constant 0 : index
    %get3A_0 = arith.constant 0 : index
    %get3A_1 = vector.load %arg4[%get3A, %get3A_0] : memref<256x4096xf32, #tpu.memory_space<vmem>>, vector<256x4096xf32>
    %get3A_2 = arith.constant 0 : index
    %get3A_3 = arith.constant 0 : index
    %get3A_4 = vector.load %arg3[%get3A_2, %get3A_3] : memref<256x4096xf32, #tpu.memory_space<vmem>>, vector<256x4096xf32>
    %eq3A = arith.constant 1.000000e+00 : f32
    %eq3A_5 = vector.broadcast %eq3A : f32 to vector<256x4096xf32>
    %eq3A_6 = arith.cmpf oeq, %get3A_1, %eq3A_5 : vector<256x4096xf32>
    %eq3A_7 = arith.constant 0.000000e+00 : f32
    %eq3A_8 = vector.broadcast %eq3A_7 : f32 to vector<256x4096xf32>
    %eq3A_9 = arith.cmpf oeq, %get3A_1, %eq3A_8 : vector<256x4096xf32>
    %sub3A = arith.constant 1.000000e+00 : f32
    %sub3A_10 = vector.broadcast %sub3A : f32 to vector<256x4096xf32>
    %sub3A_11 = arith.subf %sub3A_10, %get3A_4 : vector<256x4096xf32>
    %select_n3A = arith.select %eq3A_6, %get3A_4, %sub3A_11 : vector<256x4096xi1>, vector<256x4096xf32>
    %log3A = math.log %select_n3A : vector<256x4096xf32>
    %jit3A = arith.constant -1.000000e+02 : f32
    %max3A = vector.broadcast %jit3A : f32 to vector<256x4096xf32>
    %max3A_12 = arith.maximumf %max3A, %log3A : vector<256x4096xf32>
    %neg3A = arith.constant 0.000000e+00 : f32
    %neg3A_13 = vector.broadcast %neg3A : f32 to vector<256x4096xf32>
    %neg3A_14 = arith.subf %neg3A_13, %max3A_12 : vector<256x4096xf32>
    %bitcast_convert_type3A = tpu.bitcast %neg3A_14 : vector<256x4096xf32> -> vector<256x4096xi32>
    %jit3A_15 = arith.constant 0 : i32
    %broadcast_in_dim3A = vector.broadcast %jit3A_15 : i32 to vector<256x4096xi32>
    %select_n3A_16 = arith.select %eq3A_9, %bitcast_convert_type3A, %broadcast_in_dim3A : vector<256x4096xi1>, vector<256x4096xi32>
    %swap3A = arith.constant 0 : index
    %swap3A_17 = arith.constant 0 : index
    %swap3A_18 = vector.load %arg5[%swap3A, %swap3A_17] : memref<256x4096xi32, #tpu.memory_space<vmem>>, vector<256x4096xi32>
    tpu.vector_store %arg5[%swap3A, %swap3A_17], %select_n3A_16 {strides = array<i32>} : memref<256x4096xi32, #tpu.memory_space<vmem>>, vector<256x4096xi32>,
    %eq3A_19 = arith.constant 0 : i32
    %eq3A_20 = arith.cmpi eq, %arg0, %eq3A_19 : i32
    %convert_element_type3A = arith.extui %eq3A_20 : i1 to i32
    %cond3A = arith.constant 0 : i32
    %cond3A_21 = arith.cmpi ne, %convert_element_type3A, %cond3A : i32
    scf.if %cond3A_21 {
      %swap3A_62 = arith.constant 0.000000e+00 : f32
      %swap3A_63 = arith.constant 0 : index
      %swap3A_64 = memref.load %arg7[%swap3A_63] : memref<4xf32, #tpu.memory_space<smem>>
      memref.store %swap3A_62, %arg7[%swap3A_63] : memref<4xf32, #tpu.memory_space<smem>>
      %swap3A_65 = arith.constant 0.000000e+00 : f32
      %swap3A_66 = arith.constant 1 : index
      %swap3A_67 = memref.load %arg7[%swap3A_66] : memref<4xf32, #tpu.memory_space<smem>>
      memref.store %swap3A_65, %arg7[%swap3A_66] : memref<4xf32, #tpu.memory_space<smem>>
      %swap3A_68 = arith.constant 0.000000e+00 : f32
      %swap3A_69 = arith.constant 2 : index
      %swap3A_70 = memref.load %arg7[%swap3A_69] : memref<4xf32, #tpu.memory_space<smem>>
      memref.store %swap3A_68, %arg7[%swap3A_69] : memref<4xf32, #tpu.memory_space<smem>>
    } else {
    }
    %get3A_22 = arith.constant 0 : index
    %get3A_23 = memref.load %arg7[%get3A_22] : memref<4xf32, #tpu.memory_space<smem>>
    %jit3A_24 = arith.constant 0.000000e+00 : f32
    %broadcast_in_dim3A_25 = vector.broadcast %jit3A_24 : f32 to vector<256x4096xf32>
    %select_n3A_26 = arith.select %eq3A_6, %neg3A_14, %broadcast_in_dim3A_25 : vector<256x4096xi1>, vector<256x4096xf32>
    %reduce_sum3A = vector.shape_cast %select_n3A_26 : vector<256x4096xf32> to vector<1x256x4096xf32>
    %reduce_sum3A_27 = arith.constant dense<0.000000e+00> : vector<1xf32>
    %reduce_sum3A_28 = vector.multi_reduction <add>, %reduce_sum3A, %reduce_sum3A_27 [1, 2] : vector<1x256x4096xf32> to vector<1xf32>
    %reduce_sum3A_29 = vector.shape_cast %reduce_sum3A_28 : vector<1xf32> to vector<1x1x1xf32>
    %reduce_sum3A_30 = vector.extract %reduce_sum3A_29[0, 0, 0] : f32 from vector<1x1x1xf32>
    %add3A = arith.addf %get3A_23, %reduce_sum3A_30 : f32
    %swap3A_31 = arith.constant 0 : index
    %swap3A_32 = memref.load %arg7[%swap3A_31] : memref<4xf32, #tpu.memory_space<smem>>
    memref.store %add3A, %arg7[%swap3A_31] : memref<4xf32, #tpu.memory_space<smem>>
    %get3A_33 = arith.constant 1 : index
    %get3A_34 = memref.load %arg7[%get3A_33] : memref<4xf32, #tpu.memory_space<smem>>
    %convert_element_type3A_35 = arith.extui %eq3A_6 : vector<256x4096xi1> to vector<256x4096xi32>
    %reduce_sum3A_36 = vector.shape_cast %convert_element_type3A_35 : vector<256x4096xi32> to vector<1x256x4096xi32>
    %reduce_sum3A_37 = arith.constant dense<0> : vector<1xi32>
    %reduce_sum3A_38 = vector.multi_reduction <add>, %reduce_sum3A_36, %reduce_sum3A_37 [1, 2] : vector<1x256x4096xi32> to vector<1xi32>
    %reduce_sum3A_39 = vector.shape_cast %reduce_sum3A_38 : vector<1xi32> to vector<1x1x1xi32>
    %reduce_sum3A_40 = vector.extract %reduce_sum3A_39[0, 0, 0] : i32 from vector<1x1x1xi32>
    %convert_element_type3A_41 = arith.sitofp %reduce_sum3A_40 : i32 to f32
    %add3A_42 = arith.addf %get3A_34, %convert_element_type3A_41 : f32
    %swap3A_43 = arith.constant 1 : index
    %swap3A_44 = memref.load %arg7[%swap3A_43] : memref<4xf32, #tpu.memory_space<smem>>
    memref.store %add3A_42, %arg7[%swap3A_43] : memref<4xf32, #tpu.memory_space<smem>>
    %get3A_45 = arith.constant 2 : index
    %get3A_46 = memref.load %arg7[%get3A_45] : memref<4xf32, #tpu.memory_space<smem>>
    %convert_element_type3A_47 = arith.extui %eq3A_9 : vector<256x4096xi1> to vector<256x4096xi32>
    %reduce_sum3A_48 = vector.shape_cast %convert_element_type3A_47 : vector<256x4096xi32> to vector<1x256x4096xi32>
    %reduce_sum3A_49 = arith.constant dense<0> : vector<1xi32>
    %reduce_sum3A_50 = vector.multi_reduction <add>, %reduce_sum3A_48, %reduce_sum3A_49 [1, 2] : vector<1x256x4096xi32> to vector<1xi32>
    %reduce_sum3A_51 = vector.shape_cast %reduce_sum3A_50 : vector<1xi32> to vector<1x1x1xi32>
    %reduce_sum3A_52 = vector.extract %reduce_sum3A_51[0, 0, 0] : i32 from vector<1x1x1xi32>
    %convert_element_type3A_53 = arith.sitofp %reduce_sum3A_52 : i32 to f32
    %add3A_54 = arith.addf %get3A_46, %convert_element_type3A_53 : f32
    %swap3A_55 = arith.constant 2 : index
    %swap3A_56 = memref.load %arg7[%swap3A_55] : memref<4xf32, #tpu.memory_space<smem>>
    memref.store %add3A_54, %arg7[%swap3A_55] : memref<4xf32, #tpu.memory_space<smem>>
    %eq3A_57 = arith.constant 3 : i32
    %eq3A_58 = arith.cmpi eq, %arg0, %eq3A_57 : i32
    %convert_element_type3A_59 = arith.extui %eq3A_58 : i1 to i32
    %cond3A_60 = arith.constant 0 : i32
    %cond3A_61 = arith.cmpi ne, %convert_element_type3A_59, %cond3A_60 : i32
    scf.if %cond3A_61 {
      %get3A_62 = arith.constant 0 : index
      %get3A_63 = arith.constant 0 : index
      %get3A_64 = vector.load %arg1[%get3A_62, %get3A_63] : memref<1024x4xf32, #tpu.memory_space<vmem>>, vector<1024x4xf32>
      %get3A_65 = arith.constant 0 : index
      %get3A_66 = arith.constant 0 : index
      %get3A_67 = vector.load %arg2[%get3A_65, %get3A_66] : memref<1024x4xf32, #tpu.memory_space<vmem>>, vector<1024x4xf32>
      %sub3A_68 = arith.subf %get3A_64, %get3A_67 : vector<1024x4xf32>
      %get3A_69 = arith.constant 2 : index
      %get3A_70 = memref.load %arg7[%get3A_69] : memref<4xf32, #tpu.memory_space<smem>>
      %get3A_71 = arith.constant 0 : index
      %get3A_72 = memref.load %arg7[%get3A_71] : memref<4xf32, #tpu.memory_space<smem>>
      %swap3A_73 = arith.constant 0 : index
      %swap3A_74 = memref.load %arg6[%swap3A_73] : memref<8xf32, #tpu.memory_space<smem>>
      memref.store %get3A_72, %arg6[%swap3A_73] : memref<8xf32, #tpu.memory_space<smem>>
      %get3A_75 = arith.constant 1 : index
      %get3A_76 = memref.load %arg7[%get3A_75] : memref<4xf32, #tpu.memory_space<smem>>
      %swap3A_77 = arith.constant 1 : index
      %swap3A_78 = memref.load %arg6[%swap3A_77] : memref<8xf32, #tpu.memory_space<smem>>
      memref.store %get3A_76, %arg6[%swap3A_77] : memref<8xf32, #tpu.memory_space<smem>>
      %swap3A_79 = arith.constant 2 : index
      %swap3A_80 = memref.load %arg6[%swap3A_79] : memref<8xf32, #tpu.memory_space<smem>>
      memref.store %get3A_70, %arg6[%swap3A_79] : memref<8xf32, #tpu.memory_space<smem>>
      %mul3A = arith.mulf %sub3A_68, %sub3A_68 : vector<1024x4xf32>
      %reduce_sum3A_81 = vector.shape_cast %mul3A : vector<1024x4xf32> to vector<1x1024x4xf32>
      %reduce_sum3A_82 = arith.constant dense<0.000000e+00> : vector<1xf32>
      %reduce_sum3A_83 = vector.multi_reduction <add>, %reduce_sum3A_81, %reduce_sum3A_82 [1, 2] : vector<1x1024x4xf32> to vector<1xf32>
      %reduce_sum3A_84 = vector.shape_cast %reduce_sum3A_83 : vector<1xf32> to vector<1x1x1xf32>
      %reduce_sum3A_85 = vector.extract %reduce_sum3A_84[0, 0, 0] : f32 from vector<1x1x1xf32>
      %div3A = arith.constant 4.096000e+03 : f32
      %div3A_86 = arith.divf %reduce_sum3A_85, %div3A : f32
      %swap3A_87 = arith.constant 3 : index
      %swap3A_88 = memref.load %arg6[%swap3A_87] : memref<8xf32, #tpu.memory_space<smem>>
      memref.store %div3A_86, %arg6[%swap3A_87] : memref<8xf32, #tpu.memory_space<smem>>
      %mul3A_89 = arith.constant 0.699999988 : f32
      %mul3A_90 = arith.mulf %mul3A_89, %get3A_70 : f32
      %floor3A = math.floor %mul3A_90 : f32
      %swap3A_91 = arith.constant 4 : index
      %swap3A_92 = memref.load %arg6[%swap3A_91] : memref<8xf32, #tpu.memory_space<smem>>
      memref.store %floor3A, %arg6[%swap3A_91] : memref<8xf32, #tpu.memory_space<smem>>
      %swap3A_93 = arith.constant 0.000000e+00 : f32
      %swap3A_94 = arith.constant 5 : index
      %swap3A_95 = memref.load %arg6[%swap3A_94] : memref<8xf32, #tpu.memory_space<smem>>
      memref.store %swap3A_93, %arg6[%swap3A_94] : memref<8xf32, #tpu.memory_space<smem>>
      %swap3A_96 = arith.constant 0.000000e+00 : f32
      %swap3A_97 = arith.constant 6 : index
      %swap3A_98 = memref.load %arg6[%swap3A_97] : memref<8xf32, #tpu.memory_space<smem>>
      memref.store %swap3A_96, %arg6[%swap3A_97] : memref<8xf32, #tpu.memory_space<smem>>
      %swap3A_99 = arith.constant 0.000000e+00 : f32
      %swap3A_100 = arith.constant 7 : index
      %swap3A_101 = memref.load %arg6[%swap3A_100] : memref<8xf32, #tpu.memory_space<smem>>
      memref.store %swap3A_99, %arg6[%swap3A_100] : memref<8xf32, #tpu.memory_space<smem>>
    } else {
    }
    return
  }
  func.func @transform_0(%arg0: i32) -> (i32, i32) {
    %c0_i32 = arith.constant 0 : i32
    %c0_i32_0 = arith.constant 0 : i32
    %c0_i32_1 = arith.constant 0 : i32
    return %c0_i32, %c0_i32_0 : i32, i32
  }
  func.func @transform_1(%arg0: i32) -> (i32, i32) {
    %c0_i32 = arith.constant 0 : i32
    %c0_i32_0 = arith.constant 0 : i32
    %c0_i32_1 = arith.constant 0 : i32
    return %c0_i32, %c0_i32_0 : i32, i32
  }
  func.func @transform_2(%arg0: i32) -> (i32, i32) {
    %c0_i32 = arith.constant 0 : i32
    %c0_i32_0 = arith.constant 0 : i32
    return %arg0, %c0_i32 : i32, i32
  }
  func.func @transform_3(%arg0: i32) -> (i32, i32) {
    %c0_i32 = arith.constant 0 : i32
    %c0_i32_0 = arith.constant 0 : i32
    return %arg0, %c0_i32 : i32, i32
  }
  func.func @transform_4(%arg0: i32) -> (i32, i32) {
    %c0_i32 = arith.constant 0 : i32
    %c0_i32_0 = arith.constant 0 : i32
    return %arg0, %c0_i32 : i32, i32
  }
  func.func @transform_5(%arg0: i32) -> i32 {
    %c0_i32 = arith.constant 0 : i32
    %c0_i32_0 = arith.constant 0 : i32
    return %c0_i32 : i32
  }
}

module attributes {stable_mosaic.version = 14 : i64} {
  func.func @_final_body(%arg0: memref<16384x128xi32, #tpu.memory_space<vmem>>, %arg1: memref<32x16xf32, #tpu.memory_space<vmem>>, %arg2: memref<8xf32, #tpu.memory_space<smem>>, %arg3: memref<8xf32, #tpu.memory_space<smem>>, %arg4: memref<1x1xf32, #tpu.memory_space<smem>>) attributes {dimension_semantics = [], scalar_prefetch = 0 : i64, scratch_operands = 0 : i64, tpu.core_type = #tpu.core_type<tc>} {
    %get3A = arith.constant 0 : index
    %get3A_0 = arith.constant 0 : index
    %get3A_1 = vector.load %arg0[%get3A, %get3A_0] : memref<16384x128xi32, #tpu.memory_space<vmem>>, vector<16384x128xi32>
    %reshape3A = vector.shape_cast %get3A_1 : vector<16384x128xi32> to vector<32x512x128xi32>
    %reduce_sum3A = arith.constant dense<0> : vector<512x128xi32>
    %reduce_sum3A_2 = vector.multi_reduction <add>, %reshape3A, %reduce_sum3A [0] : vector<32x512x128xi32> to vector<512x128xi32>
    %convert_element_type3A = arith.sitofp %reduce_sum3A_2 : vector<512x128xi32> to vector<512x128xf32>
    %iota3A = tpu.iota {dimensions = array<i32: 0>} : vector<128x128xi32>
    %iota3A_3 = tpu.iota {dimensions = array<i32: 1>} : vector<128x128xi32>
    %gt3A = arith.cmpi sgt, %iota3A, %iota3A_3 : vector<128x128xi32>
    %convert_element_type3A_4 = arith.extui %gt3A : vector<128x128xi1> to vector<128x128xi32>
    %convert_element_type3A_5 = arith.sitofp %convert_element_type3A_4 : vector<128x128xi32> to vector<128x128xf32>
    %dot_general3A = arith.constant dense<0.000000e+00> : vector<512x128xf32>
    %dot_general3A_6 = tpu.matmul %convert_element_type3A, %convert_element_type3A_5, %dot_general3A {dimension_numbers = #tpu.dot_dimension_numbers<[1], [0], [0], [1], [0, 0, 1, 1], [], []>, transpose_lhs_hint = false} : vector<512x128xf32>, vector<128x128xf32>, vector<512x128xf32> -> vector<512x128xf32>
    %iota3A_7 = tpu.iota {dimensions = array<i32: 0>} : vector<512x512xi32>
    %iota3A_8 = tpu.iota {dimensions = array<i32: 1>} : vector<512x512xi32>
    %gt3A_9 = arith.cmpi sgt, %iota3A_8, %iota3A_7 : vector<512x512xi32>
    %convert_element_type3A_10 = arith.extui %gt3A_9 : vector<512x512xi1> to vector<512x512xi32>
    %convert_element_type3A_11 = arith.sitofp %convert_element_type3A_10 : vector<512x512xi32> to vector<512x512xf32>
    %reduce_sum3A_12 = arith.constant dense<0.000000e+00> : vector<512xf32>
    %reduce_sum3A_13 = vector.multi_reduction <add>, %convert_element_type3A, %reduce_sum3A_12 [1] : vector<512x128xf32> to vector<512xf32>
    %broadcast_in_dim3A = vector.shape_cast %reduce_sum3A_13 : vector<512xf32> to vector<512x1xf32>
    %dot_general3A_14 = arith.constant dense<0.000000e+00> : vector<512x1xf32>
    %dot_general3A_15 = tpu.matmul %convert_element_type3A_11, %broadcast_in_dim3A, %dot_general3A_14 {dimension_numbers = #tpu.dot_dimension_numbers<[1], [0], [0], [1], [0, 0, 1, 1], [], []>, transpose_lhs_hint = false} : vector<512x512xf32>, vector<512x1xf32>, vector<512x1xf32> -> vector<512x1xf32>
    %add3A = vector.broadcast %dot_general3A_15 : vector<512x1xf32> to vector<512x128xf32>
    %add3A_16 = arith.addf %dot_general3A_6, %add3A : vector<512x128xf32>
    %get3A_17 = arith.constant 4 : index
    %get3A_18 = memref.load %arg2[%get3A_17] : memref<8xf32, #tpu.memory_space<smem>>
    %get3A_19 = arith.constant 1 : index
    %get3A_20 = memref.load %arg3[%get3A_19] : memref<8xf32, #tpu.memory_space<smem>>
    %get3A_21 = arith.constant 0 : index
    %get3A_22 = memref.load %arg3[%get3A_21] : memref<8xf32, #tpu.memory_space<smem>>
    %convert_element_type3A_23 = arith.fptosi %get3A_22 : f32 to i32
    %add3A_24 = vector.broadcast %get3A_20 : f32 to vector<512x128xf32>
    %add3A_25 = arith.addf %add3A_24, %add3A_16 : vector<512x128xf32>
    %ge3A = vector.broadcast %get3A_18 : f32 to vector<512x128xf32>
    %ge3A_26 = arith.cmpf oge, %add3A_25, %ge3A : vector<512x128xf32>
    %convert_element_type3A_27 = arith.extui %ge3A_26 : vector<512x128xi1> to vector<512x128xi32>
    %reduce_sum3A_28 = vector.shape_cast %convert_element_type3A_27 : vector<512x128xi32> to vector<1x512x128xi32>
    %reduce_sum3A_29 = arith.constant dense<0> : vector<1xi32>
    %reduce_sum3A_30 = vector.multi_reduction <add>, %reduce_sum3A_28, %reduce_sum3A_29 [1, 2] : vector<1x512x128xi32> to vector<1xi32>
    %reduce_sum3A_31 = vector.shape_cast %reduce_sum3A_30 : vector<1xi32> to vector<1x1x1xi32>
    %reduce_sum3A_32 = vector.extract %reduce_sum3A_31[0, 0, 0] : i32 from vector<1x1x1xi32>
    %iota3A_33 = tpu.iota {dimensions = array<i32: 0>} : vector<512x128xi32>
    %iota3A_34 = tpu.iota {dimensions = array<i32: 1>} : vector<512x128xi32>
    %mul3A = arith.constant 128 : i32
    %mul3A_35 = vector.broadcast %mul3A : i32 to vector<512x128xi32>
    %mul3A_36 = arith.muli %iota3A_33, %mul3A_35 : vector<512x128xi32>
    %add3A_37 = arith.addi %mul3A_36, %iota3A_34 : vector<512x128xi32>
    %mul3A_38 = arith.constant 65536 : i32
    %mul3A_39 = arith.muli %convert_element_type3A_23, %mul3A_38 : i32
    %add3A_40 = vector.broadcast %mul3A_39 : i32 to vector<512x128xi32>
    %add3A_41 = arith.addi %add3A_40, %add3A_37 : vector<512x128xi32>
    %bitcast_convert_type3A = tpu.bitcast %add3A_41 : vector<512x128xi32> -> vector<512x128xf32>
    %convert_element_type3A_42 = arith.sitofp %reduce_sum3A_2 : vector<512x128xi32> to vector<512x128xf32>
    %gt3A_43 = vector.broadcast %reduce_sum3A_32 : i32 to vector<512x128xi32>
    %gt3A_44 = arith.cmpi sgt, %add3A_37, %gt3A_43 : vector<512x128xi32>
    %jit3A = arith.constant 0.000000e+00 : f32
    %broadcast_in_dim3A_45 = vector.broadcast %jit3A : f32 to vector<512x128xf32>
    %select_n3A = arith.select %gt3A_44, %convert_element_type3A_42, %broadcast_in_dim3A_45 : vector<512x128xi1>, vector<512x128xf32>
    %reduce_sum3A_46 = vector.shape_cast %select_n3A : vector<512x128xf32> to vector<1x512x128xf32>
    %reduce_sum3A_47 = arith.constant dense<0.000000e+00> : vector<1xf32>
    %reduce_sum3A_48 = vector.multi_reduction <add>, %reduce_sum3A_46, %reduce_sum3A_47 [1, 2] : vector<1x512x128xf32> to vector<1xf32>
    %reduce_sum3A_49 = vector.shape_cast %reduce_sum3A_48 : vector<1xf32> to vector<1x1x1xf32>
    %reduce_sum3A_50 = vector.extract %reduce_sum3A_49[0, 0, 0] : f32 from vector<1x1x1xf32>
    %mul3A_51 = arith.mulf %convert_element_type3A_42, %bitcast_convert_type3A : vector<512x128xf32>
    %jit3A_52 = arith.constant 0.000000e+00 : f32
    %broadcast_in_dim3A_53 = vector.broadcast %jit3A_52 : f32 to vector<512x128xf32>
    %select_n3A_54 = arith.select %gt3A_44, %mul3A_51, %broadcast_in_dim3A_53 : vector<512x128xi1>, vector<512x128xf32>
    %reduce_sum3A_55 = vector.shape_cast %select_n3A_54 : vector<512x128xf32> to vector<1x512x128xf32>
    %reduce_sum3A_56 = arith.constant dense<0.000000e+00> : vector<1xf32>
    %reduce_sum3A_57 = vector.multi_reduction <add>, %reduce_sum3A_55, %reduce_sum3A_56 [1, 2] : vector<1x512x128xf32> to vector<1xf32>
    %reduce_sum3A_58 = vector.shape_cast %reduce_sum3A_57 : vector<1xf32> to vector<1x1x1xf32>
    %reduce_sum3A_59 = vector.extract %reduce_sum3A_58[0, 0, 0] : f32 from vector<1x1x1xf32>
    %get3A_60 = arith.constant 0 : index
    %get3A_61 = arith.constant 0 : index
    %get3A_62 = vector.load %arg1[%get3A_60, %get3A_61] : memref<32x16xf32, #tpu.memory_space<vmem>>, vector<32x16xf32>
    %reduce_sum3A_63 = vector.shape_cast %get3A_62 : vector<32x16xf32> to vector<1x32x16xf32>
    %reduce_sum3A_64 = arith.constant dense<0.000000e+00> : vector<1xf32>
    %reduce_sum3A_65 = vector.multi_reduction <add>, %reduce_sum3A_63, %reduce_sum3A_64 [1, 2] : vector<1x32x16xf32> to vector<1xf32>
    %reduce_sum3A_66 = vector.shape_cast %reduce_sum3A_65 : vector<1xf32> to vector<1x1x1xf32>
    %reduce_sum3A_67 = vector.extract %reduce_sum3A_66[0, 0, 0] : f32 from vector<1x1x1xf32>
    %mul3A_68 = arith.constant 65536 : i32
    %mul3A_69 = arith.muli %convert_element_type3A_23, %mul3A_68 : i32
    %add3A_70 = arith.addi %mul3A_69, %reduce_sum3A_32 : i32
    %bitcast_convert_type3A_71 = arith.bitcast %add3A_70 : i32 to f32
    %add3A_72 = arith.addf %get3A_20, %reduce_sum3A_50 : f32
    %add3A_73 = arith.addf %reduce_sum3A_67, %reduce_sum3A_59 : f32
    %sub3A = arith.subf %get3A_18, %add3A_72 : f32
    %mul3A_74 = arith.mulf %sub3A, %bitcast_convert_type3A_71 : f32
    %add3A_75 = arith.addf %add3A_73, %mul3A_74 : f32
    %div3A = arith.divf %add3A_75, %get3A_18 : f32
    %get3A_76 = arith.constant 0 : index
    %get3A_77 = memref.load %arg2[%get3A_76] : memref<8xf32, #tpu.memory_space<smem>>
    %get3A_78 = arith.constant 1 : index
    %get3A_79 = memref.load %arg2[%get3A_78] : memref<8xf32, #tpu.memory_space<smem>>
    %div3A_80 = arith.divf %get3A_77, %get3A_79 : f32
    %get3A_81 = arith.constant 3 : index
    %get3A_82 = memref.load %arg2[%get3A_81] : memref<8xf32, #tpu.memory_space<smem>>
    %add3A_83 = arith.addf %get3A_82, %div3A_80 : f32
    %add3A_84 = arith.addf %add3A_83, %div3A : f32
    %swap3A = arith.constant 0 : index
    %swap3A_85 = arith.constant 0 : index
    %swap3A_86 = memref.load %arg4[%swap3A, %swap3A_85] : memref<1x1xf32, #tpu.memory_space<smem>>
    memref.store %add3A_84, %arg4[%swap3A, %swap3A_85] : memref<1x1xf32, #tpu.memory_space<smem>>
    return
  }
}

</mosaic_0001>

<sc_bundles>
// kernel: kernel.10.cloned.1.call-start
scs
__scs_entry_jumppad:
0x0: {  	(pc) =	sbr.rel $0x88, $3  }
0x1: {  	(tag) =	ssettag $0x0;
	lr =	simm.s32 $0x1  }
0x2: {  	[smem:$0x3F9D] =	sst lr;
	_ =	strace $0xD0000000  }
0x3: {  	_ = 	snop  }
0x4: {  	_ = 	snop  }
0x5: {  	_ = 	snop  }
0x6: {  	_ = 	snop  }
0x7: {  	_ = 	snop  }
__scs_overlays_trampoline_lowered:
0x8: {  	[smem:$0x3FAC] =	sst s0  }
0x9: {  	[smem:$0x3FAD] =	sst s1  }
0xa: {  	[smem:$0x3FAE] =	sst s2  }
0xb: {  	[smem:$0x3FAF] =	sst s3  }
0xc: {  	[smem:$0x3FB0] =	sst s4  }
0xd: {  	[smem:$0x3FB1] =	sst s5  }
0xe: {  	[smem:$0x3FB2] =	sst s6  }
0xf: {  	[smem:$0x3FB3] =	sst s7  }
0x10: {  	[smem:$0x3FB4] =	sst s8  }
0x11: {  	[smem:$0x3FB5] =	sst s9;
	s0 =	simm.s32 @!p0 $0x0  }
0x12: {  	s1 =	sld [smem:$0x3F9B];
	s0 =	simm.s32 @p0 $0x1  }
0x13: {  	[smem:$0x3FB6] =	sst s0;
	s0 =	simm.s32 @!p1 $0x0  }
0x14: {  	s2 =	sld [smem:$0x3F9A];
	s0 =	simm.s32 @p1 $0x1  }
0x15: {  	[smem:$0x3FB7] =	sst s0;
	s0 =	simm.s32 @!p2 $0x0  }
0x16: {  	s3 =	sld [smem:$0x3FDB];
	s0 =	simm.s32 @p2 $0x1  }
0x17: {  	s4 =	simm.s32 $0x1BF5;
	[smem:$0x3FB9] =	sst s0  }
0x18: {  	s0 =	sld [smem:$0x3F9C];
	_ =	swait.ge [sflag:s4], $0x0  }
0x19: {  	s7 =	sld [smem:$0x3F9D]  }
0x1a: {  	s8 =	sadd.s32 $0xFFFFE003, lr  }
0x1b: {  	s9 =	sadd.s32 $0xFFFFFEF7, lr;
	s5 =	simm.s32 $0xFFFFFFFF;
	p2 =	slt.u32 s8, $0xFFFFF086  }
0x1c: {  	p1 =	slt.u32 s9, $0xF7A;
	s5 =	simm.s32 @!p2 $0x0  }
0x1d: {  	s5 =	simm.s32 @p1 $0x1;
	p0 =	seq.s32 s7, s2  }
0x1e: {  	s7 =	smul.u32 @!p0 $0xF7A, s2;
	p2 =	seq.s32 @!p0 s5, $0x0  }
0x1f: {  	s9 =	smul.u32 $0xF7A, s1;
	s8 =	simm.s32 @!p0 $0x1BF5;
	p2 =	por !p2, p0  }
0x20: {  	[sflag:s8] =	ssyncset.s32 @!p0 $0xFFFFF086;
	s6 =	sadd.s32 @!p0 s3, s7;
	s7 =	simm.s32 @!p0 $0x108  }
0x21: {  	s3 =	sadd.s32 s3, s9;
	s6 =	sadd.s32 @!p0 $0x88, s6;
	s7 =	simm.s32 @p2 $0x1082  }
0x22: {  	[simem:s7], [sflag:s8] =	dma.local @!p0 [hbm:s6], $0xF7A  }
0x23: {  	s9 =	sor.u32 $0xD0000000, s2;
	s6 =	simm.s32 $0x108;
	_ =	swait.ge @!p0 [sflag:s8], $0x0  }
0x24: {  	s3 =	sadd.s32 $0x88, s3;
	s6 =	simm.s32 @!p1 $0x1082;
	[sflag:s4] =	ssyncset.s32 $0xFFFFF086  }
0x25: {  	[simem:s6], [sflag:s4] =	dma.local [hbm:s3], $0xF7A  }
0x26: {  	[smem:$0x3F9D] =	sst s1;
	(tag) =	ssettag s2;
	_ =	strace s9  }
0x27: {  	s1 =	sld [smem:$0x3FAD]  }
0x28: {  	s2 =	sld [smem:$0x3FAE]  }
0x29: {  	s4 =	sld [smem:$0x3FB0]  }
0x2a: {  	p0 =	seq.s32 s5, $0x0;
	s5 =	sld [smem:$0x3FB1]  }
0x2b: {  	s6 =	sld [smem:$0x3FB2]  }
0x2c: {  	s7 =	sld [smem:$0x3FB3]  }
0x2d: {  	s3 =	simm.s32 $0x108;
	s8 =	sld [smem:$0x3FB4]  }
0x2e: {  	s3 =	simm.s32 @!p0 $0x1082;
	s9 =	sld [smem:$0x3FB5]  }
0x2f: {  	lr =	sadd.s32 s0, s3;
	s0 =	sld [smem:$0x3FAC]  }
0x30: {  	s3 =	sld [smem:$0x3FAF]  }
0x31: {  	[smem:$0x3FB8] =	sst s10  }
0x32: {  	s10 =	sld [smem:$0x3FB6];
	_ =	sdelay $0x3  }
0x33: {  	p0 =	seq.s32 s10, $0x1;
	s10 =	sld [smem:$0x3FB8];
	_ =	sdelay $0x3  }
0x34: {  	[smem:$0x3FB8] =	sst s10  }
0x35: {  	s10 =	sld [smem:$0x3FB7];
	_ =	sdelay $0x3  }
0x36: {  	p1 =	seq.s32 s10, $0x1;
	s10 =	sld [smem:$0x3FB8];
	_ =	sdelay $0x3  }
0x37: {  	[smem:$0x3FB8] =	sst s10  }
0x38: {  	s10 =	sld [smem:$0x3FB9]  }
0x39: {  	_ = 	snop;
	(pc) =	sbr.ind lr, $3  }
0x3a: {  	_ = 	snop  }
0x3b: {  	_ = 	snop  }
0x3c: {  	p2 =	seq.s32 s10, $0x1;
	s10 =	sld [smem:$0x3FB8]  }
0x3d: {  	_ =	shalt  }
0x3e: {  	_ =	shalt  }
0x3f: {  	_ =	shalt  }
0x40: {  	_ =	shalt  }
0x41: {  	_ =	shalt  }
0x42: {  	_ =	shalt  }
0x43: {  	_ =	shalt  }
0x44: {  	_ =	shalt  }
0x45: {  	_ =	shalt  }
0x46: {  	_ =	shalt  }
0x47: {  	_ =	shalt  }
0x48: {  	_ =	shalt  }
0x49: {  	_ =	shalt  }
0x4a: {  	_ =	shalt  }
0x4b: {  	_ =	shalt  }
0x4c: {  	_ =	shalt  }
0x4d: {  	_ =	shalt  }
0x4e: {  	_ =	shalt  }
0x4f: {  	_ =	shalt  }
0x50: {  	_ =	shalt  }
0x51: {  	_ =	shalt  }
0x52: {  	_ =	shalt  }
0x53: {  	_ =	shalt  }
0x54: {  	_ =	shalt  }
0x55: {  	_ =	shalt  }
0x56: {  	_ =	shalt  }
0x57: {  	_ =	shalt  }
0x58: {  	_ =	shalt  }
0x59: {  	_ =	shalt  }
0x5a: {  	_ =	shalt  }
0x5b: {  	_ =	shalt  }
0x5c: {  	_ =	shalt  }
0x5d: {  	_ =	shalt  }
0x5e: {  	_ =	shalt  }
0x5f: {  	_ =	shalt  }
0x60: {  	_ =	shalt  }
0x61: {  	_ =	shalt  }
0x62: {  	_ =	shalt  }
0x63: {  	_ =	shalt  }
0x64: {  	_ =	shalt  }
0x65: {  	_ =	shalt  }
0x66: {  	_ =	shalt  }
0x67: {  	_ =	shalt  }
0x68: {  	_ =	shalt  }
0x69: {  	_ =	shalt  }
0x6a: {  	_ =	shalt  }
0x6b: {  	_ =	shalt  }
0x6c: {  	_ =	shalt  }
0x6d: {  	_ =	shalt  }
0x6e: {  	_ =	shalt  }
0x6f: {  	_ =	shalt  }
0x70: {  	_ =	shalt  }
0x71: {  	_ =	shalt  }
0x72: {  	_ =	shalt  }
0x73: {  	_ =	shalt  }
0x74: {  	_ =	shalt  }
0x75: {  	_ =	shalt  }
0x76: {  	_ =	shalt  }
0x77: {  	_ =	shalt  }
0x78: {  	_ =	shalt  }
0x79: {  	_ =	shalt  }
0x7a: {  	_ =	shalt  }
0x7b: {  	_ =	shalt  }
0x7c: {  	_ =	shalt  }
0x7d: {  	_ =	shalt  }
0x7e: {  	_ =	shalt  }
0x7f: {  	_ =	shalt  }
0x80: {  	_ =	shalt  }
0x81: {  	_ =	shalt  }
0x82: {  	_ =	shalt  }
0x83: {  	_ =	shalt  }
0x84: {  	_ =	shalt  }
0x85: {  	_ =	shalt  }
0x86: {  	_ =	shalt  }
0x87: {  	_ =	shalt  }
.Lfunc_end0:
.L_simem_size_0:
called_computation.1_lowered:
.L_overlay_start_0:
0x88: {  	s2 =	sld [smem:$0x3FD9]  }
0x89: {  	s3 =	sld [smem:$0x3FFE];
	_ =	sdelay $0x1  }
0x8a: {  	s1 =	srdreg.scid  }
0x8b: {  	s0 =	sand.u32 $0x1, s1  }
0x8c: {  	s16 =	sshll.u32 s0, $0xA;
	s2 =	sadd.s32 s3, s2  }
0x8d: {  	s2 =	sadd.s32 s2, s16  }
0x8e: {  	[smem:$0x3FC4] =	sst s2  }
0x8f: {  	_ = 	snop  }
0x90: {  	(tm) =	ssettm $0x1  }
0x91: {  	s17 =	sld [smem:$0x3FFB];
	_ =	sdelay $0x3  }
0x92: {  	_ =	strace s17  }
0x93: {  	s2 =	sld [smem:$0x3FFC];
	_ =	sdelay $0x3  }
0x94: {  	_ =	strace s2  }
0x95: {  	s2 =	sld [smem:$0x3FFD];
	_ =	sdelay $0x3  }
0x96: {  	_ =	strace s2  }
0x97: {  	_ =	strace $0x8FFFFFFF  }
0x98: {  	s18 =	sld [smem:$0x3FDB];
	_ =	sdelay $0x1  }
0x99: {  	s19 =	simm.s32 $_scs_section_size  }
0x9a: {  	s4 =	simm.s32 $_size__tile_overlayer_lowered;
	s5 =	simm.s32 $_tile_overlayer_lowered  }
0x9b: {  	s22 =	simm.s32 $0x1BFF;
	s21 =	sshll.u32 s5, $0x1;
	s2 =	sadd.s32 s19, s18  }
0x9c: {  	s6 =	simm.s32 $0x0;
	s20 =	sshll.u32 s4, $0x1;
	s4 =	sadd.s32 s21, s2  }
0x9d: {  	[timem:s6], [sflag:s22] =	dma.local [hbm:s4], s20  }
0x9e: {  	_ =	swait.ge [sflag:s22], s20  }
0x9f: {  	s3 =	ssub.s32 $0x0, s20;
	[sflag:s22] =	ssyncset.done $0x0  }
0xa0: {  	[sflag:s22] =	ssyncadd.s32 s3;
	_ =	sdelay $0x1  }
0xa1: {  	s23 =	simm.s32 $0x1B8B  }
0xa2: {  	_ =	swait.ge [sflag:s23], $0x1  }
0xa3: {  	[sflag:s23] =	ssyncset.done $0x0  }
0xa4: {  	s25 =	simm.s32 $0x1B8E;
	s24 =	sld [smem:$0x3FFE];
	[sflag:s23] =	ssyncadd.s32 $0xFFFFFFFF  }
0xa5: {  	s26 =	simm.s32 $execute0_lowered;
	[smem:$0x3FD2] =	sst s25  }
0xa6: {  	s4 =	sshll.u32 s26, $0x1;
	_ =	strace $0x80000049;
	[dreg:$0x1] =	wrdreg $0xFFFFFFFF  }
0xa7: {  	s28 =	simm.s32 $_size_execute0_lowered;
	s2 =	sadd.s32 s2, s4;
	[dreg:$0x0] =	wrdreg $0x0  }
0xa8: {  	s4 =	sshll.u32 s28, $0x1;
	[dreg:$0x2] =	wrdreg s2  }
0xa9: {  	[dreg:$0x3] =	wrdreg s4  }
0xaa: {  	[dreg:$0x4] =	wrdreg $0xC0  }
0xab: {  	_ =	task [dreg:s6], $0x5FFFF  }
0xac: {  	[dreg:$0x1] =	wrdreg $0xFFFFFFFF  }
0xad: {  	[dreg:$0x0] =	wrdreg $0x60  }
0xae: {  	[dreg:$0x2] =	wrdreg s24  }
0xaf: {  	[dreg:$0x3] =	wrdreg $0x9  }
0xb0: {  	_ =	task.clear_ibuf [dreg:s6], $0x4FFFF;
	_ =	strace $0x90000049  }
0xb1: {  	s29 =	simm.s32 $0x9;
	_ =	strace $0x8000004B  }
0xb2: {  	_ =	swait.ge [sflag:s29], $0x1  }
0xb3: {  	[sflag:s29] =	ssyncadd.s32 $0xFFFFFFFF  }
0xb4: {  	_ =	strace $0x9000004B  }
0xb5: {  	_ =	sfence  }
0xb6: {  	s30 =	sld [smem:$0x0];
	_ =	sdelay $0x2  }
0xb7: {  	s31 =	sshll.u32 s1, $0xD;
	s1 =	sshrl.u32 s1, $0x2  }
0xb8: {  	s3 =	sand.u32 $0x4000, s31;
	s1 =	sadd.s32 s1, s30  }
0xb9: {  	s0 =	sor.u32 s3, s0;
	s1 =	sshll.u32 s1, $0x11  }
0xba: {  	s0 =	sor.u32 s1, s0  }
0xbb: {  	s0 =	sadd.s32 $0x8F2B, s0  }
0xbc: {  	[sflag:s0] =	ssyncadd.remote.s32 $0x1  }
0xbd: {  	_ =	sfence.sel $0xFFFF  }
0xbe: {  	[dreg:$0x0] =	wrdreg $0xFFFFFFFF;
	(pc) =	sbr.abs _section_cstart, $3  }
0xbf: {  	[dreg:$0x1] =	wrdreg $0xFFFFFFFF  }
0xc0: {  	_ =	task.clear_ibuf [dreg:s6], $0x2FFFF;
	_ =	strace $0x9FFFFFFF  }
0xc1: {  	(tm) =	ssettm $0x7FFFFFFF  }
tec
execute0_lowered:
.L_overlay_start_1:
0x0: {  	(tag) =	ssettag $0x1  }
0x1: {  	s1 =	srdreg.scid  }
0x2: {  	s0 =	stileid.u32;
	s4 =	rddreg [dreg:$0x0];
	s2 =	simm.s32 $0x0  }
0x3: {  	s12 =	simm.s32 $0x3;
	s13 =	simm.s32 $0x200;
	s14 =	simm.s32 $0x400  }
0x4: {  	s15 =	simm.s32 $0x4000;
	s16 =	simm.s32 $0x1;
	s17 =	simm.s32 $0x8000  }
0x5: {  	s18 =	simm.s32 $0x2;
	s19 =	simm.s32 $0x80;
	s20 =	simm.s32 $0x18080  }
0x6: {  	s21 =	simm.s32 $0x0;
	s5 =	sand.u32 $0x1, s1;
	s1 =	rddreg [dreg:$0x1]  }
0x7: {  	s3 =	sshll.u32 s0, $0x1;
	[smem:$0x7FF] =	sst s2;
	s7 =	sshrl.u32 s0, $0x2  }
0x8: {  	s6 =	sor.u32 s5, s3;
	_ =	strace $0x8000004A;
	s8 =	sshll.u32 s7, $0x13  }
0x9: {  	s7 =	sshll.u32 s7, $0xA;
	s5 =	ssub.s32 $0x2, s5;
	s3 =	sshll.u32 s6, $0xE  }
0xa: {  	s6 =	sshll.u32 s6, $0x7;
	s31 =	sshrl.u32 s5, $0x1;
	s10 =	sadd.s32 s3, s4  }
0xb: {  	s3 =	sadd.s32 $0x81200, s4;
	s6 =	sand.u32 $0x380, s6;
	s11 =	ssub.s32 s5, s31  }
.Ltmp0:
0xc: {  	s8 =	sor.u32 s8, s6;
	s6 =	sor.u32 s7, s6;
	(pc) =	sbr.rel .LBB2_1-.Ltmp0, $4  }
0xd: {  	s5 =	sadd.s32 $0x1240, s10;
	s30 =	sshrl.u32 s8, $0x3;
	s6 =	sshrl.u32 s6, $0x3  }
0xe: {  	s7 =	sadd.s32 s30, s4;
	s9 =	sadd.s32 s6, s4;
	s4 =	sadd.s32 $0x1200, s10  }
0xf: {  	s6 =	sadd.s32 $0x2200, s10;
	s10 =	sadd.s32 $0x2240, s10;
	s7 =	sadd.s32 $0x81400, s7  }
0x10: {  	v0 =	vimm.s32 $0x0;
	v1 =	vimm.s32 $0x1;
	s8 =	sadd.s32 $0xC1400, s9;
	s9 =	smax.u32 s11, $0x1;
	s11 =	simm.s32 $0x18000  }
.LBB2_22:
0x11: {  	[tilespmem:$0x18080] =	vst v3  }
0x12: {  	[hbm4b:s7+s19] =	stream.strided.scatter [tilespmem:s17], [sflag:$0x3], $0x10000, s14, s19, $0x38;
	[tilespmem:$0x18100] =	vst v63  }
0x13: {  	s21 =	sadd.s32 $0x1, s21;
	_ =	swait.ge [sflag:s12], $0x10000  }
0x14: {  	p0 =	sne.s32 s21, s9;
	[sflag:s12] =	ssyncset.done $0x0  }
.Ltmp1:
0x15: {  	[sflag:s12] =	ssyncadd.s32 $0xFFFF0000;
	(pc) =	sbr.rel @!p0 .LBB2_23-.Ltmp1, $4  }
0x16: {  	[hbm4b:s8+s2] =	stream.linear.scatter [tilespmem:s20], [sflag:$0x3], $0x80, $0x38;
	[tilespmem:$0x18100] =	vst v63  }
0x17: {  	_ =	swait.ge [sflag:s12], $0x80  }
0x18: {  	[sflag:s12] =	ssyncset.done $0x0  }
0x19: {  	[sflag:s12] =	ssyncadd.s32 $0xFFFFFF80  }
.LBB2_1:
0x1a: {  	[tilespmem:s11], [sflag:$0x3] =	stream.linear.gather [hbm4b:s3+s2], $0x80, $0x38;
	[tilespmem:$0x18100] =	vst v63  }
0x1b: {  	_ =	swait.ge [sflag:s12], $0x80  }
0x1c: {  	[sflag:s12] =	ssyncset.done $0x0  }
0x1d: {  	s22 =	simm.s32 $0x8080;
	[sflag:s12] =	ssyncadd.s32 $0xFFFFFF80  }
0x1e: {  	v2 =	vld [tilespmem:$0x18000];
	[tilespmem:s22+$0xFFFFFF80] =	vst v0  }
0x1f: {  	[tilespmem:s22+$0x70] =	vst v0  }
0x20: {  	[tilespmem:s22+$0x60] =	vst v0  }
0x21: {  	[tilespmem:s22+$0x50] =	vst v0  }
0x22: {  	[tilespmem:s22+$0x40] =	vst v0  }
0x23: {  	[tilespmem:s22+$0x30] =	vst v0  }
0x24: {  	[tilespmem:s22+$0x20] =	vst v0  }
0x25: {  	[tilespmem:s22+$0x10] =	vst v0  }
0x26: {  	[tilespmem:s22+$0x0] =	vst v0  }
0x27: {  	[tilespmem:s22+$0xFFFFFFF0] =	vst v0  }
0x28: {  	[tilespmem:s22+$0xFFFFFFE0] =	vst v0  }
0x29: {  	[tilespmem:s22+$0xFFFFFFD0] =	vst v0  }
0x2a: {  	[tilespmem:s22+$0xFFFFFFC0] =	vst v0  }
0x2b: {  	[tilespmem:s22+$0xFFFFFFB0] =	vst v0  }
0x2c: {  	s23 =	simm.s32 $0x0;
	[tilespmem:s22+$0xFFFFFFA0] =	vst v0  }
.LBB2_2:
0x2d: {  	s23 =	sadd.s32 $0x10, s23;
	[tilespmem:s22+$0xFFFFFF90] =	vst v0;
	s22 =	sadd.s32 $0x100, s22  }
0x2e: {  	[tilespmem:s22+$0xFFFFFF80] =	vst v0;
	p0 =	slt.u32 s23, $0xFF0  }
0x2f: {  	[tilespmem:s22+$0x70] =	vst v0  }
0x30: {  	[tilespmem:s22+$0x60] =	vst v0  }
0x31: {  	[tilespmem:s22+$0x50] =	vst v0  }
0x32: {  	[tilespmem:s22+$0x40] =	vst v0  }
0x33: {  	[tilespmem:s22+$0x30] =	vst v0  }
0x34: {  	[tilespmem:s22+$0x20] =	vst v0  }
0x35: {  	[tilespmem:s22+$0x10] =	vst v0  }
0x36: {  	[tilespmem:s22+$0x0] =	vst v0  }
0x37: {  	[tilespmem:s22+$0xFFFFFFF0] =	vst v0  }
.Ltmp2:
0x38: {  	[tilespmem:s22+$0xFFFFFFE0] =	vst v0;
	(pc) =	sbr.rel @p0 .LBB2_2-.Ltmp2, $4  }
0x39: {  	[tilespmem:s22+$0xFFFFFFD0] =	vst v0  }
0x3a: {  	[tilespmem:s22+$0xFFFFFFC0] =	vst v0  }
0x3b: {  	[tilespmem:s22+$0xFFFFFFB0] =	vst v0  }
0x3c: {  	[tilespmem:s22+$0xFFFFFFA0] =	vst v0  }
0x3d: {  	[tilespmem:s22+$0xFFFFFF90] =	vst v0;
	s22 =	simm.s32 $0x0  }
0x3e: {  	[tilespmem:s22], [sflag:$0x1] =	stream.strided.gather [hbm4b:s4+s13], $0x4000, s14, s13, $0x38;
	[tilespmem:$0x18100] =	vst v63  }
0x3f: {  	_ = 	snop  }
0x40: {  	v3 =	vimm.f32 $0.0e+00;
	[tilespmem:s15], [sflag:$0x2] =	stream.strided.gather [hbm4b:s5+s13], $0x4000, s14, s13, $0x38;
	[tilespmem:$0x18100] =	vst v63  }
.LBB2_4:
0x41: {  	_ =	swait.ge [sflag:s16], $0x4000  }
0x42: {  	[sflag:s16] =	ssyncset.done $0x0  }
0x43: {  	s23 =	simm.s32 $0x200;
	[sflag:s16] =	ssyncadd.s32 $0xFFFFC000  }
0x44: {  	v4 =	vld [tilespmem:s23+$0xFFFFFE00];
	_ =	sdelay $0x1  }
0x45: {  	v5 =	vld [tilespmem:s23+$0xFFFFFE10]  }
0x46: {  	v6 =	vld [tilespmem:s23+$0xFFFFFE20];
	_ =	sdelay $0x1  }
0x47: {  	v7 =	vshrl.u32 v4, $0x10  }
0x48: {  	v8 =	vand.u32 $0xFFFF, v4;
	vm0 =	veq.s32 v7, v2;
	vm1 =	vgt.s32 v7, v2;
	v7 =	vld [tilespmem:s23+$0xFFFFFE30]  }
0x49: {  	v9 =	vshrl.u32 v5, $0x10;
	v10 =	vand.u32 $0xFFFF, v5;
	v4 =	vnsel vm1, $0x0, v4  }
0x4a: {  	v11 =	vand.u32 $0xFFFF, v6;
	vm2 =	vgt.s32 v9, v2;
	v3 =	vadd.f32 v4, v3;
	v4 =	vld [tilespmem:s23+$0xFFFFFE40]  }
0x4b: {  	vm1 =	veq.s32 v9, v2;
	v5 =	vnsel vm2, $0x0, v5;
	v9 =	vshrl.u32 v6, $0x10  }
0x4c: {  	vm2 =	veq.s32 v9, v2;
	vm3 =	vgt.s32 v9, v2;
	v3 =	vadd.f32 v5, v3;
	v5 =	vld [tilespmem:s23+$0xFFFFFE50]  }
0x4d: {  	v14 =	vld [tilespmem:s23+$0x40];
	v6 =	vnsel vm3, $0x0, v6;
	v9 =	vshrl.u32 v7, $0x10;
	v12 =	vand.u32 $0xFFFF, v7  }
0x4e: {  	v3 =	vadd.f32 v6, v3;
	vm3 =	veq.s32 v9, v2;
	vm4 =	vgt.s32 v9, v2;
	v6 =	vld [tilespmem:s23+$0xFFFFFE60]  }
0x4f: {  	[tilespmem:v8+s17+$0x0] =	vst.idx.add.s32.msk vm0, v1;
	v7 =	vnsel vm4, $0x0, v7;
	v8 =	vshrl.u32 v4, $0x10;
	v9 =	vand.u32 $0xFFFF, v4  }
0x50: {  	v3 =	vadd.f32 v7, v3;
	vm0 =	veq.s32 v8, v2;
	vm11 =	vgt.s32 v8, v2;
	v7 =	vld [tilespmem:s23+$0xFFFFFE70]  }
0x51: {  	[tilespmem:v10+s17+$0x0] =	vst.idx.add.s32.msk vm1, v1;
	v4 =	vnsel vm11, $0x0, v4;
	v8 =	vshrl.u32 v5, $0x10;
	v10 =	vand.u32 $0xFFFF, v5  }
0x52: {  	v3 =	vadd.f32 v4, v3;
	vm1 =	veq.s32 v8, v2;
	vm12 =	vgt.s32 v8, v2;
	v4 =	vld [tilespmem:s23+$0x0]  }
0x53: {  	[tilespmem:v11+s17+$0x0] =	vst.idx.add.s32.msk vm2, v1;
	v5 =	vnsel vm12, $0x0, v5;
	v8 =	vshrl.u32 v6, $0x10;
	v11 =	vand.u32 $0xFFFF, v6  }
0x54: {  	v3 =	vadd.f32 v5, v3;
	vm2 =	veq.s32 v8, v2;
	vm13 =	vgt.s32 v8, v2;
	v5 =	vld [tilespmem:s23+$0x10]  }
0x55: {  	[tilespmem:v12+s17+$0x0] =	vst.idx.add.s32.msk vm3, v1;
	v6 =	vnsel vm13, $0x0, v6;
	v8 =	vshrl.u32 v7, $0x10;
	v12 =	vand.u32 $0xFFFF, v7  }
0x56: {  	v3 =	vadd.f32 v6, v3;
	vm3 =	veq.s32 v8, v2;
	vm14 =	vgt.s32 v8, v2;
	v6 =	vld [tilespmem:s23+$0x20]  }
0x57: {  	[tilespmem:v9+s17+$0x0] =	vst.idx.add.s32.msk vm0, v1;
	v7 =	vnsel vm14, $0x0, v7;
	v8 =	vshrl.u32 v4, $0x10;
	v9 =	vand.u32 $0xFFFF, v4  }
0x58: {  	v3 =	vadd.f32 v7, v3;
	vm15 =	veq.s32 v8, v2;
	vm0 =	vgt.s32 v8, v2;
	v8 =	vld [tilespmem:s23+$0x30]  }
0x59: {  	[tilespmem:v10+s17+$0x0] =	vst.idx.add.s32.msk vm1, v1;
	v4 =	vnsel vm0, $0x0, v4;
	v7 =	vshrl.u32 v5, $0x10;
	v13 =	vand.u32 $0xFFFF, v5  }
0x5a: {  	v3 =	vadd.f32 v4, v3;
	vm5 =	veq.s32 v7, v2;
	vm0 =	vgt.s32 v7, v2  }
0x5b: {  	[tilespmem:v11+s17+$0x0] =	vst.idx.add.s32.msk vm2, v1;
	v11 =	vshrl.u32 v14, $0x10;
	v5 =	vnsel vm0, $0x0, v5;
	v7 =	vshrl.u32 v6, $0x10  }
0x5c: {  	v4 =	vand.u32 $0xFFFF, v6;
	v5 =	vadd.f32 v5, v3;
	vm1 =	vgt.s32 v7, v2;
	v3 =	vld [tilespmem:s23+$0x50]  }
0x5d: {  	vm0 =	veq.s32 v7, v2;
	[tilespmem:v12+s17+$0x0] =	vst.idx.add.s32.msk vm3, v1;
	v6 =	vnsel vm1, $0x0, v6;
	v10 =	vshrl.u32 v8, $0x10  }
0x5e: {  	vm3 =	vgt.s32 v11, v2;
	v6 =	vadd.f32 v6, v5;
	vm2 =	vgt.s32 v10, v2;
	v5 =	vld [tilespmem:s23+$0x60]  }
0x5f: {  	v7 =	vand.u32 $0xFFFF, v8;
	vm1 =	veq.s32 v10, v2;
	[tilespmem:v9+s17+$0x0] =	vst.idx.add.s32.msk vm15, v1;
	v9 =	vnsel vm2, $0x0, v8  }
0x60: {  	v12 =	vnsel vm3, $0x0, v14;
	v8 =	vand.u32 $0xFFFF, v14;
	v10 =	vadd.f32 v9, v6;
	v6 =	vld [tilespmem:s23+$0x70]  }
0x61: {  	s24 =	simm.s32 $0x0;
	s25 =	simm.s32 $0x600;
	vm2 =	veq.s32 v11, v2;
	[tilespmem:v13+s17+$0x0] =	vst.idx.add.s32.msk vm5, v1;
	v11 =	vshrl.u32 v3, $0x10;
	v9 =	vand.u32 $0xFFFF, v3  }
.LBB2_5:
0x62: {  	v13 =	vld [tilespmem:s25+$0xFFFFFE00];
	s24 =	sadd.s32 $0x10, s24;
	v10 =	vadd.f32 v12, v10;
	vm3 =	veq.s32 v11, v2;
	vm4 =	vgt.s32 v11, v2  }
0x63: {  	p0 =	slt.u32 s24, $0xF0;
	[tilespmem:v4+s17+$0x0] =	vst.idx.add.s32.msk vm0, v1;
	v3 =	vnsel vm4, $0x0, v3;
	v4 =	vshrl.u32 v5, $0x10;
	v11 =	vand.u32 $0xFFFF, v5  }
0x64: {  	v12 =	vld [tilespmem:s25+$0xFFFFFE10];
	v3 =	vadd.f32 v3, v10;
	vm0 =	veq.s32 v4, v2;
	vm4 =	vgt.s32 v4, v2  }
0x65: {  	[tilespmem:v7+s17+$0x0] =	vst.idx.add.s32.msk vm1, v1;
	v4 =	vnsel vm4, $0x0, v5;
	v5 =	vshrl.u32 v6, $0x10;
	v7 =	vand.u32 $0xFFFF, v6  }
0x66: {  	v10 =	vld [tilespmem:s25+$0xFFFFFE20];
	v3 =	vadd.f32 v4, v3;
	vm1 =	veq.s32 v5, v2;
	vm4 =	vgt.s32 v5, v2  }
0x67: {  	v4 =	vshrl.u32 v13, $0x10;
	v5 =	vand.u32 $0xFFFF, v13;
	[tilespmem:v8+s17+$0x0] =	vst.idx.add.s32.msk vm2, v1;
	v6 =	vnsel vm4, $0x0, v6  }
0x68: {  	s23 =	simm.s32 $0x280;
	vm2 =	veq.s32 v4, v2;
	vm4 =	vgt.s32 v4, v2;
	v4 =	vld [tilespmem:s25+$0xFFFFFE30];
	v3 =	vadd.f32 v6, v3  }
0x69: {  	v6 =	vnsel vm4, $0x0, v13;
	v8 =	vshrl.u32 v12, $0x10;
	v13 =	vand.u32 $0xFFFF, v12;
	[tilespmem:v9+s17+$0x0] =	vst.idx.add.s32.msk vm3, v1  }
0x6a: {  	v3 =	vadd.f32 v6, v3;
	vm3 =	veq.s32 v8, v2;
	vm4 =	vgt.s32 v8, v2;
	v6 =	vld [tilespmem:s25+$0xFFFFFE40]  }
0x6b: {  	v8 =	vnsel vm4, $0x0, v12;
	v9 =	vshrl.u32 v10, $0x10;
	v12 =	vand.u32 $0xFFFF, v10;
	[tilespmem:v11+s17+$0x0] =	vst.idx.add.s32.msk vm0, v1  }
0x6c: {  	v3 =	vadd.f32 v8, v3;
	vm0 =	veq.s32 v9, v2;
	vm4 =	vgt.s32 v9, v2;
	v8 =	vld [tilespmem:s25+$0xFFFFFE50]  }
0x6d: {  	v9 =	vnsel vm4, $0x0, v10;
	v10 =	vshrl.u32 v4, $0x10;
	v11 =	vand.u32 $0xFFFF, v4;
	[tilespmem:v7+s17+$0x0] =	vst.idx.add.s32.msk vm1, v1  }
0x6e: {  	v3 =	vadd.f32 v9, v3;
	vm1 =	veq.s32 v10, v2;
	vm4 =	vgt.s32 v10, v2;
	v7 =	vld [tilespmem:s25+$0xFFFFFE60]  }
0x6f: {  	[tilespmem:v5+s17+$0x0] =	vst.idx.add.s32.msk vm2, v1;
	v4 =	vnsel vm4, $0x0, v4;
	v5 =	vshrl.u32 v6, $0x10;
	v9 =	vand.u32 $0xFFFF, v6  }
0x70: {  	v3 =	vadd.f32 v4, v3;
	vm2 =	veq.s32 v5, v2;
	vm4 =	vgt.s32 v5, v2;
	v4 =	vld [tilespmem:s25+$0xFFFFFE70]  }
0x71: {  	[tilespmem:v13+s17+$0x0] =	vst.idx.add.s32.msk vm3, v1;
	v5 =	vnsel vm4, $0x0, v6;
	v6 =	vshrl.u32 v8, $0x10;
	v10 =	vand.u32 $0xFFFF, v8  }
0x72: {  	v3 =	vadd.f32 v5, v3;
	vm3 =	veq.s32 v6, v2;
	vm4 =	vgt.s32 v6, v2;
	v5 =	vld [tilespmem:s25+$0x0]  }
0x73: {  	[tilespmem:v12+s17+$0x0] =	vst.idx.add.s32.msk vm0, v1;
	v6 =	vnsel vm4, $0x0, v8;
	v8 =	vshrl.u32 v7, $0x10;
	v12 =	vand.u32 $0xFFFF, v7  }
0x74: {  	v3 =	vadd.f32 v6, v3;
	vm0 =	veq.s32 v8, v2;
	vm4 =	vgt.s32 v8, v2;
	v6 =	vld [tilespmem:s25+$0x10]  }
0x75: {  	[tilespmem:v11+s17+$0x0] =	vst.idx.add.s32.msk vm1, v1;
	v7 =	vnsel vm4, $0x0, v7;
	v8 =	vshrl.u32 v4, $0x10;
	v11 =	vand.u32 $0xFFFF, v4  }
0x76: {  	v3 =	vadd.f32 v7, v3;
	vm1 =	veq.s32 v8, v2;
	vm4 =	vgt.s32 v8, v2;
	v7 =	vld [tilespmem:s25+$0x20]  }
0x77: {  	[tilespmem:v9+s17+$0x0] =	vst.idx.add.s32.msk vm2, v1;
	v4 =	vnsel vm4, $0x0, v4;
	v8 =	vshrl.u32 v5, $0x10;
	v9 =	vand.u32 $0xFFFF, v5  }
0x78: {  	v3 =	vadd.f32 v4, v3;
	vm2 =	veq.s32 v8, v2;
	vm4 =	vgt.s32 v8, v2;
	v8 =	vld [tilespmem:s25+$0x30]  }
0x79: {  	[tilespmem:v10+s17+$0x0] =	vst.idx.add.s32.msk vm3, v1;
	v4 =	vnsel vm4, $0x0, v5;
	v5 =	vshrl.u32 v6, $0x10;
	v13 =	vand.u32 $0xFFFF, v6  }
0x7a: {  	v3 =	vadd.f32 v4, v3;
	vm3 =	veq.s32 v5, v2;
	vm4 =	vgt.s32 v5, v2;
	v14 =	vld [tilespmem:s25+$0x40]  }
0x7b: {  	[tilespmem:v12+s17+$0x0] =	vst.idx.add.s32.msk vm0, v1;
	v5 =	vnsel vm4, $0x0, v6;
	v6 =	vshrl.u32 v7, $0x10;
	v4 =	vand.u32 $0xFFFF, v7  }
0x7c: {  	v5 =	vadd.f32 v5, v3;
	vm0 =	veq.s32 v6, v2;
	vm4 =	vgt.s32 v6, v2;
	v3 =	vld [tilespmem:s25+$0x50]  }
.Ltmp3:
0x7d: {  	[tilespmem:v11+s17+$0x0] =	vst.idx.add.s32.msk vm1, v1;
	v6 =	vnsel vm4, $0x0, v7;
	v10 =	vshrl.u32 v8, $0x10;
	v7 =	vand.u32 $0xFFFF, v8;
	(pc) =	sbr.rel @p0 .LBB2_5-.Ltmp3, $4  }
0x7e: {  	v6 =	vadd.f32 v6, v5;
	vm1 =	veq.s32 v10, v2;
	vm4 =	vgt.s32 v10, v2;
	v5 =	vld [tilespmem:s25+$0x60]  }
0x7f: {  	[tilespmem:v9+s17+$0x0] =	vst.idx.add.s32.msk vm2, v1;
	v9 =	vnsel vm4, $0x0, v8;
	v11 =	vshrl.u32 v14, $0x10;
	v8 =	vand.u32 $0xFFFF, v14  }
0x80: {  	v10 =	vadd.f32 v9, v6;
	vm2 =	veq.s32 v11, v2;
	vm4 =	vgt.s32 v11, v2;
	v6 =	vld [tilespmem:s25+$0x70]  }
0x81: {  	s25 =	sadd.s32 $0x400, s25;
	[tilespmem:v13+s17+$0x0] =	vst.idx.add.s32.msk vm3, v1;
	v12 =	vnsel vm4, $0x0, v14;
	v11 =	vshrl.u32 v3, $0x10;
	v9 =	vand.u32 $0xFFFF, v3  }
0x82: {  	_ =	sdelay $0x1  }
0x83: {  	vm3 =	veq.s32 v11, v2;
	v13 =	vshrl.u32 v5, $0x10  }
0x84: {  	vm4 =	veq.s32 v13, v2;
	v14 =	vshrl.u32 v6, $0x10  }
0x85: {  	v15 =	vand.u32 $0xFFFF, v5;
	vm5 =	veq.s32 v14, v2  }
0x86: {  	[tilespmem:v4+s17+$0x0] =	vst.idx.add.s32.msk vm0, v1;
	v4 =	vand.u32 $0xFFFF, v6  }
0x87: {  	[tilespmem:v7+s17+$0x0] =	vst.idx.add.s32.msk vm1, v1  }
0x88: {  	[tilespmem:v8+s17+$0x0] =	vst.idx.add.s32.msk vm2, v1  }
0x89: {  	[tilespmem:v9+s17+$0x0] =	vst.idx.add.s32.msk vm3, v1  }
0x8a: {  	[tilespmem:v15+s17+$0x0] =	vst.idx.add.s32.msk vm4, v1  }
0x8b: {  	v7 =	vadd.f32 v12, v10;
	vm0 =	vgt.s32 v11, v2;
	[tilespmem:v4+s17+$0x0] =	vst.idx.add.s32.msk vm5, v1  }
0x8c: {  	v3 =	vnsel vm0, $0x0, v3;
	v4 =	vld [tilespmem:s23+$0xFFFFFE00]  }
0x8d: {  	v3 =	vadd.f32 v3, v7;
	vm0 =	vgt.s32 v13, v2  }
0x8e: {  	v5 =	vnsel vm0, $0x0, v5;
	vm0 =	vgt.s32 v14, v2;
	v7 =	vld [tilespmem:s23+$0xFFFFFE10]  }
0x8f: {  	v3 =	vadd.f32 v5, v3;
	v5 =	vnsel vm0, $0x0, v6;
	v6 =	vld [tilespmem:s23+$0xFFFFFE20];
	_ =	sdelay $0x1  }
0x90: {  	v3 =	vadd.f32 v5, v3;
	v5 =	vshrl.u32 v4, $0x10  }
0x91: {  	v8 =	vand.u32 $0xFFFF, v4;
	vm0 =	veq.s32 v5, v2;
	vm1 =	vgt.s32 v5, v2;
	v5 =	vld [tilespmem:s23+$0xFFFFFE30]  }
0x92: {  	v9 =	vshrl.u32 v7, $0x10;
	v10 =	vand.u32 $0xFFFF, v7;
	v4 =	vnsel vm1, $0x0, v4  }
0x93: {  	v11 =	vand.u32 $0xFFFF, v6;
	vm2 =	vgt.s32 v9, v2;
	v3 =	vadd.f32 v4, v3;
	v4 =	vld [tilespmem:s23+$0xFFFFFE40]  }
0x94: {  	vm1 =	veq.s32 v9, v2;
	v7 =	vnsel vm2, $0x0, v7;
	v9 =	vshrl.u32 v6, $0x10  }
0x95: {  	vm2 =	veq.s32 v9, v2;
	vm3 =	vgt.s32 v9, v2;
	v3 =	vadd.f32 v7, v3;
	v7 =	vld [tilespmem:s23+$0xFFFFFE50]  }
0x96: {  	v14 =	vld [tilespmem:s23+$0x40];
	v6 =	vnsel vm3, $0x0, v6;
	v9 =	vshrl.u32 v5, $0x10;
	v12 =	vand.u32 $0xFFFF, v5  }
0x97: {  	v3 =	vadd.f32 v6, v3;
	vm3 =	veq.s32 v9, v2;
	vm9 =	vgt.s32 v9, v2;
	v6 =	vld [tilespmem:s23+$0xFFFFFE60]  }
0x98: {  	[tilespmem:v8+s17+$0x0] =	vst.idx.add.s32.msk vm0, v1;
	v5 =	vnsel vm9, $0x0, v5;
	v8 =	vshrl.u32 v4, $0x10;
	v9 =	vand.u32 $0xFFFF, v4  }
0x99: {  	v3 =	vadd.f32 v5, v3;
	vm0 =	veq.s32 v8, v2;
	vm10 =	vgt.s32 v8, v2;
	v5 =	vld [tilespmem:s23+$0xFFFFFE70]  }
0x9a: {  	[tilespmem:v10+s17+$0x0] =	vst.idx.add.s32.msk vm1, v1;
	v4 =	vnsel vm10, $0x0, v4;
	v8 =	vshrl.u32 v7, $0x10;
	v10 =	vand.u32 $0xFFFF, v7  }
0x9b: {  	v3 =	vadd.f32 v4, v3;
	vm1 =	veq.s32 v8, v2;
	vm11 =	vgt.s32 v8, v2;
	v4 =	vld [tilespmem:s23+$0x0]  }
0x9c: {  	[tilespmem:v11+s17+$0x0] =	vst.idx.add.s32.msk vm2, v1;
	v7 =	vnsel vm11, $0x0, v7;
	v8 =	vshrl.u32 v6, $0x10;
	v11 =	vand.u32 $0xFFFF, v6  }
0x9d: {  	v3 =	vadd.f32 v7, v3;
	vm2 =	veq.s32 v8, v2;
	vm12 =	vgt.s32 v8, v2;
	v7 =	vld [tilespmem:s23+$0x10]  }
0x9e: {  	[tilespmem:v12+s17+$0x0] =	vst.idx.add.s32.msk vm3, v1;
	v6 =	vnsel vm12, $0x0, v6;
	v8 =	vshrl.u32 v5, $0x10;
	v12 =	vand.u32 $0xFFFF, v5  }
0x9f: {  	v3 =	vadd.f32 v6, v3;
	vm3 =	veq.s32 v8, v2;
	vm13 =	vgt.s32 v8, v2;
	v6 =	vld [tilespmem:s23+$0x20]  }
0xa0: {  	[tilespmem:v9+s17+$0x0] =	vst.idx.add.s32.msk vm0, v1;
	v5 =	vnsel vm13, $0x0, v5;
	v8 =	vshrl.u32 v4, $0x10;
	v9 =	vand.u32 $0xFFFF, v4  }
0xa1: {  	v3 =	vadd.f32 v5, v3;
	vm14 =	veq.s32 v8, v2;
	vm0 =	vgt.s32 v8, v2;
	v8 =	vld [tilespmem:s23+$0x30]  }
0xa2: {  	[tilespmem:v10+s17+$0x0] =	vst.idx.add.s32.msk vm1, v1;
	v4 =	vnsel vm0, $0x0, v4;
	v5 =	vshrl.u32 v7, $0x10;
	v13 =	vand.u32 $0xFFFF, v7  }
0xa3: {  	v3 =	vadd.f32 v4, v3;
	vm15 =	veq.s32 v5, v2;
	vm0 =	vgt.s32 v5, v2  }
0xa4: {  	[tilespmem:v11+s17+$0x0] =	vst.idx.add.s32.msk vm2, v1;
	v11 =	vshrl.u32 v14, $0x10;
	v5 =	vnsel vm0, $0x0, v7;
	v7 =	vshrl.u32 v6, $0x10  }
0xa5: {  	v4 =	vand.u32 $0xFFFF, v6;
	v5 =	vadd.f32 v5, v3;
	vm1 =	vgt.s32 v7, v2;
	v3 =	vld [tilespmem:s23+$0x50]  }
0xa6: {  	vm0 =	veq.s32 v7, v2;
	[tilespmem:v12+s17+$0x0] =	vst.idx.add.s32.msk vm3, v1;
	v6 =	vnsel vm1, $0x0, v6;
	v10 =	vshrl.u32 v8, $0x10  }
0xa7: {  	vm3 =	vgt.s32 v11, v2;
	v6 =	vadd.f32 v6, v5;
	vm2 =	vgt.s32 v10, v2;
	v5 =	vld [tilespmem:s23+$0x60]  }
0xa8: {  	v7 =	vand.u32 $0xFFFF, v8;
	vm1 =	veq.s32 v10, v2;
	[tilespmem:v9+s17+$0x0] =	vst.idx.add.s32.msk vm14, v1;
	v9 =	vnsel vm2, $0x0, v8  }
0xa9: {  	v12 =	vnsel vm3, $0x0, v14;
	v8 =	vand.u32 $0xFFFF, v14;
	v10 =	vadd.f32 v9, v6;
	v6 =	vld [tilespmem:s23+$0x70]  }
0xaa: {  	s24 =	simm.s32 $0x0;
	s25 =	simm.s32 $0x680;
	vm2 =	veq.s32 v11, v2;
	[tilespmem:v13+s17+$0x0] =	vst.idx.add.s32.msk vm15, v1;
	v11 =	vshrl.u32 v3, $0x10;
	v9 =	vand.u32 $0xFFFF, v3  }
.LBB2_7:
0xab: {  	v13 =	vld [tilespmem:s25+$0xFFFFFE00];
	s24 =	sadd.s32 $0x10, s24;
	v10 =	vadd.f32 v12, v10;
	vm3 =	veq.s32 v11, v2;
	vm4 =	vgt.s32 v11, v2  }
0xac: {  	p0 =	slt.u32 s24, $0xF0;
	[tilespmem:v4+s17+$0x0] =	vst.idx.add.s32.msk vm0, v1;
	v3 =	vnsel vm4, $0x0, v3;
	v4 =	vshrl.u32 v5, $0x10;
	v11 =	vand.u32 $0xFFFF, v5  }
0xad: {  	v12 =	vld [tilespmem:s25+$0xFFFFFE10];
	v3 =	vadd.f32 v3, v10;
	vm0 =	veq.s32 v4, v2;
	vm4 =	vgt.s32 v4, v2  }
0xae: {  	[tilespmem:v7+s17+$0x0] =	vst.idx.add.s32.msk vm1, v1;
	v4 =	vnsel vm4, $0x0, v5;
	v5 =	vshrl.u32 v6, $0x10;
	v7 =	vand.u32 $0xFFFF, v6  }
0xaf: {  	v10 =	vld [tilespmem:s25+$0xFFFFFE20];
	v3 =	vadd.f32 v4, v3;
	vm1 =	veq.s32 v5, v2;
	vm4 =	vgt.s32 v5, v2  }
0xb0: {  	v4 =	vshrl.u32 v13, $0x10;
	v5 =	vand.u32 $0xFFFF, v13;
	[tilespmem:v8+s17+$0x0] =	vst.idx.add.s32.msk vm2, v1;
	v6 =	vnsel vm4, $0x0, v6  }
0xb1: {  	s23 =	simm.s32 $0x300;
	vm2 =	veq.s32 v4, v2;
	vm4 =	vgt.s32 v4, v2;
	v4 =	vld [tilespmem:s25+$0xFFFFFE30];
	v3 =	vadd.f32 v6, v3  }
0xb2: {  	v6 =	vnsel vm4, $0x0, v13;
	v8 =	vshrl.u32 v12, $0x10;
	v13 =	vand.u32 $0xFFFF, v12;
	[tilespmem:v9+s17+$0x0] =	vst.idx.add.s32.msk vm3, v1  }
0xb3: {  	v3 =	vadd.f32 v6, v3;
	vm3 =	veq.s32 v8, v2;
	vm4 =	vgt.s32 v8, v2;
	v6 =	vld [tilespmem:s25+$0xFFFFFE40]  }
0xb4: {  	v8 =	vnsel vm4, $0x0, v12;
	v9 =	vshrl.u32 v10, $0x10;
	v12 =	vand.u32 $0xFFFF, v10;
	[tilespmem:v11+s17+$0x0] =	vst.idx.add.s32.msk vm0, v1  }
0xb5: {  	v3 =	vadd.f32 v8, v3;
	vm0 =	veq.s32 v9, v2;
	vm4 =	vgt.s32 v9, v2;
	v8 =	vld [tilespmem:s25+$0xFFFFFE50]  }
0xb6: {  	v9 =	vnsel vm4, $0x0, v10;
	v10 =	vshrl.u32 v4, $0x10;
	v11 =	vand.u32 $0xFFFF, v4;
	[tilespmem:v7+s17+$0x0] =	vst.idx.add.s32.msk vm1, v1  }
0xb7: {  	v3 =	vadd.f32 v9, v3;
	vm1 =	veq.s32 v10, v2;
	vm4 =	vgt.s32 v10, v2;
	v7 =	vld [tilespmem:s25+$0xFFFFFE60]  }
0xb8: {  	[tilespmem:v5+s17+$0x0] =	vst.idx.add.s32.msk vm2, v1;
	v4 =	vnsel vm4, $0x0, v4;
	v5 =	vshrl.u32 v6, $0x10;
	v9 =	vand.u32 $0xFFFF, v6  }
0xb9: {  	v3 =	vadd.f32 v4, v3;
	vm2 =	veq.s32 v5, v2;
	vm4 =	vgt.s32 v5, v2;
	v4 =	vld [tilespmem:s25+$0xFFFFFE70]  }
0xba: {  	[tilespmem:v13+s17+$0x0] =	vst.idx.add.s32.msk vm3, v1;
	v5 =	vnsel vm4, $0x0, v6;
	v6 =	vshrl.u32 v8, $0x10;
	v10 =	vand.u32 $0xFFFF, v8  }
0xbb: {  	v3 =	vadd.f32 v5, v3;
	vm3 =	veq.s32 v6, v2;
	vm4 =	vgt.s32 v6, v2;
	v5 =	vld [tilespmem:s25+$0x0]  }
0xbc: {  	[tilespmem:v12+s17+$0x0] =	vst.idx.add.s32.msk vm0, v1;
	v6 =	vnsel vm4, $0x0, v8;
	v8 =	vshrl.u32 v7, $0x10;
	v12 =	vand.u32 $0xFFFF, v7  }
0xbd: {  	v3 =	vadd.f32 v6, v3;
	vm0 =	veq.s32 v8, v2;
	vm4 =	vgt.s32 v8, v2;
	v6 =	vld [tilespmem:s25+$0x10]  }
0xbe: {  	[tilespmem:v11+s17+$0x0] =	vst.idx.add.s32.msk vm1, v1;
	v7 =	vnsel vm4, $0x0, v7;
	v8 =	vshrl.u32 v4, $0x10;
	v11 =	vand.u32 $0xFFFF, v4  }
0xbf: {  	v3 =	vadd.f32 v7, v3;
	vm1 =	veq.s32 v8, v2;
	vm4 =	vgt.s32 v8, v2;
	v7 =	vld [tilespmem:s25+$0x20]  }
0xc0: {  	[tilespmem:v9+s17+$0x0] =	vst.idx.add.s32.msk vm2, v1;
	v4 =	vnsel vm4, $0x0, v4;
	v8 =	vshrl.u32 v5, $0x10;
	v9 =	vand.u32 $0xFFFF, v5  }
0xc1: {  	v3 =	vadd.f32 v4, v3;
	vm2 =	veq.s32 v8, v2;
	vm4 =	vgt.s32 v8, v2;
	v8 =	vld [tilespmem:s25+$0x30]  }
0xc2: {  	[tilespmem:v10+s17+$0x0] =	vst.idx.add.s32.msk vm3, v1;
	v4 =	vnsel vm4, $0x0, v5;
	v5 =	vshrl.u32 v6, $0x10;
	v13 =	vand.u32 $0xFFFF, v6  }
0xc3: {  	v3 =	vadd.f32 v4, v3;
	vm3 =	veq.s32 v5, v2;
	vm4 =	vgt.s32 v5, v2;
	v14 =	vld [tilespmem:s25+$0x40]  }
0xc4: {  	[tilespmem:v12+s17+$0x0] =	vst.idx.add.s32.msk vm0, v1;
	v5 =	vnsel vm4, $0x0, v6;
	v6 =	vshrl.u32 v7, $0x10;
	v4 =	vand.u32 $0xFFFF, v7  }
0xc5: {  	v5 =	vadd.f32 v5, v3;
	vm0 =	veq.s32 v6, v2;
	vm4 =	vgt.s32 v6, v2;
	v3 =	vld [tilespmem:s25+$0x50]  }
.Ltmp4:
0xc6: {  	[tilespmem:v11+s17+$0x0] =	vst.idx.add.s32.msk vm1, v1;
	v6 =	vnsel vm4, $0x0, v7;
	v10 =	vshrl.u32 v8, $0x10;
	v7 =	vand.u32 $0xFFFF, v8;
	(pc) =	sbr.rel @p0 .LBB2_7-.Ltmp4, $4  }
0xc7: {  	v6 =	vadd.f32 v6, v5;
	vm1 =	veq.s32 v10, v2;
	vm4 =	vgt.s32 v10, v2;
	v5 =	vld [tilespmem:s25+$0x60]  }
0xc8: {  	[tilespmem:v9+s17+$0x0] =	vst.idx.add.s32.msk vm2, v1;
	v9 =	vnsel vm4, $0x0, v8;
	v11 =	vshrl.u32 v14, $0x10;
	v8 =	vand.u32 $0xFFFF, v14  }
0xc9: {  	v10 =	vadd.f32 v9, v6;
	vm2 =	veq.s32 v11, v2;
	vm4 =	vgt.s32 v11, v2;
	v6 =	vld [tilespmem:s25+$0x70]  }
0xca: {  	s25 =	sadd.s32 $0x400, s25;
	[tilespmem:v13+s17+$0x0] =	vst.idx.add.s32.msk vm3, v1;
	v12 =	vnsel vm4, $0x0, v14;
	v11 =	vshrl.u32 v3, $0x10;
	v9 =	vand.u32 $0xFFFF, v3  }
0xcb: {  	_ =	sdelay $0x1  }
0xcc: {  	vm3 =	veq.s32 v11, v2;
	v13 =	vshrl.u32 v5, $0x10  }
0xcd: {  	vm4 =	veq.s32 v13, v2;
	v14 =	vshrl.u32 v6, $0x10  }
0xce: {  	v15 =	vand.u32 $0xFFFF, v5;
	vm5 =	veq.s32 v14, v2  }
0xcf: {  	[tilespmem:v4+s17+$0x0] =	vst.idx.add.s32.msk vm0, v1;
	v4 =	vand.u32 $0xFFFF, v6  }
0xd0: {  	[tilespmem:v7+s17+$0x0] =	vst.idx.add.s32.msk vm1, v1  }
0xd1: {  	[tilespmem:v8+s17+$0x0] =	vst.idx.add.s32.msk vm2, v1  }
0xd2: {  	[tilespmem:v9+s17+$0x0] =	vst.idx.add.s32.msk vm3, v1  }
0xd3: {  	[tilespmem:v15+s17+$0x0] =	vst.idx.add.s32.msk vm4, v1  }
0xd4: {  	v7 =	vadd.f32 v12, v10;
	vm0 =	vgt.s32 v11, v2;
	[tilespmem:v4+s17+$0x0] =	vst.idx.add.s32.msk vm5, v1  }
0xd5: {  	v3 =	vnsel vm0, $0x0, v3;
	v4 =	vld [tilespmem:s23+$0xFFFFFE00]  }
0xd6: {  	v3 =	vadd.f32 v3, v7;
	vm0 =	vgt.s32 v13, v2  }
0xd7: {  	v5 =	vnsel vm0, $0x0, v5;
	vm0 =	vgt.s32 v14, v2;
	v7 =	vld [tilespmem:s23+$0xFFFFFE10]  }
0xd8: {  	v3 =	vadd.f32 v5, v3;
	v5 =	vnsel vm0, $0x0, v6;
	v6 =	vld [tilespmem:s23+$0xFFFFFE20];
	_ =	sdelay $0x1  }
0xd9: {  	v3 =	vadd.f32 v5, v3;
	v5 =	vshrl.u32 v4, $0x10  }
0xda: {  	v8 =	vand.u32 $0xFFFF, v4;
	vm0 =	veq.s32 v5, v2;
	vm1 =	vgt.s32 v5, v2;
	v5 =	vld [tilespmem:s23+$0xFFFFFE30]  }
0xdb: {  	v9 =	vshrl.u32 v7, $0x10;
	v10 =	vand.u32 $0xFFFF, v7;
	v4 =	vnsel vm1, $0x0, v4  }
0xdc: {  	v11 =	vand.u32 $0xFFFF, v6;
	vm2 =	vgt.s32 v9, v2;
	v3 =	vadd.f32 v4, v3;
	v4 =	vld [tilespmem:s23+$0xFFFFFE40]  }
0xdd: {  	vm1 =	veq.s32 v9, v2;
	v7 =	vnsel vm2, $0x0, v7;
	v9 =	vshrl.u32 v6, $0x10  }
0xde: {  	vm2 =	veq.s32 v9, v2;
	vm3 =	vgt.s32 v9, v2;
	v3 =	vadd.f32 v7, v3;
	v7 =	vld [tilespmem:s23+$0xFFFFFE50]  }
0xdf: {  	v14 =	vld [tilespmem:s23+$0x40];
	v6 =	vnsel vm3, $0x0, v6;
	v9 =	vshrl.u32 v5, $0x10;
	v12 =	vand.u32 $0xFFFF, v5  }
0xe0: {  	v3 =	vadd.f32 v6, v3;
	vm3 =	veq.s32 v9, v2;
	vm9 =	vgt.s32 v9, v2;
	v6 =	vld [tilespmem:s23+$0xFFFFFE60]  }
0xe1: {  	[tilespmem:v8+s17+$0x0] =	vst.idx.add.s32.msk vm0, v1;
	v5 =	vnsel vm9, $0x0, v5;
	v8 =	vshrl.u32 v4, $0x10;
	v9 =	vand.u32 $0xFFFF, v4  }
0xe2: {  	v3 =	vadd.f32 v5, v3;
	vm0 =	veq.s32 v8, v2;
	vm10 =	vgt.s32 v8, v2;
	v5 =	vld [tilespmem:s23+$0xFFFFFE70]  }
0xe3: {  	[tilespmem:v10+s17+$0x0] =	vst.idx.add.s32.msk vm1, v1;
	v4 =	vnsel vm10, $0x0, v4;
	v8 =	vshrl.u32 v7, $0x10;
	v10 =	vand.u32 $0xFFFF, v7  }
0xe4: {  	v3 =	vadd.f32 v4, v3;
	vm1 =	veq.s32 v8, v2;
	vm11 =	vgt.s32 v8, v2;
	v4 =	vld [tilespmem:s23+$0x0]  }
0xe5: {  	[tilespmem:v11+s17+$0x0] =	vst.idx.add.s32.msk vm2, v1;
	v7 =	vnsel vm11, $0x0, v7;
	v8 =	vshrl.u32 v6, $0x10;
	v11 =	vand.u32 $0xFFFF, v6  }
0xe6: {  	v3 =	vadd.f32 v7, v3;
	vm2 =	veq.s32 v8, v2;
	vm12 =	vgt.s32 v8, v2;
	v7 =	vld [tilespmem:s23+$0x10]  }
0xe7: {  	[tilespmem:v12+s17+$0x0] =	vst.idx.add.s32.msk vm3, v1;
	v6 =	vnsel vm12, $0x0, v6;
	v8 =	vshrl.u32 v5, $0x10;
	v12 =	vand.u32 $0xFFFF, v5  }
0xe8: {  	v3 =	vadd.f32 v6, v3;
	vm3 =	veq.s32 v8, v2;
	vm13 =	vgt.s32 v8, v2;
	v6 =	vld [tilespmem:s23+$0x20]  }
0xe9: {  	[tilespmem:v9+s17+$0x0] =	vst.idx.add.s32.msk vm0, v1;
	v5 =	vnsel vm13, $0x0, v5;
	v8 =	vshrl.u32 v4, $0x10;
	v9 =	vand.u32 $0xFFFF, v4  }
0xea: {  	v3 =	vadd.f32 v5, v3;
	vm14 =	veq.s32 v8, v2;
	vm0 =	vgt.s32 v8, v2;
	v8 =	vld [tilespmem:s23+$0x30]  }
0xeb: {  	[tilespmem:v10+s17+$0x0] =	vst.idx.add.s32.msk vm1, v1;
	v4 =	vnsel vm0, $0x0, v4;
	v5 =	vshrl.u32 v7, $0x10;
	v13 =	vand.u32 $0xFFFF, v7  }
0xec: {  	v3 =	vadd.f32 v4, v3;
	vm15 =	veq.s32 v5, v2;
	vm0 =	vgt.s32 v5, v2  }
0xed: {  	[tilespmem:v11+s17+$0x0] =	vst.idx.add.s32.msk vm2, v1;
	v11 =	vshrl.u32 v14, $0x10;
	v5 =	vnsel vm0, $0x0, v7;
	v7 =	vshrl.u32 v6, $0x10  }
0xee: {  	v4 =	vand.u32 $0xFFFF, v6;
	v5 =	vadd.f32 v5, v3;
	vm1 =	vgt.s32 v7, v2;
	v3 =	vld [tilespmem:s23+$0x50]  }
0xef: {  	vm0 =	veq.s32 v7, v2;
	[tilespmem:v12+s17+$0x0] =	vst.idx.add.s32.msk vm3, v1;
	v6 =	vnsel vm1, $0x0, v6;
	v10 =	vshrl.u32 v8, $0x10  }
0xf0: {  	vm3 =	vgt.s32 v11, v2;
	v6 =	vadd.f32 v6, v5;
	vm2 =	vgt.s32 v10, v2;
	v5 =	vld [tilespmem:s23+$0x60]  }
0xf1: {  	v7 =	vand.u32 $0xFFFF, v8;
	vm1 =	veq.s32 v10, v2;
	[tilespmem:v9+s17+$0x0] =	vst.idx.add.s32.msk vm14, v1;
	v9 =	vnsel vm2, $0x0, v8  }
0xf2: {  	v12 =	vnsel vm3, $0x0, v14;
	v8 =	vand.u32 $0xFFFF, v14;
	v10 =	vadd.f32 v9, v6;
	v6 =	vld [tilespmem:s23+$0x70]  }
0xf3: {  	s24 =	simm.s32 $0x0;
	s25 =	simm.s32 $0x700;
	vm2 =	veq.s32 v11, v2;
	[tilespmem:v13+s17+$0x0] =	vst.idx.add.s32.msk vm15, v1;
	v11 =	vshrl.u32 v3, $0x10;
	v9 =	vand.u32 $0xFFFF, v3  }
.LBB2_9:
0xf4: {  	v13 =	vld [tilespmem:s25+$0xFFFFFE00];
	s24 =	sadd.s32 $0x10, s24;
	v10 =	vadd.f32 v12, v10;
	vm3 =	veq.s32 v11, v2;
	vm4 =	vgt.s32 v11, v2  }
0xf5: {  	p0 =	slt.u32 s24, $0xF0;
	[tilespmem:v4+s17+$0x0] =	vst.idx.add.s32.msk vm0, v1;
	v3 =	vnsel vm4, $0x0, v3;
	v4 =	vshrl.u32 v5, $0x10;
	v11 =	vand.u32 $0xFFFF, v5  }
0xf6: {  	v12 =	vld [tilespmem:s25+$0xFFFFFE10];
	v3 =	vadd.f32 v3, v10;
	vm0 =	veq.s32 v4, v2;
	vm4 =	vgt.s32 v4, v2  }
0xf7: {  	[tilespmem:v7+s17+$0x0] =	vst.idx.add.s32.msk vm1, v1;
	v4 =	vnsel vm4, $0x0, v5;
	v5 =	vshrl.u32 v6, $0x10;
	v7 =	vand.u32 $0xFFFF, v6  }
0xf8: {  	v10 =	vld [tilespmem:s25+$0xFFFFFE20];
	v3 =	vadd.f32 v4, v3;
	vm1 =	veq.s32 v5, v2;
	vm4 =	vgt.s32 v5, v2  }
0xf9: {  	v4 =	vshrl.u32 v13, $0x10;
	v5 =	vand.u32 $0xFFFF, v13;
	[tilespmem:v8+s17+$0x0] =	vst.idx.add.s32.msk vm2, v1;
	v6 =	vnsel vm4, $0x0, v6  }
0xfa: {  	s23 =	simm.s32 $0x380;
	vm2 =	veq.s32 v4, v2;
	vm4 =	vgt.s32 v4, v2;
	v4 =	vld [tilespmem:s25+$0xFFFFFE30];
	v3 =	vadd.f32 v6, v3  }
0xfb: {  	v6 =	vnsel vm4, $0x0, v13;
	v8 =	vshrl.u32 v12, $0x10;
	v13 =	vand.u32 $0xFFFF, v12;
	[tilespmem:v9+s17+$0x0] =	vst.idx.add.s32.msk vm3, v1  }
0xfc: {  	v3 =	vadd.f32 v6, v3;
	vm3 =	veq.s32 v8, v2;
	vm4 =	vgt.s32 v8, v2;
	v6 =	vld [tilespmem:s25+$0xFFFFFE40]  }
0xfd: {  	v8 =	vnsel vm4, $0x0, v12;
	v9 =	vshrl.u32 v10, $0x10;
	v12 =	vand.u32 $0xFFFF, v10;
	[tilespmem:v11+s17+$0x0] =	vst.idx.add.s32.msk vm0, v1  }
0xfe: {  	v3 =	vadd.f32 v8, v3;
	vm0 =	veq.s32 v9, v2;
	vm4 =	vgt.s32 v9, v2;
	v8 =	vld [tilespmem:s25+$0xFFFFFE50]  }
0xff: {  	v9 =	vnsel vm4, $0x0, v10;
	v10 =	vshrl.u32 v4, $0x10;
	v11 =	vand.u32 $0xFFFF, v4;
	[tilespmem:v7+s17+$0x0] =	vst.idx.add.s32.msk vm1, v1  }
0x100: {  	v3 =	vadd.f32 v9, v3;
	vm1 =	veq.s32 v10, v2;
	vm4 =	vgt.s32 v10, v2;
	v7 =	vld [tilespmem:s25+$0xFFFFFE60]  }
0x101: {  	[tilespmem:v5+s17+$0x0] =	vst.idx.add.s32.msk vm2, v1;
	v4 =	vnsel vm4, $0x0, v4;
	v5 =	vshrl.u32 v6, $0x10;
	v9 =	vand.u32 $0xFFFF, v6  }
0x102: {  	v3 =	vadd.f32 v4, v3;
	vm2 =	veq.s32 v5, v2;
	vm4 =	vgt.s32 v5, v2;
	v4 =	vld [tilespmem:s25+$0xFFFFFE70]  }
0x103: {  	[tilespmem:v13+s17+$0x0] =	vst.idx.add.s32.msk vm3, v1;
	v5 =	vnsel vm4, $0x0, v6;
	v6 =	vshrl.u32 v8, $0x10;
	v10 =	vand.u32 $0xFFFF, v8  }
0x104: {  	v3 =	vadd.f32 v5, v3;
	vm3 =	veq.s32 v6, v2;
	vm4 =	vgt.s32 v6, v2;
	v5 =	vld [tilespmem:s25+$0x0]  }
0x105: {  	[tilespmem:v12+s17+$0x0] =	vst.idx.add.s32.msk vm0, v1;
	v6 =	vnsel vm4, $0x0, v8;
	v8 =	vshrl.u32 v7, $0x10;
	v12 =	vand.u32 $0xFFFF, v7  }
0x106: {  	v3 =	vadd.f32 v6, v3;
	vm0 =	veq.s32 v8, v2;
	vm4 =	vgt.s32 v8, v2;
	v6 =	vld [tilespmem:s25+$0x10]  }
0x107: {  	[tilespmem:v11+s17+$0x0] =	vst.idx.add.s32.msk vm1, v1;
	v7 =	vnsel vm4, $0x0, v7;
	v8 =	vshrl.u32 v4, $0x10;
	v11 =	vand.u32 $0xFFFF, v4  }
0x108: {  	v3 =	vadd.f32 v7, v3;
	vm1 =	veq.s32 v8, v2;
	vm4 =	vgt.s32 v8, v2;
	v7 =	vld [tilespmem:s25+$0x20]  }
0x109: {  	[tilespmem:v9+s17+$0x0] =	vst.idx.add.s32.msk vm2, v1;
	v4 =	vnsel vm4, $0x0, v4;
	v8 =	vshrl.u32 v5, $0x10;
	v9 =	vand.u32 $0xFFFF, v5  }
0x10a: {  	v3 =	vadd.f32 v4, v3;
	vm2 =	veq.s32 v8, v2;
	vm4 =	vgt.s32 v8, v2;
	v8 =	vld [tilespmem:s25+$0x30]  }
0x10b: {  	[tilespmem:v10+s17+$0x0] =	vst.idx.add.s32.msk vm3, v1;
	v4 =	vnsel vm4, $0x0, v5;
	v5 =	vshrl.u32 v6, $0x10;
	v13 =	vand.u32 $0xFFFF, v6  }
0x10c: {  	v3 =	vadd.f32 v4, v3;
	vm3 =	veq.s32 v5, v2;
	vm4 =	vgt.s32 v5, v2;
	v14 =	vld [tilespmem:s25+$0x40]  }
0x10d: {  	[tilespmem:v12+s17+$0x0] =	vst.idx.add.s32.msk vm0, v1;
	v5 =	vnsel vm4, $0x0, v6;
	v6 =	vshrl.u32 v7, $0x10;
	v4 =	vand.u32 $0xFFFF, v7  }
0x10e: {  	v5 =	vadd.f32 v5, v3;
	vm0 =	veq.s32 v6, v2;
	vm4 =	vgt.s32 v6, v2;
	v3 =	vld [tilespmem:s25+$0x50]  }
.Ltmp5:
0x10f: {  	[tilespmem:v11+s17+$0x0] =	vst.idx.add.s32.msk vm1, v1;
	v6 =	vnsel vm4, $0x0, v7;
	v10 =	vshrl.u32 v8, $0x10;
	v7 =	vand.u32 $0xFFFF, v8;
	(pc) =	sbr.rel @p0 .LBB2_9-.Ltmp5, $4  }
0x110: {  	v6 =	vadd.f32 v6, v5;
	vm1 =	veq.s32 v10, v2;
	vm4 =	vgt.s32 v10, v2;
	v5 =	vld [tilespmem:s25+$0x60]  }
0x111: {  	[tilespmem:v9+s17+$0x0] =	vst.idx.add.s32.msk vm2, v1;
	v9 =	vnsel vm4, $0x0, v8;
	v11 =	vshrl.u32 v14, $0x10;
	v8 =	vand.u32 $0xFFFF, v14  }
0x112: {  	v10 =	vadd.f32 v9, v6;
	vm2 =	veq.s32 v11, v2;
	vm4 =	vgt.s32 v11, v2;
	v6 =	vld [tilespmem:s25+$0x70]  }
0x113: {  	s25 =	sadd.s32 $0x400, s25;
	[tilespmem:v13+s17+$0x0] =	vst.idx.add.s32.msk vm3, v1;
	v12 =	vnsel vm4, $0x0, v14;
	v11 =	vshrl.u32 v3, $0x10;
	v9 =	vand.u32 $0xFFFF, v3  }
0x114: {  	_ =	sdelay $0x1  }
0x115: {  	vm3 =	veq.s32 v11, v2;
	v13 =	vshrl.u32 v5, $0x10  }
0x116: {  	vm4 =	veq.s32 v13, v2;
	v14 =	vshrl.u32 v6, $0x10  }
0x117: {  	v15 =	vand.u32 $0xFFFF, v5;
	vm5 =	veq.s32 v14, v2  }
0x118: {  	[tilespmem:v4+s17+$0x0] =	vst.idx.add.s32.msk vm0, v1;
	v4 =	vand.u32 $0xFFFF, v6  }
0x119: {  	[tilespmem:v7+s17+$0x0] =	vst.idx.add.s32.msk vm1, v1  }
0x11a: {  	[tilespmem:v8+s17+$0x0] =	vst.idx.add.s32.msk vm2, v1  }
0x11b: {  	[tilespmem:v9+s17+$0x0] =	vst.idx.add.s32.msk vm3, v1  }
0x11c: {  	[tilespmem:v15+s17+$0x0] =	vst.idx.add.s32.msk vm4, v1  }
0x11d: {  	v7 =	vadd.f32 v12, v10;
	vm0 =	vgt.s32 v11, v2;
	[tilespmem:v4+s17+$0x0] =	vst.idx.add.s32.msk vm5, v1  }
0x11e: {  	v3 =	vnsel vm0, $0x0, v3;
	v4 =	vld [tilespmem:s23+$0xFFFFFE00]  }
0x11f: {  	v3 =	vadd.f32 v3, v7;
	vm0 =	vgt.s32 v13, v2  }
0x120: {  	v5 =	vnsel vm0, $0x0, v5;
	vm0 =	vgt.s32 v14, v2;
	v7 =	vld [tilespmem:s23+$0xFFFFFE10]  }
0x121: {  	v3 =	vadd.f32 v5, v3;
	v5 =	vnsel vm0, $0x0, v6;
	v6 =	vld [tilespmem:s23+$0xFFFFFE20];
	_ =	sdelay $0x1  }
0x122: {  	v3 =	vadd.f32 v5, v3;
	v5 =	vshrl.u32 v4, $0x10  }
0x123: {  	v8 =	vand.u32 $0xFFFF, v4;
	vm0 =	veq.s32 v5, v2;
	vm1 =	vgt.s32 v5, v2;
	v5 =	vld [tilespmem:s23+$0xFFFFFE30]  }
0x124: {  	v9 =	vshrl.u32 v7, $0x10;
	v10 =	vand.u32 $0xFFFF, v7;
	v4 =	vnsel vm1, $0x0, v4  }
0x125: {  	v11 =	vand.u32 $0xFFFF, v6;
	vm2 =	vgt.s32 v9, v2;
	v3 =	vadd.f32 v4, v3;
	v4 =	vld [tilespmem:s23+$0xFFFFFE40]  }
0x126: {  	vm1 =	veq.s32 v9, v2;
	v7 =	vnsel vm2, $0x0, v7;
	v9 =	vshrl.u32 v6, $0x10  }
0x127: {  	vm2 =	veq.s32 v9, v2;
	vm3 =	vgt.s32 v9, v2;
	v3 =	vadd.f32 v7, v3;
	v7 =	vld [tilespmem:s23+$0xFFFFFE50]  }
0x128: {  	v6 =	vnsel vm3, $0x0, v6;
	v9 =	vshrl.u32 v5, $0x10;
	v12 =	vand.u32 $0xFFFF, v5  }
0x129: {  	v3 =	vadd.f32 v6, v3;
	vm3 =	veq.s32 v9, v2;
	vm9 =	vgt.s32 v9, v2;
	v6 =	vld [tilespmem:s23+$0xFFFFFE60]  }
0x12a: {  	[tilespmem:v8+s17+$0x0] =	vst.idx.add.s32.msk vm0, v1;
	v5 =	vnsel vm9, $0x0, v5;
	v8 =	vshrl.u32 v4, $0x10;
	v9 =	vand.u32 $0xFFFF, v4  }
0x12b: {  	v3 =	vadd.f32 v5, v3;
	vm0 =	veq.s32 v8, v2;
	vm10 =	vgt.s32 v8, v2;
	v5 =	vld [tilespmem:s23+$0xFFFFFE70]  }
0x12c: {  	[tilespmem:v10+s17+$0x0] =	vst.idx.add.s32.msk vm1, v1;
	v4 =	vnsel vm10, $0x0, v4;
	v8 =	vshrl.u32 v7, $0x10;
	v10 =	vand.u32 $0xFFFF, v7  }
0x12d: {  	v3 =	vadd.f32 v4, v3;
	vm1 =	veq.s32 v8, v2;
	vm11 =	vgt.s32 v8, v2;
	v4 =	vld [tilespmem:s23+$0x0]  }
0x12e: {  	[tilespmem:v11+s17+$0x0] =	vst.idx.add.s32.msk vm2, v1;
	v7 =	vnsel vm11, $0x0, v7;
	v8 =	vshrl.u32 v6, $0x10;
	v11 =	vand.u32 $0xFFFF, v6  }
0x12f: {  	v3 =	vadd.f32 v7, v3;
	vm2 =	veq.s32 v8, v2;
	vm12 =	vgt.s32 v8, v2;
	v7 =	vld [tilespmem:s23+$0x10]  }
0x130: {  	[tilespmem:v12+s17+$0x0] =	vst.idx.add.s32.msk vm3, v1;
	v6 =	vnsel vm12, $0x0, v6;
	v8 =	vshrl.u32 v5, $0x10;
	v12 =	vand.u32 $0xFFFF, v5  }
0x131: {  	v3 =	vadd.f32 v6, v3;
	vm3 =	veq.s32 v8, v2;
	vm13 =	vgt.s32 v8, v2;
	v8 =	vld [tilespmem:s23+$0x20]  }
0x132: {  	[tilespmem:v9+s17+$0x0] =	vst.idx.add.s32.msk vm0, v1;
	v5 =	vnsel vm13, $0x0, v5;
	v6 =	vshrl.u32 v4, $0x10;
	v9 =	vand.u32 $0xFFFF, v4  }
0x133: {  	v3 =	vadd.f32 v5, v3;
	vm14 =	veq.s32 v6, v2;
	vm0 =	vgt.s32 v6, v2;
	v5 =	vld [tilespmem:s23+$0x30]  }
0x134: {  	[tilespmem:v10+s17+$0x0] =	vst.idx.add.s32.msk vm1, v1;
	v4 =	vnsel vm0, $0x0, v4;
	v6 =	vshrl.u32 v7, $0x10;
	v13 =	vand.u32 $0xFFFF, v7  }
0x135: {  	v14 =	vld [tilespmem:s23+$0x40];
	v3 =	vadd.f32 v4, v3;
	vm15 =	veq.s32 v6, v2;
	vm0 =	vgt.s32 v6, v2  }
0x136: {  	[tilespmem:v11+s17+$0x0] =	vst.idx.add.s32.msk vm2, v1;
	v4 =	vnsel vm0, $0x0, v7;
	v7 =	vshrl.u32 v8, $0x10;
	v6 =	vand.u32 $0xFFFF, v8  }
0x137: {  	v4 =	vadd.f32 v4, v3;
	vm0 =	veq.s32 v7, v2;
	vm1 =	vgt.s32 v7, v2;
	v3 =	vld [tilespmem:s23+$0x50]  }
0x138: {  	[tilespmem:v12+s17+$0x0] =	vst.idx.add.s32.msk vm3, v1;
	v8 =	vnsel vm1, $0x0, v8;
	v10 =	vshrl.u32 v5, $0x10;
	v7 =	vand.u32 $0xFFFF, v5  }
0x139: {  	v11 =	vadd.f32 v8, v4;
	vm1 =	veq.s32 v10, v2;
	vm2 =	vgt.s32 v10, v2;
	v4 =	vld [tilespmem:s23+$0x60]  }
0x13a: {  	[tilespmem:v9+s17+$0x0] =	vst.idx.add.s32.msk vm14, v1;
	v9 =	vshrl.u32 v14, $0x10;
	v8 =	vand.u32 $0xFFFF, v14;
	v5 =	vnsel vm2, $0x0, v5  }
0x13b: {  	vm2 =	veq.s32 v9, v2;
	vm3 =	vgt.s32 v9, v2;
	v10 =	vadd.f32 v5, v11;
	v5 =	vld [tilespmem:s23+$0x70]  }
0x13c: {  	s24 =	simm.s32 $0x780;
	s23 =	simm.s32 $0x0;
	[tilespmem:v13+s17+$0x0] =	vst.idx.add.s32.msk vm15, v1;
	v12 =	vnsel vm3, $0x0, v14;
	v11 =	vshrl.u32 v3, $0x10;
	v9 =	vand.u32 $0xFFFF, v3  }
.LBB2_11:
0x13d: {  	v13 =	vld [tilespmem:s24+$0xFFFFFE00];
	s23 =	sadd.s32 $0x10, s23;
	v10 =	vadd.f32 v12, v10;
	vm3 =	veq.s32 v11, v2;
	vm4 =	vgt.s32 v11, v2  }
0x13e: {  	p0 =	slt.u32 s23, $0xF0;
	[tilespmem:v6+s17+$0x0] =	vst.idx.add.s32.msk vm0, v1;
	v3 =	vnsel vm4, $0x0, v3;
	v6 =	vshrl.u32 v4, $0x10;
	v11 =	vand.u32 $0xFFFF, v4  }
0x13f: {  	v12 =	vld [tilespmem:s24+$0xFFFFFE10];
	v3 =	vadd.f32 v3, v10;
	vm0 =	veq.s32 v6, v2;
	vm4 =	vgt.s32 v6, v2  }
0x140: {  	[tilespmem:v7+s17+$0x0] =	vst.idx.add.s32.msk vm1, v1;
	v4 =	vnsel vm4, $0x0, v4;
	v6 =	vshrl.u32 v5, $0x10;
	v7 =	vand.u32 $0xFFFF, v5  }
0x141: {  	v10 =	vld [tilespmem:s24+$0xFFFFFE20];
	v3 =	vadd.f32 v4, v3;
	vm1 =	veq.s32 v6, v2;
	vm4 =	vgt.s32 v6, v2  }
0x142: {  	v4 =	vshrl.u32 v13, $0x10;
	v6 =	vand.u32 $0xFFFF, v13;
	[tilespmem:v8+s17+$0x0] =	vst.idx.add.s32.msk vm2, v1;
	v5 =	vnsel vm4, $0x0, v5  }
0x143: {  	vm2 =	veq.s32 v4, v2;
	vm4 =	vgt.s32 v4, v2;
	v4 =	vld [tilespmem:s24+$0xFFFFFE30];
	v3 =	vadd.f32 v5, v3  }
0x144: {  	v5 =	vnsel vm4, $0x0, v13;
	v8 =	vshrl.u32 v12, $0x10;
	v13 =	vand.u32 $0xFFFF, v12;
	[tilespmem:v9+s17+$0x0] =	vst.idx.add.s32.msk vm3, v1  }
0x145: {  	v3 =	vadd.f32 v5, v3;
	vm3 =	veq.s32 v8, v2;
	vm4 =	vgt.s32 v8, v2;
	v5 =	vld [tilespmem:s24+$0xFFFFFE40]  }
0x146: {  	v8 =	vnsel vm4, $0x0, v12;
	v9 =	vshrl.u32 v10, $0x10;
	v12 =	vand.u32 $0xFFFF, v10;
	[tilespmem:v11+s17+$0x0] =	vst.idx.add.s32.msk vm0, v1  }
0x147: {  	v3 =	vadd.f32 v8, v3;
	vm0 =	veq.s32 v9, v2;
	vm4 =	vgt.s32 v9, v2;
	v8 =	vld [tilespmem:s24+$0xFFFFFE50]  }
0x148: {  	v9 =	vnsel vm4, $0x0, v10;
	v10 =	vshrl.u32 v4, $0x10;
	v11 =	vand.u32 $0xFFFF, v4;
	[tilespmem:v7+s17+$0x0] =	vst.idx.add.s32.msk vm1, v1  }
0x149: {  	v3 =	vadd.f32 v9, v3;
	vm1 =	veq.s32 v10, v2;
	vm4 =	vgt.s32 v10, v2;
	v7 =	vld [tilespmem:s24+$0xFFFFFE60]  }
0x14a: {  	[tilespmem:v6+s17+$0x0] =	vst.idx.add.s32.msk vm2, v1;
	v4 =	vnsel vm4, $0x0, v4;
	v6 =	vshrl.u32 v5, $0x10;
	v9 =	vand.u32 $0xFFFF, v5  }
0x14b: {  	v3 =	vadd.f32 v4, v3;
	vm2 =	veq.s32 v6, v2;
	vm4 =	vgt.s32 v6, v2;
	v4 =	vld [tilespmem:s24+$0xFFFFFE70]  }
0x14c: {  	[tilespmem:v13+s17+$0x0] =	vst.idx.add.s32.msk vm3, v1;
	v5 =	vnsel vm4, $0x0, v5;
	v6 =	vshrl.u32 v8, $0x10;
	v10 =	vand.u32 $0xFFFF, v8  }
0x14d: {  	v3 =	vadd.f32 v5, v3;
	vm3 =	veq.s32 v6, v2;
	vm4 =	vgt.s32 v6, v2;
	v5 =	vld [tilespmem:s24+$0x0]  }
0x14e: {  	[tilespmem:v12+s17+$0x0] =	vst.idx.add.s32.msk vm0, v1;
	v6 =	vnsel vm4, $0x0, v8;
	v8 =	vshrl.u32 v7, $0x10;
	v12 =	vand.u32 $0xFFFF, v7  }
0x14f: {  	v3 =	vadd.f32 v6, v3;
	vm0 =	veq.s32 v8, v2;
	vm4 =	vgt.s32 v8, v2;
	v6 =	vld [tilespmem:s24+$0x10]  }
0x150: {  	[tilespmem:v11+s17+$0x0] =	vst.idx.add.s32.msk vm1, v1;
	v7 =	vnsel vm4, $0x0, v7;
	v8 =	vshrl.u32 v4, $0x10;
	v11 =	vand.u32 $0xFFFF, v4  }
0x151: {  	v3 =	vadd.f32 v7, v3;
	vm1 =	veq.s32 v8, v2;
	vm4 =	vgt.s32 v8, v2;
	v7 =	vld [tilespmem:s24+$0x20]  }
0x152: {  	[tilespmem:v9+s17+$0x0] =	vst.idx.add.s32.msk vm2, v1;
	v4 =	vnsel vm4, $0x0, v4;
	v8 =	vshrl.u32 v5, $0x10;
	v9 =	vand.u32 $0xFFFF, v5  }
0x153: {  	v3 =	vadd.f32 v4, v3;
	vm2 =	veq.s32 v8, v2;
	vm4 =	vgt.s32 v8, v2;
	v8 =	vld [tilespmem:s24+$0x30]  }
0x154: {  	[tilespmem:v10+s17+$0x0] =	vst.idx.add.s32.msk vm3, v1;
	v4 =	vnsel vm4, $0x0, v5;
	v5 =	vshrl.u32 v6, $0x10;
	v13 =	vand.u32 $0xFFFF, v6  }
0x155: {  	v3 =	vadd.f32 v4, v3;
	vm3 =	veq.s32 v5, v2;
	vm4 =	vgt.s32 v5, v2;
	v14 =	vld [tilespmem:s24+$0x40]  }
0x156: {  	[tilespmem:v12+s17+$0x0] =	vst.idx.add.s32.msk vm0, v1;
	v4 =	vnsel vm4, $0x0, v6;
	v5 =	vshrl.u32 v7, $0x10;
	v6 =	vand.u32 $0xFFFF, v7  }
0x157: {  	v4 =	vadd.f32 v4, v3;
	vm0 =	veq.s32 v5, v2;
	vm4 =	vgt.s32 v5, v2;
	v3 =	vld [tilespmem:s24+$0x50]  }
.Ltmp6:
0x158: {  	[tilespmem:v11+s17+$0x0] =	vst.idx.add.s32.msk vm1, v1;
	v5 =	vnsel vm4, $0x0, v7;
	v10 =	vshrl.u32 v8, $0x10;
	v7 =	vand.u32 $0xFFFF, v8;
	(pc) =	sbr.rel @p0 .LBB2_11-.Ltmp6, $4  }
0x159: {  	v5 =	vadd.f32 v5, v4;
	vm1 =	veq.s32 v10, v2;
	vm4 =	vgt.s32 v10, v2;
	v4 =	vld [tilespmem:s24+$0x60]  }
0x15a: {  	[tilespmem:v9+s17+$0x0] =	vst.idx.add.s32.msk vm2, v1;
	v9 =	vnsel vm4, $0x0, v8;
	v11 =	vshrl.u32 v14, $0x10;
	v8 =	vand.u32 $0xFFFF, v14  }
0x15b: {  	v10 =	vadd.f32 v9, v5;
	vm2 =	veq.s32 v11, v2;
	vm4 =	vgt.s32 v11, v2;
	v5 =	vld [tilespmem:s24+$0x70]  }
0x15c: {  	s24 =	sadd.s32 $0x400, s24;
	[tilespmem:v13+s17+$0x0] =	vst.idx.add.s32.msk vm3, v1;
	v12 =	vnsel vm4, $0x0, v14;
	v11 =	vshrl.u32 v3, $0x10;
	v9 =	vand.u32 $0xFFFF, v3  }
0x15d: {  	_ =	sdelay $0x1  }
0x15e: {  	vm3 =	veq.s32 v11, v2;
	v13 =	vshrl.u32 v4, $0x10  }
0x15f: {  	vm4 =	veq.s32 v13, v2;
	v14 =	vshrl.u32 v5, $0x10  }
0x160: {  	v15 =	vand.u32 $0xFFFF, v4;
	vm5 =	veq.s32 v14, v2  }
0x161: {  	[tilespmem:v6+s17+$0x0] =	vst.idx.add.s32.msk vm0, v1;
	v6 =	vand.u32 $0xFFFF, v5  }
0x162: {  	[tilespmem:v7+s17+$0x0] =	vst.idx.add.s32.msk vm1, v1  }
0x163: {  	[tilespmem:v8+s17+$0x0] =	vst.idx.add.s32.msk vm2, v1  }
0x164: {  	s23 =	sshll.u32 s22, $0xC;
	p0 =	seq.s32 s22, $0x3;
	[tilespmem:v9+s17+$0x0] =	vst.idx.add.s32.msk vm3, v1  }
0x165: {  	s24 =	sadd.s32 @!p0 s23, s6;
	[tilespmem:v15+s17+$0x0] =	vst.idx.add.s32.msk vm4, v1  }
0x166: {  	s25 =	simm.s32 @!p0 $0x200;
	s26 =	simm.s32 @!p0 $0x400;
	s28 =	simm.s32 @!p0 $0x0;
	[tilespmem:v6+s17+$0x0] =	vst.idx.add.s32.msk vm5, v1  }
0x167: {  	[tilespmem:s28], [sflag:$0x1] =	stream.strided.gather @!p0 [hbm4b:s24+s25], $0x4000, s26, s25, $0x38;
	[tilespmem:$0x18100] =	vst v63  }
0x168: {  	_ =	swait.ge [sflag:s18], $0x4000  }
0x169: {  	[sflag:s18] =	ssyncset.done $0x0  }
0x16a: {  	vm0 =	vgt.s32 v11, v2;
	s31 =	simm.s32 $0x4200;
	v6 =	vadd.f32 v12, v10;
	[sflag:s18] =	ssyncadd.s32 $0xFFFFC000  }
0x16b: {  	v3 =	vnsel vm0, $0x0, v3;
	v7 =	vld [tilespmem:s31+$0xFFFFFE00]  }
0x16c: {  	vm0 =	vgt.s32 v13, v2;
	v3 =	vadd.f32 v3, v6  }
0x16d: {  	v4 =	vnsel vm0, $0x0, v4;
	vm0 =	vgt.s32 v14, v2;
	v6 =	vld [tilespmem:s31+$0xFFFFFE10]  }
0x16e: {  	v3 =	vadd.f32 v4, v3;
	v4 =	vnsel vm0, $0x0, v5;
	v5 =	vld [tilespmem:s31+$0xFFFFFE20];
	_ =	sdelay $0x1  }
0x16f: {  	v3 =	vadd.f32 v4, v3;
	v4 =	vshrl.u32 v7, $0x10  }
0x170: {  	v8 =	vand.u32 $0xFFFF, v7;
	vm0 =	veq.s32 v4, v2;
	vm1 =	vgt.s32 v4, v2;
	v4 =	vld [tilespmem:s31+$0xFFFFFE30]  }
0x171: {  	v9 =	vshrl.u32 v6, $0x10;
	v10 =	vand.u32 $0xFFFF, v6;
	v7 =	vnsel vm1, $0x0, v7  }
0x172: {  	v11 =	vand.u32 $0xFFFF, v5;
	vm2 =	vgt.s32 v9, v2;
	v3 =	vadd.f32 v7, v3;
	v7 =	vld [tilespmem:s31+$0xFFFFFE40]  }
0x173: {  	vm1 =	veq.s32 v9, v2;
	v6 =	vnsel vm2, $0x0, v6;
	v9 =	vshrl.u32 v5, $0x10  }
0x174: {  	vm2 =	veq.s32 v9, v2;
	vm3 =	vgt.s32 v9, v2;
	v3 =	vadd.f32 v6, v3;
	v6 =	vld [tilespmem:s31+$0xFFFFFE50]  }
0x175: {  	v14 =	vld [tilespmem:s31+$0x40];
	v5 =	vnsel vm3, $0x0, v5;
	v9 =	vshrl.u32 v4, $0x10;
	v12 =	vand.u32 $0xFFFF, v4  }
0x176: {  	v3 =	vadd.f32 v5, v3;
	vm3 =	veq.s32 v9, v2;
	vm9 =	vgt.s32 v9, v2;
	v5 =	vld [tilespmem:s31+$0xFFFFFE60]  }
0x177: {  	[tilespmem:v8+s17+$0x0] =	vst.idx.add.s32.msk vm0, v1;
	v4 =	vnsel vm9, $0x0, v4;
	v8 =	vshrl.u32 v7, $0x10;
	v9 =	vand.u32 $0xFFFF, v7  }
0x178: {  	v3 =	vadd.f32 v4, v3;
	vm0 =	veq.s32 v8, v2;
	vm10 =	vgt.s32 v8, v2;
	v4 =	vld [tilespmem:s31+$0xFFFFFE70]  }
0x179: {  	[tilespmem:v10+s17+$0x0] =	vst.idx.add.s32.msk vm1, v1;
	v7 =	vnsel vm10, $0x0, v7;
	v8 =	vshrl.u32 v6, $0x10;
	v10 =	vand.u32 $0xFFFF, v6  }
0x17a: {  	v3 =	vadd.f32 v7, v3;
	vm1 =	veq.s32 v8, v2;
	vm11 =	vgt.s32 v8, v2;
	v7 =	vld [tilespmem:s31+$0x0]  }
0x17b: {  	[tilespmem:v11+s17+$0x0] =	vst.idx.add.s32.msk vm2, v1;
	v6 =	vnsel vm11, $0x0, v6;
	v8 =	vshrl.u32 v5, $0x10;
	v11 =	vand.u32 $0xFFFF, v5  }
0x17c: {  	v3 =	vadd.f32 v6, v3;
	vm2 =	veq.s32 v8, v2;
	vm12 =	vgt.s32 v8, v2;
	v6 =	vld [tilespmem:s31+$0x10]  }
0x17d: {  	[tilespmem:v12+s17+$0x0] =	vst.idx.add.s32.msk vm3, v1;
	v5 =	vnsel vm12, $0x0, v5;
	v8 =	vshrl.u32 v4, $0x10;
	v12 =	vand.u32 $0xFFFF, v4  }
0x17e: {  	v3 =	vadd.f32 v5, v3;
	vm3 =	veq.s32 v8, v2;
	vm13 =	vgt.s32 v8, v2;
	v5 =	vld [tilespmem:s31+$0x20]  }
0x17f: {  	[tilespmem:v9+s17+$0x0] =	vst.idx.add.s32.msk vm0, v1;
	v4 =	vnsel vm13, $0x0, v4;
	v8 =	vshrl.u32 v7, $0x10;
	v9 =	vand.u32 $0xFFFF, v7  }
0x180: {  	v3 =	vadd.f32 v4, v3;
	vm14 =	veq.s32 v8, v2;
	vm0 =	vgt.s32 v8, v2;
	v8 =	vld [tilespmem:s31+$0x30]  }
0x181: {  	[tilespmem:v10+s17+$0x0] =	vst.idx.add.s32.msk vm1, v1;
	v4 =	vnsel vm0, $0x0, v7;
	v7 =	vshrl.u32 v6, $0x10;
	v13 =	vand.u32 $0xFFFF, v6  }
0x182: {  	v3 =	vadd.f32 v4, v3;
	vm15 =	veq.s32 v7, v2;
	vm0 =	vgt.s32 v7, v2  }
0x183: {  	[tilespmem:v11+s17+$0x0] =	vst.idx.add.s32.msk vm2, v1;
	v11 =	vshrl.u32 v14, $0x10;
	v6 =	vnsel vm0, $0x0, v6;
	v7 =	vshrl.u32 v5, $0x10  }
0x184: {  	v4 =	vand.u32 $0xFFFF, v5;
	v6 =	vadd.f32 v6, v3;
	vm1 =	vgt.s32 v7, v2;
	v3 =	vld [tilespmem:s31+$0x50]  }
0x185: {  	vm0 =	veq.s32 v7, v2;
	[tilespmem:v12+s17+$0x0] =	vst.idx.add.s32.msk vm3, v1;
	v5 =	vnsel vm1, $0x0, v5;
	v10 =	vshrl.u32 v8, $0x10  }
0x186: {  	vm3 =	vgt.s32 v11, v2;
	v6 =	vadd.f32 v5, v6;
	vm2 =	vgt.s32 v10, v2;
	v5 =	vld [tilespmem:s31+$0x60]  }
0x187: {  	v7 =	vand.u32 $0xFFFF, v8;
	vm1 =	veq.s32 v10, v2;
	[tilespmem:v9+s17+$0x0] =	vst.idx.add.s32.msk vm14, v1;
	v9 =	vnsel vm2, $0x0, v8  }
0x188: {  	v12 =	vnsel vm3, $0x0, v14;
	v8 =	vand.u32 $0xFFFF, v14;
	v10 =	vadd.f32 v9, v6;
	v6 =	vld [tilespmem:s31+$0x70]  }
0x189: {  	s25 =	simm.s32 $0x0;
	s26 =	simm.s32 $0x4600;
	vm2 =	veq.s32 v11, v2;
	[tilespmem:v13+s17+$0x0] =	vst.idx.add.s32.msk vm15, v1;
	v11 =	vshrl.u32 v3, $0x10;
	v9 =	vand.u32 $0xFFFF, v3  }
.LBB2_13:
0x18a: {  	v13 =	vld [tilespmem:s26+$0xFFFFFE00];
	s25 =	sadd.s32 $0x10, s25;
	v10 =	vadd.f32 v12, v10;
	vm3 =	veq.s32 v11, v2;
	vm4 =	vgt.s32 v11, v2  }
0x18b: {  	p1 =	slt.u32 s25, $0xF0;
	[tilespmem:v4+s17+$0x0] =	vst.idx.add.s32.msk vm0, v1;
	v3 =	vnsel vm4, $0x0, v3;
	v4 =	vshrl.u32 v5, $0x10;
	v11 =	vand.u32 $0xFFFF, v5  }
0x18c: {  	v12 =	vld [tilespmem:s26+$0xFFFFFE10];
	v3 =	vadd.f32 v3, v10;
	vm0 =	veq.s32 v4, v2;
	vm4 =	vgt.s32 v4, v2  }
0x18d: {  	[tilespmem:v7+s17+$0x0] =	vst.idx.add.s32.msk vm1, v1;
	v4 =	vnsel vm4, $0x0, v5;
	v5 =	vshrl.u32 v6, $0x10;
	v7 =	vand.u32 $0xFFFF, v6  }
0x18e: {  	v10 =	vld [tilespmem:s26+$0xFFFFFE20];
	v3 =	vadd.f32 v4, v3;
	vm1 =	veq.s32 v5, v2;
	vm4 =	vgt.s32 v5, v2  }
0x18f: {  	v4 =	vshrl.u32 v13, $0x10;
	v5 =	vand.u32 $0xFFFF, v13;
	[tilespmem:v8+s17+$0x0] =	vst.idx.add.s32.msk vm2, v1;
	v6 =	vnsel vm4, $0x0, v6  }
0x190: {  	s24 =	simm.s32 $0x4280;
	vm2 =	veq.s32 v4, v2;
	vm4 =	vgt.s32 v4, v2;
	v4 =	vld [tilespmem:s26+$0xFFFFFE30];
	v3 =	vadd.f32 v6, v3  }
0x191: {  	v6 =	vnsel vm4, $0x0, v13;
	v8 =	vshrl.u32 v12, $0x10;
	v13 =	vand.u32 $0xFFFF, v12;
	[tilespmem:v9+s17+$0x0] =	vst.idx.add.s32.msk vm3, v1  }
0x192: {  	v3 =	vadd.f32 v6, v3;
	vm3 =	veq.s32 v8, v2;
	vm4 =	vgt.s32 v8, v2;
	v6 =	vld [tilespmem:s26+$0xFFFFFE40]  }
0x193: {  	v8 =	vnsel vm4, $0x0, v12;
	v9 =	vshrl.u32 v10, $0x10;
	v12 =	vand.u32 $0xFFFF, v10;
	[tilespmem:v11+s17+$0x0] =	vst.idx.add.s32.msk vm0, v1  }
0x194: {  	v3 =	vadd.f32 v8, v3;
	vm0 =	veq.s32 v9, v2;
	vm4 =	vgt.s32 v9, v2;
	v8 =	vld [tilespmem:s26+$0xFFFFFE50]  }
0x195: {  	v9 =	vnsel vm4, $0x0, v10;
	v10 =	vshrl.u32 v4, $0x10;
	v11 =	vand.u32 $0xFFFF, v4;
	[tilespmem:v7+s17+$0x0] =	vst.idx.add.s32.msk vm1, v1  }
0x196: {  	v3 =	vadd.f32 v9, v3;
	vm1 =	veq.s32 v10, v2;
	vm4 =	vgt.s32 v10, v2;
	v7 =	vld [tilespmem:s26+$0xFFFFFE60]  }
0x197: {  	[tilespmem:v5+s17+$0x0] =	vst.idx.add.s32.msk vm2, v1;
	v4 =	vnsel vm4, $0x0, v4;
	v5 =	vshrl.u32 v6, $0x10;
	v9 =	vand.u32 $0xFFFF, v6  }
0x198: {  	v3 =	vadd.f32 v4, v3;
	vm2 =	veq.s32 v5, v2;
	vm4 =	vgt.s32 v5, v2;
	v4 =	vld [tilespmem:s26+$0xFFFFFE70]  }
0x199: {  	[tilespmem:v13+s17+$0x0] =	vst.idx.add.s32.msk vm3, v1;
	v5 =	vnsel vm4, $0x0, v6;
	v6 =	vshrl.u32 v8, $0x10;
	v10 =	vand.u32 $0xFFFF, v8  }
0x19a: {  	v3 =	vadd.f32 v5, v3;
	vm3 =	veq.s32 v6, v2;
	vm4 =	vgt.s32 v6, v2;
	v5 =	vld [tilespmem:s26+$0x0]  }
0x19b: {  	[tilespmem:v12+s17+$0x0] =	vst.idx.add.s32.msk vm0, v1;
	v6 =	vnsel vm4, $0x0, v8;
	v8 =	vshrl.u32 v7, $0x10;
	v12 =	vand.u32 $0xFFFF, v7  }
0x19c: {  	v3 =	vadd.f32 v6, v3;
	vm0 =	veq.s32 v8, v2;
	vm4 =	vgt.s32 v8, v2;
	v6 =	vld [tilespmem:s26+$0x10]  }
0x19d: {  	[tilespmem:v11+s17+$0x0] =	vst.idx.add.s32.msk vm1, v1;
	v7 =	vnsel vm4, $0x0, v7;
	v8 =	vshrl.u32 v4, $0x10;
	v11 =	vand.u32 $0xFFFF, v4  }
0x19e: {  	v3 =	vadd.f32 v7, v3;
	vm1 =	veq.s32 v8, v2;
	vm4 =	vgt.s32 v8, v2;
	v7 =	vld [tilespmem:s26+$0x20]  }
0x19f: {  	[tilespmem:v9+s17+$0x0] =	vst.idx.add.s32.msk vm2, v1;
	v4 =	vnsel vm4, $0x0, v4;
	v8 =	vshrl.u32 v5, $0x10;
	v9 =	vand.u32 $0xFFFF, v5  }
0x1a0: {  	v3 =	vadd.f32 v4, v3;
	vm2 =	veq.s32 v8, v2;
	vm4 =	vgt.s32 v8, v2;
	v8 =	vld [tilespmem:s26+$0x30]  }
0x1a1: {  	[tilespmem:v10+s17+$0x0] =	vst.idx.add.s32.msk vm3, v1;
	v4 =	vnsel vm4, $0x0, v5;
	v5 =	vshrl.u32 v6, $0x10;
	v13 =	vand.u32 $0xFFFF, v6  }
0x1a2: {  	v3 =	vadd.f32 v4, v3;
	vm3 =	veq.s32 v5, v2;
	vm4 =	vgt.s32 v5, v2;
	v14 =	vld [tilespmem:s26+$0x40]  }
0x1a3: {  	[tilespmem:v12+s17+$0x0] =	vst.idx.add.s32.msk vm0, v1;
	v5 =	vnsel vm4, $0x0, v6;
	v6 =	vshrl.u32 v7, $0x10;
	v4 =	vand.u32 $0xFFFF, v7  }
0x1a4: {  	v5 =	vadd.f32 v5, v3;
	vm0 =	veq.s32 v6, v2;
	vm4 =	vgt.s32 v6, v2;
	v3 =	vld [tilespmem:s26+$0x50]  }
.Ltmp7:
0x1a5: {  	[tilespmem:v11+s17+$0x0] =	vst.idx.add.s32.msk vm1, v1;
	v6 =	vnsel vm4, $0x0, v7;
	v10 =	vshrl.u32 v8, $0x10;
	v7 =	vand.u32 $0xFFFF, v8;
	(pc) =	sbr.rel @p1 .LBB2_13-.Ltmp7, $4  }
0x1a6: {  	v6 =	vadd.f32 v6, v5;
	vm1 =	veq.s32 v10, v2;
	vm4 =	vgt.s32 v10, v2;
	v5 =	vld [tilespmem:s26+$0x60]  }
0x1a7: {  	[tilespmem:v9+s17+$0x0] =	vst.idx.add.s32.msk vm2, v1;
	v9 =	vnsel vm4, $0x0, v8;
	v11 =	vshrl.u32 v14, $0x10;
	v8 =	vand.u32 $0xFFFF, v14  }
0x1a8: {  	v10 =	vadd.f32 v9, v6;
	vm2 =	veq.s32 v11, v2;
	vm4 =	vgt.s32 v11, v2;
	v6 =	vld [tilespmem:s26+$0x70]  }
0x1a9: {  	s26 =	sadd.s32 $0x400, s26;
	[tilespmem:v13+s17+$0x0] =	vst.idx.add.s32.msk vm3, v1;
	v12 =	vnsel vm4, $0x0, v14;
	v11 =	vshrl.u32 v3, $0x10;
	v9 =	vand.u32 $0xFFFF, v3  }
0x1aa: {  	_ =	sdelay $0x1  }
0x1ab: {  	vm3 =	veq.s32 v11, v2;
	v13 =	vshrl.u32 v5, $0x10  }
0x1ac: {  	vm4 =	veq.s32 v13, v2;
	v14 =	vshrl.u32 v6, $0x10  }
0x1ad: {  	v15 =	vand.u32 $0xFFFF, v5;
	vm5 =	veq.s32 v14, v2  }
0x1ae: {  	[tilespmem:v4+s17+$0x0] =	vst.idx.add.s32.msk vm0, v1;
	v4 =	vand.u32 $0xFFFF, v6  }
0x1af: {  	[tilespmem:v7+s17+$0x0] =	vst.idx.add.s32.msk vm1, v1  }
0x1b0: {  	[tilespmem:v8+s17+$0x0] =	vst.idx.add.s32.msk vm2, v1  }
0x1b1: {  	[tilespmem:v9+s17+$0x0] =	vst.idx.add.s32.msk vm3, v1  }
0x1b2: {  	[tilespmem:v15+s17+$0x0] =	vst.idx.add.s32.msk vm4, v1  }
0x1b3: {  	v7 =	vadd.f32 v12, v10;
	vm0 =	vgt.s32 v11, v2;
	[tilespmem:v4+s17+$0x0] =	vst.idx.add.s32.msk vm5, v1  }
0x1b4: {  	v3 =	vnsel vm0, $0x0, v3;
	v4 =	vld [tilespmem:s24+$0xFFFFFE00]  }
0x1b5: {  	v3 =	vadd.f32 v3, v7;
	vm0 =	vgt.s32 v13, v2  }
0x1b6: {  	v5 =	vnsel vm0, $0x0, v5;
	vm0 =	vgt.s32 v14, v2;
	v7 =	vld [tilespmem:s24+$0xFFFFFE10]  }
0x1b7: {  	v3 =	vadd.f32 v5, v3;
	v5 =	vnsel vm0, $0x0, v6;
	v6 =	vld [tilespmem:s24+$0xFFFFFE20];
	_ =	sdelay $0x1  }
0x1b8: {  	v3 =	vadd.f32 v5, v3;
	v5 =	vshrl.u32 v4, $0x10  }
0x1b9: {  	v8 =	vand.u32 $0xFFFF, v4;
	vm0 =	veq.s32 v5, v2;
	vm1 =	vgt.s32 v5, v2;
	v5 =	vld [tilespmem:s24+$0xFFFFFE30]  }
0x1ba: {  	v9 =	vshrl.u32 v7, $0x10;
	v10 =	vand.u32 $0xFFFF, v7;
	v4 =	vnsel vm1, $0x0, v4  }
0x1bb: {  	v11 =	vand.u32 $0xFFFF, v6;
	vm2 =	vgt.s32 v9, v2;
	v3 =	vadd.f32 v4, v3;
	v4 =	vld [tilespmem:s24+$0xFFFFFE40]  }
0x1bc: {  	vm1 =	veq.s32 v9, v2;
	v7 =	vnsel vm2, $0x0, v7;
	v9 =	vshrl.u32 v6, $0x10  }
0x1bd: {  	vm2 =	veq.s32 v9, v2;
	vm3 =	vgt.s32 v9, v2;
	v3 =	vadd.f32 v7, v3;
	v7 =	vld [tilespmem:s24+$0xFFFFFE50]  }
0x1be: {  	v14 =	vld [tilespmem:s24+$0x40];
	v6 =	vnsel vm3, $0x0, v6;
	v9 =	vshrl.u32 v5, $0x10;
	v12 =	vand.u32 $0xFFFF, v5  }
0x1bf: {  	v3 =	vadd.f32 v6, v3;
	vm3 =	veq.s32 v9, v2;
	vm9 =	vgt.s32 v9, v2;
	v6 =	vld [tilespmem:s24+$0xFFFFFE60]  }
0x1c0: {  	[tilespmem:v8+s17+$0x0] =	vst.idx.add.s32.msk vm0, v1;
	v5 =	vnsel vm9, $0x0, v5;
	v8 =	vshrl.u32 v4, $0x10;
	v9 =	vand.u32 $0xFFFF, v4  }
0x1c1: {  	v3 =	vadd.f32 v5, v3;
	vm0 =	veq.s32 v8, v2;
	vm10 =	vgt.s32 v8, v2;
	v5 =	vld [tilespmem:s24+$0xFFFFFE70]  }
0x1c2: {  	[tilespmem:v10+s17+$0x0] =	vst.idx.add.s32.msk vm1, v1;
	v4 =	vnsel vm10, $0x0, v4;
	v8 =	vshrl.u32 v7, $0x10;
	v10 =	vand.u32 $0xFFFF, v7  }
0x1c3: {  	v3 =	vadd.f32 v4, v3;
	vm1 =	veq.s32 v8, v2;
	vm11 =	vgt.s32 v8, v2;
	v4 =	vld [tilespmem:s24+$0x0]  }
0x1c4: {  	[tilespmem:v11+s17+$0x0] =	vst.idx.add.s32.msk vm2, v1;
	v7 =	vnsel vm11, $0x0, v7;
	v8 =	vshrl.u32 v6, $0x10;
	v11 =	vand.u32 $0xFFFF, v6  }
0x1c5: {  	v3 =	vadd.f32 v7, v3;
	vm2 =	veq.s32 v8, v2;
	vm12 =	vgt.s32 v8, v2;
	v7 =	vld [tilespmem:s24+$0x10]  }
0x1c6: {  	[tilespmem:v12+s17+$0x0] =	vst.idx.add.s32.msk vm3, v1;
	v6 =	vnsel vm12, $0x0, v6;
	v8 =	vshrl.u32 v5, $0x10;
	v12 =	vand.u32 $0xFFFF, v5  }
0x1c7: {  	v3 =	vadd.f32 v6, v3;
	vm3 =	veq.s32 v8, v2;
	vm13 =	vgt.s32 v8, v2;
	v6 =	vld [tilespmem:s24+$0x20]  }
0x1c8: {  	[tilespmem:v9+s17+$0x0] =	vst.idx.add.s32.msk vm0, v1;
	v5 =	vnsel vm13, $0x0, v5;
	v8 =	vshrl.u32 v4, $0x10;
	v9 =	vand.u32 $0xFFFF, v4  }
0x1c9: {  	v3 =	vadd.f32 v5, v3;
	vm14 =	veq.s32 v8, v2;
	vm0 =	vgt.s32 v8, v2;
	v8 =	vld [tilespmem:s24+$0x30]  }
0x1ca: {  	[tilespmem:v10+s17+$0x0] =	vst.idx.add.s32.msk vm1, v1;
	v4 =	vnsel vm0, $0x0, v4;
	v5 =	vshrl.u32 v7, $0x10;
	v13 =	vand.u32 $0xFFFF, v7  }
0x1cb: {  	v3 =	vadd.f32 v4, v3;
	vm15 =	veq.s32 v5, v2;
	vm0 =	vgt.s32 v5, v2  }
0x1cc: {  	[tilespmem:v11+s17+$0x0] =	vst.idx.add.s32.msk vm2, v1;
	v11 =	vshrl.u32 v14, $0x10;
	v5 =	vnsel vm0, $0x0, v7;
	v7 =	vshrl.u32 v6, $0x10  }
0x1cd: {  	v4 =	vand.u32 $0xFFFF, v6;
	v5 =	vadd.f32 v5, v3;
	vm1 =	vgt.s32 v7, v2;
	v3 =	vld [tilespmem:s24+$0x50]  }
0x1ce: {  	vm0 =	veq.s32 v7, v2;
	[tilespmem:v12+s17+$0x0] =	vst.idx.add.s32.msk vm3, v1;
	v6 =	vnsel vm1, $0x0, v6;
	v10 =	vshrl.u32 v8, $0x10  }
0x1cf: {  	vm3 =	vgt.s32 v11, v2;
	v6 =	vadd.f32 v6, v5;
	vm2 =	vgt.s32 v10, v2;
	v5 =	vld [tilespmem:s24+$0x60]  }
0x1d0: {  	v7 =	vand.u32 $0xFFFF, v8;
	vm1 =	veq.s32 v10, v2;
	[tilespmem:v9+s17+$0x0] =	vst.idx.add.s32.msk vm14, v1;
	v9 =	vnsel vm2, $0x0, v8  }
0x1d1: {  	v12 =	vnsel vm3, $0x0, v14;
	v8 =	vand.u32 $0xFFFF, v14;
	v10 =	vadd.f32 v9, v6;
	v6 =	vld [tilespmem:s24+$0x70]  }
0x1d2: {  	s25 =	simm.s32 $0x0;
	s26 =	simm.s32 $0x4680;
	vm2 =	veq.s32 v11, v2;
	[tilespmem:v13+s17+$0x0] =	vst.idx.add.s32.msk vm15, v1;
	v11 =	vshrl.u32 v3, $0x10;
	v9 =	vand.u32 $0xFFFF, v3  }
.LBB2_15:
0x1d3: {  	v13 =	vld [tilespmem:s26+$0xFFFFFE00];
	s25 =	sadd.s32 $0x10, s25;
	v10 =	vadd.f32 v12, v10;
	vm3 =	veq.s32 v11, v2;
	vm4 =	vgt.s32 v11, v2  }
0x1d4: {  	p1 =	slt.u32 s25, $0xF0;
	[tilespmem:v4+s17+$0x0] =	vst.idx.add.s32.msk vm0, v1;
	v3 =	vnsel vm4, $0x0, v3;
	v4 =	vshrl.u32 v5, $0x10;
	v11 =	vand.u32 $0xFFFF, v5  }
0x1d5: {  	v12 =	vld [tilespmem:s26+$0xFFFFFE10];
	v3 =	vadd.f32 v3, v10;
	vm0 =	veq.s32 v4, v2;
	vm4 =	vgt.s32 v4, v2  }
0x1d6: {  	[tilespmem:v7+s17+$0x0] =	vst.idx.add.s32.msk vm1, v1;
	v4 =	vnsel vm4, $0x0, v5;
	v5 =	vshrl.u32 v6, $0x10;
	v7 =	vand.u32 $0xFFFF, v6  }
0x1d7: {  	v10 =	vld [tilespmem:s26+$0xFFFFFE20];
	v3 =	vadd.f32 v4, v3;
	vm1 =	veq.s32 v5, v2;
	vm4 =	vgt.s32 v5, v2  }
0x1d8: {  	v4 =	vshrl.u32 v13, $0x10;
	v5 =	vand.u32 $0xFFFF, v13;
	[tilespmem:v8+s17+$0x0] =	vst.idx.add.s32.msk vm2, v1;
	v6 =	vnsel vm4, $0x0, v6  }
0x1d9: {  	s24 =	simm.s32 $0x4300;
	vm2 =	veq.s32 v4, v2;
	vm4 =	vgt.s32 v4, v2;
	v4 =	vld [tilespmem:s26+$0xFFFFFE30];
	v3 =	vadd.f32 v6, v3  }
0x1da: {  	v6 =	vnsel vm4, $0x0, v13;
	v8 =	vshrl.u32 v12, $0x10;
	v13 =	vand.u32 $0xFFFF, v12;
	[tilespmem:v9+s17+$0x0] =	vst.idx.add.s32.msk vm3, v1  }
0x1db: {  	v3 =	vadd.f32 v6, v3;
	vm3 =	veq.s32 v8, v2;
	vm4 =	vgt.s32 v8, v2;
	v6 =	vld [tilespmem:s26+$0xFFFFFE40]  }
0x1dc: {  	v8 =	vnsel vm4, $0x0, v12;
	v9 =	vshrl.u32 v10, $0x10;
	v12 =	vand.u32 $0xFFFF, v10;
	[tilespmem:v11+s17+$0x0] =	vst.idx.add.s32.msk vm0, v1  }
0x1dd: {  	v3 =	vadd.f32 v8, v3;
	vm0 =	veq.s32 v9, v2;
	vm4 =	vgt.s32 v9, v2;
	v8 =	vld [tilespmem:s26+$0xFFFFFE50]  }
0x1de: {  	v9 =	vnsel vm4, $0x0, v10;
	v10 =	vshrl.u32 v4, $0x10;
	v11 =	vand.u32 $0xFFFF, v4;
	[tilespmem:v7+s17+$0x0] =	vst.idx.add.s32.msk vm1, v1  }
0x1df: {  	v3 =	vadd.f32 v9, v3;
	vm1 =	veq.s32 v10, v2;
	vm4 =	vgt.s32 v10, v2;
	v7 =	vld [tilespmem:s26+$0xFFFFFE60]  }
0x1e0: {  	[tilespmem:v5+s17+$0x0] =	vst.idx.add.s32.msk vm2, v1;
	v4 =	vnsel vm4, $0x0, v4;
	v5 =	vshrl.u32 v6, $0x10;
	v9 =	vand.u32 $0xFFFF, v6  }
0x1e1: {  	v3 =	vadd.f32 v4, v3;
	vm2 =	veq.s32 v5, v2;
	vm4 =	vgt.s32 v5, v2;
	v4 =	vld [tilespmem:s26+$0xFFFFFE70]  }
0x1e2: {  	[tilespmem:v13+s17+$0x0] =	vst.idx.add.s32.msk vm3, v1;
	v5 =	vnsel vm4, $0x0, v6;
	v6 =	vshrl.u32 v8, $0x10;
	v10 =	vand.u32 $0xFFFF, v8  }
0x1e3: {  	v3 =	vadd.f32 v5, v3;
	vm3 =	veq.s32 v6, v2;
	vm4 =	vgt.s32 v6, v2;
	v5 =	vld [tilespmem:s26+$0x0]  }
0x1e4: {  	[tilespmem:v12+s17+$0x0] =	vst.idx.add.s32.msk vm0, v1;
	v6 =	vnsel vm4, $0x0, v8;
	v8 =	vshrl.u32 v7, $0x10;
	v12 =	vand.u32 $0xFFFF, v7  }
0x1e5: {  	v3 =	vadd.f32 v6, v3;
	vm0 =	veq.s32 v8, v2;
	vm4 =	vgt.s32 v8, v2;
	v6 =	vld [tilespmem:s26+$0x10]  }
0x1e6: {  	[tilespmem:v11+s17+$0x0] =	vst.idx.add.s32.msk vm1, v1;
	v7 =	vnsel vm4, $0x0, v7;
	v8 =	vshrl.u32 v4, $0x10;
	v11 =	vand.u32 $0xFFFF, v4  }
0x1e7: {  	v3 =	vadd.f32 v7, v3;
	vm1 =	veq.s32 v8, v2;
	vm4 =	vgt.s32 v8, v2;
	v7 =	vld [tilespmem:s26+$0x20]  }
0x1e8: {  	[tilespmem:v9+s17+$0x0] =	vst.idx.add.s32.msk vm2, v1;
	v4 =	vnsel vm4, $0x0, v4;
	v8 =	vshrl.u32 v5, $0x10;
	v9 =	vand.u32 $0xFFFF, v5  }
0x1e9: {  	v3 =	vadd.f32 v4, v3;
	vm2 =	veq.s32 v8, v2;
	vm4 =	vgt.s32 v8, v2;
	v8 =	vld [tilespmem:s26+$0x30]  }
0x1ea: {  	[tilespmem:v10+s17+$0x0] =	vst.idx.add.s32.msk vm3, v1;
	v4 =	vnsel vm4, $0x0, v5;
	v5 =	vshrl.u32 v6, $0x10;
	v13 =	vand.u32 $0xFFFF, v6  }
0x1eb: {  	v3 =	vadd.f32 v4, v3;
	vm3 =	veq.s32 v5, v2;
	vm4 =	vgt.s32 v5, v2;
	v14 =	vld [tilespmem:s26+$0x40]  }
0x1ec: {  	[tilespmem:v12+s17+$0x0] =	vst.idx.add.s32.msk vm0, v1;
	v5 =	vnsel vm4, $0x0, v6;
	v6 =	vshrl.u32 v7, $0x10;
	v4 =	vand.u32 $0xFFFF, v7  }
0x1ed: {  	v5 =	vadd.f32 v5, v3;
	vm0 =	veq.s32 v6, v2;
	vm4 =	vgt.s32 v6, v2;
	v3 =	vld [tilespmem:s26+$0x50]  }
.Ltmp8:
0x1ee: {  	[tilespmem:v11+s17+$0x0] =	vst.idx.add.s32.msk vm1, v1;
	v6 =	vnsel vm4, $0x0, v7;
	v10 =	vshrl.u32 v8, $0x10;
	v7 =	vand.u32 $0xFFFF, v8;
	(pc) =	sbr.rel @p1 .LBB2_15-.Ltmp8, $4  }
0x1ef: {  	v6 =	vadd.f32 v6, v5;
	vm1 =	veq.s32 v10, v2;
	vm4 =	vgt.s32 v10, v2;
	v5 =	vld [tilespmem:s26+$0x60]  }
0x1f0: {  	[tilespmem:v9+s17+$0x0] =	vst.idx.add.s32.msk vm2, v1;
	v9 =	vnsel vm4, $0x0, v8;
	v11 =	vshrl.u32 v14, $0x10;
	v8 =	vand.u32 $0xFFFF, v14  }
0x1f1: {  	v10 =	vadd.f32 v9, v6;
	vm2 =	veq.s32 v11, v2;
	vm4 =	vgt.s32 v11, v2;
	v6 =	vld [tilespmem:s26+$0x70]  }
0x1f2: {  	s26 =	sadd.s32 $0x400, s26;
	[tilespmem:v13+s17+$0x0] =	vst.idx.add.s32.msk vm3, v1;
	v12 =	vnsel vm4, $0x0, v14;
	v11 =	vshrl.u32 v3, $0x10;
	v9 =	vand.u32 $0xFFFF, v3  }
0x1f3: {  	_ =	sdelay $0x1  }
0x1f4: {  	vm3 =	veq.s32 v11, v2;
	v13 =	vshrl.u32 v5, $0x10  }
0x1f5: {  	vm4 =	veq.s32 v13, v2;
	v14 =	vshrl.u32 v6, $0x10  }
0x1f6: {  	v15 =	vand.u32 $0xFFFF, v5;
	vm5 =	veq.s32 v14, v2  }
0x1f7: {  	[tilespmem:v4+s17+$0x0] =	vst.idx.add.s32.msk vm0, v1;
	v4 =	vand.u32 $0xFFFF, v6  }
0x1f8: {  	[tilespmem:v7+s17+$0x0] =	vst.idx.add.s32.msk vm1, v1  }
0x1f9: {  	[tilespmem:v8+s17+$0x0] =	vst.idx.add.s32.msk vm2, v1  }
0x1fa: {  	[tilespmem:v9+s17+$0x0] =	vst.idx.add.s32.msk vm3, v1  }
0x1fb: {  	[tilespmem:v15+s17+$0x0] =	vst.idx.add.s32.msk vm4, v1  }
0x1fc: {  	v7 =	vadd.f32 v12, v10;
	vm0 =	vgt.s32 v11, v2;
	[tilespmem:v4+s17+$0x0] =	vst.idx.add.s32.msk vm5, v1  }
0x1fd: {  	v3 =	vnsel vm0, $0x0, v3;
	v4 =	vld [tilespmem:s24+$0xFFFFFE00]  }
0x1fe: {  	v3 =	vadd.f32 v3, v7;
	vm0 =	vgt.s32 v13, v2  }
0x1ff: {  	v5 =	vnsel vm0, $0x0, v5;
	vm0 =	vgt.s32 v14, v2;
	v7 =	vld [tilespmem:s24+$0xFFFFFE10]  }
0x200: {  	v3 =	vadd.f32 v5, v3;
	v5 =	vnsel vm0, $0x0, v6;
	v6 =	vld [tilespmem:s24+$0xFFFFFE20];
	_ =	sdelay $0x1  }
0x201: {  	v3 =	vadd.f32 v5, v3;
	v5 =	vshrl.u32 v4, $0x10  }
0x202: {  	v8 =	vand.u32 $0xFFFF, v4;
	vm0 =	veq.s32 v5, v2;
	vm1 =	vgt.s32 v5, v2;
	v5 =	vld [tilespmem:s24+$0xFFFFFE30]  }
0x203: {  	v9 =	vshrl.u32 v7, $0x10;
	v10 =	vand.u32 $0xFFFF, v7;
	v4 =	vnsel vm1, $0x0, v4  }
0x204: {  	v11 =	vand.u32 $0xFFFF, v6;
	vm2 =	vgt.s32 v9, v2;
	v3 =	vadd.f32 v4, v3;
	v4 =	vld [tilespmem:s24+$0xFFFFFE40]  }
0x205: {  	vm1 =	veq.s32 v9, v2;
	v7 =	vnsel vm2, $0x0, v7;
	v9 =	vshrl.u32 v6, $0x10  }
0x206: {  	vm2 =	veq.s32 v9, v2;
	vm3 =	vgt.s32 v9, v2;
	v3 =	vadd.f32 v7, v3;
	v7 =	vld [tilespmem:s24+$0xFFFFFE50]  }
0x207: {  	v14 =	vld [tilespmem:s24+$0x40];
	v6 =	vnsel vm3, $0x0, v6;
	v9 =	vshrl.u32 v5, $0x10;
	v12 =	vand.u32 $0xFFFF, v5  }
0x208: {  	v3 =	vadd.f32 v6, v3;
	vm3 =	veq.s32 v9, v2;
	vm9 =	vgt.s32 v9, v2;
	v6 =	vld [tilespmem:s24+$0xFFFFFE60]  }
0x209: {  	[tilespmem:v8+s17+$0x0] =	vst.idx.add.s32.msk vm0, v1;
	v5 =	vnsel vm9, $0x0, v5;
	v8 =	vshrl.u32 v4, $0x10;
	v9 =	vand.u32 $0xFFFF, v4  }
0x20a: {  	v3 =	vadd.f32 v5, v3;
	vm0 =	veq.s32 v8, v2;
	vm10 =	vgt.s32 v8, v2;
	v5 =	vld [tilespmem:s24+$0xFFFFFE70]  }
0x20b: {  	[tilespmem:v10+s17+$0x0] =	vst.idx.add.s32.msk vm1, v1;
	v4 =	vnsel vm10, $0x0, v4;
	v8 =	vshrl.u32 v7, $0x10;
	v10 =	vand.u32 $0xFFFF, v7  }
0x20c: {  	v3 =	vadd.f32 v4, v3;
	vm1 =	veq.s32 v8, v2;
	vm11 =	vgt.s32 v8, v2;
	v4 =	vld [tilespmem:s24+$0x0]  }
0x20d: {  	[tilespmem:v11+s17+$0x0] =	vst.idx.add.s32.msk vm2, v1;
	v7 =	vnsel vm11, $0x0, v7;
	v8 =	vshrl.u32 v6, $0x10;
	v11 =	vand.u32 $0xFFFF, v6  }
0x20e: {  	v3 =	vadd.f32 v7, v3;
	vm2 =	veq.s32 v8, v2;
	vm12 =	vgt.s32 v8, v2;
	v7 =	vld [tilespmem:s24+$0x10]  }
0x20f: {  	[tilespmem:v12+s17+$0x0] =	vst.idx.add.s32.msk vm3, v1;
	v6 =	vnsel vm12, $0x0, v6;
	v8 =	vshrl.u32 v5, $0x10;
	v12 =	vand.u32 $0xFFFF, v5  }
0x210: {  	v3 =	vadd.f32 v6, v3;
	vm3 =	veq.s32 v8, v2;
	vm13 =	vgt.s32 v8, v2;
	v6 =	vld [tilespmem:s24+$0x20]  }
0x211: {  	[tilespmem:v9+s17+$0x0] =	vst.idx.add.s32.msk vm0, v1;
	v5 =	vnsel vm13, $0x0, v5;
	v8 =	vshrl.u32 v4, $0x10;
	v9 =	vand.u32 $0xFFFF, v4  }
0x212: {  	v3 =	vadd.f32 v5, v3;
	vm14 =	veq.s32 v8, v2;
	vm0 =	vgt.s32 v8, v2;
	v8 =	vld [tilespmem:s24+$0x30]  }
0x213: {  	[tilespmem:v10+s17+$0x0] =	vst.idx.add.s32.msk vm1, v1;
	v4 =	vnsel vm0, $0x0, v4;
	v5 =	vshrl.u32 v7, $0x10;
	v13 =	vand.u32 $0xFFFF, v7  }
0x214: {  	v3 =	vadd.f32 v4, v3;
	vm15 =	veq.s32 v5, v2;
	vm0 =	vgt.s32 v5, v2  }
0x215: {  	[tilespmem:v11+s17+$0x0] =	vst.idx.add.s32.msk vm2, v1;
	v11 =	vshrl.u32 v14, $0x10;
	v5 =	vnsel vm0, $0x0, v7;
	v7 =	vshrl.u32 v6, $0x10  }
0x216: {  	v4 =	vand.u32 $0xFFFF, v6;
	v5 =	vadd.f32 v5, v3;
	vm1 =	vgt.s32 v7, v2;
	v3 =	vld [tilespmem:s24+$0x50]  }
0x217: {  	vm0 =	veq.s32 v7, v2;
	[tilespmem:v12+s17+$0x0] =	vst.idx.add.s32.msk vm3, v1;
	v6 =	vnsel vm1, $0x0, v6;
	v10 =	vshrl.u32 v8, $0x10  }
0x218: {  	vm3 =	vgt.s32 v11, v2;
	v6 =	vadd.f32 v6, v5;
	vm2 =	vgt.s32 v10, v2;
	v5 =	vld [tilespmem:s24+$0x60]  }
0x219: {  	v7 =	vand.u32 $0xFFFF, v8;
	vm1 =	veq.s32 v10, v2;
	[tilespmem:v9+s17+$0x0] =	vst.idx.add.s32.msk vm14, v1;
	v9 =	vnsel vm2, $0x0, v8  }
0x21a: {  	v12 =	vnsel vm3, $0x0, v14;
	v8 =	vand.u32 $0xFFFF, v14;
	v10 =	vadd.f32 v9, v6;
	v6 =	vld [tilespmem:s24+$0x70]  }
0x21b: {  	s25 =	simm.s32 $0x0;
	s26 =	simm.s32 $0x4700;
	vm2 =	veq.s32 v11, v2;
	[tilespmem:v13+s17+$0x0] =	vst.idx.add.s32.msk vm15, v1;
	v11 =	vshrl.u32 v3, $0x10;
	v9 =	vand.u32 $0xFFFF, v3  }
.LBB2_17:
0x21c: {  	v13 =	vld [tilespmem:s26+$0xFFFFFE00];
	s25 =	sadd.s32 $0x10, s25;
	v10 =	vadd.f32 v12, v10;
	vm3 =	veq.s32 v11, v2;
	vm4 =	vgt.s32 v11, v2  }
0x21d: {  	p1 =	slt.u32 s25, $0xF0;
	[tilespmem:v4+s17+$0x0] =	vst.idx.add.s32.msk vm0, v1;
	v3 =	vnsel vm4, $0x0, v3;
	v4 =	vshrl.u32 v5, $0x10;
	v11 =	vand.u32 $0xFFFF, v5  }
0x21e: {  	v12 =	vld [tilespmem:s26+$0xFFFFFE10];
	v3 =	vadd.f32 v3, v10;
	vm0 =	veq.s32 v4, v2;
	vm4 =	vgt.s32 v4, v2  }
0x21f: {  	[tilespmem:v7+s17+$0x0] =	vst.idx.add.s32.msk vm1, v1;
	v4 =	vnsel vm4, $0x0, v5;
	v5 =	vshrl.u32 v6, $0x10;
	v7 =	vand.u32 $0xFFFF, v6  }
0x220: {  	v10 =	vld [tilespmem:s26+$0xFFFFFE20];
	v3 =	vadd.f32 v4, v3;
	vm1 =	veq.s32 v5, v2;
	vm4 =	vgt.s32 v5, v2  }
0x221: {  	v4 =	vshrl.u32 v13, $0x10;
	v5 =	vand.u32 $0xFFFF, v13;
	[tilespmem:v8+s17+$0x0] =	vst.idx.add.s32.msk vm2, v1;
	v6 =	vnsel vm4, $0x0, v6  }
0x222: {  	s24 =	simm.s32 $0x4380;
	vm2 =	veq.s32 v4, v2;
	vm4 =	vgt.s32 v4, v2;
	v4 =	vld [tilespmem:s26+$0xFFFFFE30];
	v3 =	vadd.f32 v6, v3  }
0x223: {  	v6 =	vnsel vm4, $0x0, v13;
	v8 =	vshrl.u32 v12, $0x10;
	v13 =	vand.u32 $0xFFFF, v12;
	[tilespmem:v9+s17+$0x0] =	vst.idx.add.s32.msk vm3, v1  }
0x224: {  	v3 =	vadd.f32 v6, v3;
	vm3 =	veq.s32 v8, v2;
	vm4 =	vgt.s32 v8, v2;
	v6 =	vld [tilespmem:s26+$0xFFFFFE40]  }
0x225: {  	v8 =	vnsel vm4, $0x0, v12;
	v9 =	vshrl.u32 v10, $0x10;
	v12 =	vand.u32 $0xFFFF, v10;
	[tilespmem:v11+s17+$0x0] =	vst.idx.add.s32.msk vm0, v1  }
0x226: {  	v3 =	vadd.f32 v8, v3;
	vm0 =	veq.s32 v9, v2;
	vm4 =	vgt.s32 v9, v2;
	v8 =	vld [tilespmem:s26+$0xFFFFFE50]  }
0x227: {  	v9 =	vnsel vm4, $0x0, v10;
	v10 =	vshrl.u32 v4, $0x10;
	v11 =	vand.u32 $0xFFFF, v4;
	[tilespmem:v7+s17+$0x0] =	vst.idx.add.s32.msk vm1, v1  }
0x228: {  	v3 =	vadd.f32 v9, v3;
	vm1 =	veq.s32 v10, v2;
	vm4 =	vgt.s32 v10, v2;
	v7 =	vld [tilespmem:s26+$0xFFFFFE60]  }
0x229: {  	[tilespmem:v5+s17+$0x0] =	vst.idx.add.s32.msk vm2, v1;
	v4 =	vnsel vm4, $0x0, v4;
	v5 =	vshrl.u32 v6, $0x10;
	v9 =	vand.u32 $0xFFFF, v6  }
0x22a: {  	v3 =	vadd.f32 v4, v3;
	vm2 =	veq.s32 v5, v2;
	vm4 =	vgt.s32 v5, v2;
	v4 =	vld [tilespmem:s26+$0xFFFFFE70]  }
0x22b: {  	[tilespmem:v13+s17+$0x0] =	vst.idx.add.s32.msk vm3, v1;
	v5 =	vnsel vm4, $0x0, v6;
	v6 =	vshrl.u32 v8, $0x10;
	v10 =	vand.u32 $0xFFFF, v8  }
0x22c: {  	v3 =	vadd.f32 v5, v3;
	vm3 =	veq.s32 v6, v2;
	vm4 =	vgt.s32 v6, v2;
	v5 =	vld [tilespmem:s26+$0x0]  }
0x22d: {  	[tilespmem:v12+s17+$0x0] =	vst.idx.add.s32.msk vm0, v1;
	v6 =	vnsel vm4, $0x0, v8;
	v8 =	vshrl.u32 v7, $0x10;
	v12 =	vand.u32 $0xFFFF, v7  }
0x22e: {  	v3 =	vadd.f32 v6, v3;
	vm0 =	veq.s32 v8, v2;
	vm4 =	vgt.s32 v8, v2;
	v6 =	vld [tilespmem:s26+$0x10]  }
0x22f: {  	[tilespmem:v11+s17+$0x0] =	vst.idx.add.s32.msk vm1, v1;
	v7 =	vnsel vm4, $0x0, v7;
	v8 =	vshrl.u32 v4, $0x10;
	v11 =	vand.u32 $0xFFFF, v4  }
0x230: {  	v3 =	vadd.f32 v7, v3;
	vm1 =	veq.s32 v8, v2;
	vm4 =	vgt.s32 v8, v2;
	v7 =	vld [tilespmem:s26+$0x20]  }
0x231: {  	[tilespmem:v9+s17+$0x0] =	vst.idx.add.s32.msk vm2, v1;
	v4 =	vnsel vm4, $0x0, v4;
	v8 =	vshrl.u32 v5, $0x10;
	v9 =	vand.u32 $0xFFFF, v5  }
0x232: {  	v3 =	vadd.f32 v4, v3;
	vm2 =	veq.s32 v8, v2;
	vm4 =	vgt.s32 v8, v2;
	v8 =	vld [tilespmem:s26+$0x30]  }
0x233: {  	[tilespmem:v10+s17+$0x0] =	vst.idx.add.s32.msk vm3, v1;
	v4 =	vnsel vm4, $0x0, v5;
	v5 =	vshrl.u32 v6, $0x10;
	v13 =	vand.u32 $0xFFFF, v6  }
0x234: {  	v3 =	vadd.f32 v4, v3;
	vm3 =	veq.s32 v5, v2;
	vm4 =	vgt.s32 v5, v2;
	v14 =	vld [tilespmem:s26+$0x40]  }
0x235: {  	[tilespmem:v12+s17+$0x0] =	vst.idx.add.s32.msk vm0, v1;
	v5 =	vnsel vm4, $0x0, v6;
	v6 =	vshrl.u32 v7, $0x10;
	v4 =	vand.u32 $0xFFFF, v7  }
0x236: {  	v5 =	vadd.f32 v5, v3;
	vm0 =	veq.s32 v6, v2;
	vm4 =	vgt.s32 v6, v2;
	v3 =	vld [tilespmem:s26+$0x50]  }
.Ltmp9:
0x237: {  	[tilespmem:v11+s17+$0x0] =	vst.idx.add.s32.msk vm1, v1;
	v6 =	vnsel vm4, $0x0, v7;
	v10 =	vshrl.u32 v8, $0x10;
	v7 =	vand.u32 $0xFFFF, v8;
	(pc) =	sbr.rel @p1 .LBB2_17-.Ltmp9, $4  }
0x238: {  	v6 =	vadd.f32 v6, v5;
	vm1 =	veq.s32 v10, v2;
	vm4 =	vgt.s32 v10, v2;
	v5 =	vld [tilespmem:s26+$0x60]  }
0x239: {  	[tilespmem:v9+s17+$0x0] =	vst.idx.add.s32.msk vm2, v1;
	v9 =	vnsel vm4, $0x0, v8;
	v11 =	vshrl.u32 v14, $0x10;
	v8 =	vand.u32 $0xFFFF, v14  }
0x23a: {  	v10 =	vadd.f32 v9, v6;
	vm2 =	veq.s32 v11, v2;
	vm4 =	vgt.s32 v11, v2;
	v6 =	vld [tilespmem:s26+$0x70]  }
0x23b: {  	s26 =	sadd.s32 $0x400, s26;
	[tilespmem:v13+s17+$0x0] =	vst.idx.add.s32.msk vm3, v1;
	v12 =	vnsel vm4, $0x0, v14;
	v11 =	vshrl.u32 v3, $0x10;
	v9 =	vand.u32 $0xFFFF, v3  }
0x23c: {  	_ =	sdelay $0x1  }
0x23d: {  	vm3 =	veq.s32 v11, v2;
	v13 =	vshrl.u32 v5, $0x10  }
0x23e: {  	vm4 =	veq.s32 v13, v2;
	v14 =	vshrl.u32 v6, $0x10  }
0x23f: {  	v15 =	vand.u32 $0xFFFF, v5;
	vm5 =	veq.s32 v14, v2  }
0x240: {  	[tilespmem:v4+s17+$0x0] =	vst.idx.add.s32.msk vm0, v1;
	v4 =	vand.u32 $0xFFFF, v6  }
0x241: {  	[tilespmem:v7+s17+$0x0] =	vst.idx.add.s32.msk vm1, v1  }
0x242: {  	[tilespmem:v8+s17+$0x0] =	vst.idx.add.s32.msk vm2, v1  }
0x243: {  	[tilespmem:v9+s17+$0x0] =	vst.idx.add.s32.msk vm3, v1  }
0x244: {  	[tilespmem:v15+s17+$0x0] =	vst.idx.add.s32.msk vm4, v1  }
0x245: {  	v7 =	vadd.f32 v12, v10;
	vm0 =	vgt.s32 v11, v2;
	[tilespmem:v4+s17+$0x0] =	vst.idx.add.s32.msk vm5, v1  }
0x246: {  	v3 =	vnsel vm0, $0x0, v3;
	v4 =	vld [tilespmem:s24+$0xFFFFFE00]  }
0x247: {  	v3 =	vadd.f32 v3, v7;
	vm0 =	vgt.s32 v13, v2  }
0x248: {  	v5 =	vnsel vm0, $0x0, v5;
	vm0 =	vgt.s32 v14, v2;
	v7 =	vld [tilespmem:s24+$0xFFFFFE10]  }
0x249: {  	v3 =	vadd.f32 v5, v3;
	v5 =	vnsel vm0, $0x0, v6;
	v6 =	vld [tilespmem:s24+$0xFFFFFE20];
	_ =	sdelay $0x1  }
0x24a: {  	v3 =	vadd.f32 v5, v3;
	v5 =	vshrl.u32 v4, $0x10  }
0x24b: {  	v8 =	vand.u32 $0xFFFF, v4;
	vm0 =	veq.s32 v5, v2;
	vm1 =	vgt.s32 v5, v2;
	v5 =	vld [tilespmem:s24+$0xFFFFFE30]  }
0x24c: {  	v9 =	vshrl.u32 v7, $0x10;
	v10 =	vand.u32 $0xFFFF, v7;
	v4 =	vnsel vm1, $0x0, v4  }
0x24d: {  	v11 =	vand.u32 $0xFFFF, v6;
	vm2 =	vgt.s32 v9, v2;
	v3 =	vadd.f32 v4, v3;
	v4 =	vld [tilespmem:s24+$0xFFFFFE40]  }
0x24e: {  	vm1 =	veq.s32 v9, v2;
	v7 =	vnsel vm2, $0x0, v7;
	v9 =	vshrl.u32 v6, $0x10  }
0x24f: {  	vm2 =	veq.s32 v9, v2;
	vm3 =	vgt.s32 v9, v2;
	v3 =	vadd.f32 v7, v3;
	v7 =	vld [tilespmem:s24+$0xFFFFFE50]  }
0x250: {  	v6 =	vnsel vm3, $0x0, v6;
	v9 =	vshrl.u32 v5, $0x10;
	v12 =	vand.u32 $0xFFFF, v5  }
0x251: {  	v3 =	vadd.f32 v6, v3;
	vm3 =	veq.s32 v9, v2;
	vm9 =	vgt.s32 v9, v2;
	v6 =	vld [tilespmem:s24+$0xFFFFFE60]  }
0x252: {  	[tilespmem:v8+s17+$0x0] =	vst.idx.add.s32.msk vm0, v1;
	v5 =	vnsel vm9, $0x0, v5;
	v8 =	vshrl.u32 v4, $0x10;
	v9 =	vand.u32 $0xFFFF, v4  }
0x253: {  	v3 =	vadd.f32 v5, v3;
	vm0 =	veq.s32 v8, v2;
	vm10 =	vgt.s32 v8, v2;
	v5 =	vld [tilespmem:s24+$0xFFFFFE70]  }
0x254: {  	[tilespmem:v10+s17+$0x0] =	vst.idx.add.s32.msk vm1, v1;
	v4 =	vnsel vm10, $0x0, v4;
	v8 =	vshrl.u32 v7, $0x10;
	v10 =	vand.u32 $0xFFFF, v7  }
0x255: {  	v3 =	vadd.f32 v4, v3;
	vm1 =	veq.s32 v8, v2;
	vm11 =	vgt.s32 v8, v2;
	v4 =	vld [tilespmem:s24+$0x0]  }
0x256: {  	[tilespmem:v11+s17+$0x0] =	vst.idx.add.s32.msk vm2, v1;
	v7 =	vnsel vm11, $0x0, v7;
	v8 =	vshrl.u32 v6, $0x10;
	v11 =	vand.u32 $0xFFFF, v6  }
0x257: {  	v3 =	vadd.f32 v7, v3;
	vm2 =	veq.s32 v8, v2;
	vm12 =	vgt.s32 v8, v2;
	v7 =	vld [tilespmem:s24+$0x10]  }
0x258: {  	[tilespmem:v12+s17+$0x0] =	vst.idx.add.s32.msk vm3, v1;
	v6 =	vnsel vm12, $0x0, v6;
	v8 =	vshrl.u32 v5, $0x10;
	v12 =	vand.u32 $0xFFFF, v5  }
0x259: {  	v3 =	vadd.f32 v6, v3;
	vm3 =	veq.s32 v8, v2;
	vm13 =	vgt.s32 v8, v2;
	v6 =	vld [tilespmem:s24+$0x20]  }
0x25a: {  	[tilespmem:v9+s17+$0x0] =	vst.idx.add.s32.msk vm0, v1;
	v5 =	vnsel vm13, $0x0, v5;
	v8 =	vshrl.u32 v4, $0x10;
	v9 =	vand.u32 $0xFFFF, v4  }
0x25b: {  	v3 =	vadd.f32 v5, v3;
	vm14 =	veq.s32 v8, v2;
	vm0 =	vgt.s32 v8, v2;
	v8 =	vld [tilespmem:s24+$0x30]  }
0x25c: {  	[tilespmem:v10+s17+$0x0] =	vst.idx.add.s32.msk vm1, v1;
	v4 =	vnsel vm0, $0x0, v4;
	v5 =	vshrl.u32 v7, $0x10;
	v13 =	vand.u32 $0xFFFF, v7  }
0x25d: {  	v14 =	vld [tilespmem:s24+$0x40];
	v4 =	vadd.f32 v4, v3;
	vm15 =	veq.s32 v5, v2;
	vm0 =	vgt.s32 v5, v2  }
0x25e: {  	[tilespmem:v11+s17+$0x0] =	vst.idx.add.s32.msk vm2, v1;
	v5 =	vnsel vm0, $0x0, v7;
	v7 =	vshrl.u32 v6, $0x10;
	v3 =	vand.u32 $0xFFFF, v6  }
0x25f: {  	v10 =	vadd.f32 v5, v4;
	vm0 =	veq.s32 v7, v2;
	vm1 =	vgt.s32 v7, v2;
	v5 =	vld [tilespmem:s24+$0x50]  }
0x260: {  	[tilespmem:v12+s17+$0x0] =	vst.idx.add.s32.msk vm3, v1;
	v6 =	vnsel vm1, $0x0, v6;
	v7 =	vshrl.u32 v8, $0x10;
	v4 =	vand.u32 $0xFFFF, v8  }
0x261: {  	v10 =	vadd.f32 v6, v10;
	vm1 =	veq.s32 v7, v2;
	vm2 =	vgt.s32 v7, v2;
	v7 =	vld [tilespmem:s24+$0x60]  }
0x262: {  	[tilespmem:v9+s17+$0x0] =	vst.idx.add.s32.msk vm14, v1;
	v9 =	vshrl.u32 v14, $0x10;
	v6 =	vand.u32 $0xFFFF, v14;
	v8 =	vnsel vm2, $0x0, v8  }
0x263: {  	vm2 =	veq.s32 v9, v2;
	vm3 =	vgt.s32 v9, v2;
	v10 =	vadd.f32 v8, v10;
	v8 =	vld [tilespmem:s24+$0x70]  }
0x264: {  	s25 =	simm.s32 $0x4780;
	s24 =	simm.s32 $0x0;
	[tilespmem:v13+s17+$0x0] =	vst.idx.add.s32.msk vm15, v1;
	v12 =	vnsel vm3, $0x0, v14;
	v11 =	vshrl.u32 v5, $0x10;
	v9 =	vand.u32 $0xFFFF, v5  }
.LBB2_19:
0x265: {  	v13 =	vld [tilespmem:s25+$0xFFFFFE00];
	s24 =	sadd.s32 $0x10, s24;
	v10 =	vadd.f32 v12, v10;
	vm3 =	veq.s32 v11, v2;
	vm4 =	vgt.s32 v11, v2  }
0x266: {  	p1 =	slt.u32 s24, $0xF0;
	[tilespmem:v3+s17+$0x0] =	vst.idx.add.s32.msk vm0, v1;
	v3 =	vnsel vm4, $0x0, v5;
	v5 =	vshrl.u32 v7, $0x10;
	v11 =	vand.u32 $0xFFFF, v7  }
0x267: {  	v12 =	vld [tilespmem:s25+$0xFFFFFE10];
	v3 =	vadd.f32 v3, v10;
	vm0 =	veq.s32 v5, v2;
	vm4 =	vgt.s32 v5, v2  }
0x268: {  	[tilespmem:v4+s17+$0x0] =	vst.idx.add.s32.msk vm1, v1;
	v4 =	vnsel vm4, $0x0, v7;
	v5 =	vshrl.u32 v8, $0x10;
	v7 =	vand.u32 $0xFFFF, v8  }
0x269: {  	v10 =	vld [tilespmem:s25+$0xFFFFFE20];
	v3 =	vadd.f32 v4, v3;
	vm1 =	veq.s32 v5, v2;
	vm4 =	vgt.s32 v5, v2  }
0x26a: {  	v4 =	vshrl.u32 v13, $0x10;
	v5 =	vand.u32 $0xFFFF, v13;
	[tilespmem:v6+s17+$0x0] =	vst.idx.add.s32.msk vm2, v1;
	v6 =	vnsel vm4, $0x0, v8  }
0x26b: {  	vm2 =	veq.s32 v4, v2;
	vm4 =	vgt.s32 v4, v2;
	v4 =	vld [tilespmem:s25+$0xFFFFFE30];
	v3 =	vadd.f32 v6, v3  }
0x26c: {  	v6 =	vnsel vm4, $0x0, v13;
	v8 =	vshrl.u32 v12, $0x10;
	v13 =	vand.u32 $0xFFFF, v12;
	[tilespmem:v9+s17+$0x0] =	vst.idx.add.s32.msk vm3, v1  }
0x26d: {  	v3 =	vadd.f32 v6, v3;
	vm3 =	veq.s32 v8, v2;
	vm4 =	vgt.s32 v8, v2;
	v6 =	vld [tilespmem:s25+$0xFFFFFE40]  }
0x26e: {  	v8 =	vnsel vm4, $0x0, v12;
	v9 =	vshrl.u32 v10, $0x10;
	v12 =	vand.u32 $0xFFFF, v10;
	[tilespmem:v11+s17+$0x0] =	vst.idx.add.s32.msk vm0, v1  }
0x26f: {  	v3 =	vadd.f32 v8, v3;
	vm0 =	veq.s32 v9, v2;
	vm4 =	vgt.s32 v9, v2;
	v8 =	vld [tilespmem:s25+$0xFFFFFE50]  }
0x270: {  	v9 =	vnsel vm4, $0x0, v10;
	v10 =	vshrl.u32 v4, $0x10;
	v11 =	vand.u32 $0xFFFF, v4;
	[tilespmem:v7+s17+$0x0] =	vst.idx.add.s32.msk vm1, v1  }
0x271: {  	v3 =	vadd.f32 v9, v3;
	vm1 =	veq.s32 v10, v2;
	vm4 =	vgt.s32 v10, v2;
	v7 =	vld [tilespmem:s25+$0xFFFFFE60]  }
0x272: {  	[tilespmem:v5+s17+$0x0] =	vst.idx.add.s32.msk vm2, v1;
	v4 =	vnsel vm4, $0x0, v4;
	v5 =	vshrl.u32 v6, $0x10;
	v9 =	vand.u32 $0xFFFF, v6  }
0x273: {  	v3 =	vadd.f32 v4, v3;
	vm2 =	veq.s32 v5, v2;
	vm4 =	vgt.s32 v5, v2;
	v4 =	vld [tilespmem:s25+$0xFFFFFE70]  }
0x274: {  	[tilespmem:v13+s17+$0x0] =	vst.idx.add.s32.msk vm3, v1;
	v5 =	vnsel vm4, $0x0, v6;
	v6 =	vshrl.u32 v8, $0x10;
	v10 =	vand.u32 $0xFFFF, v8  }
0x275: {  	v3 =	vadd.f32 v5, v3;
	vm3 =	veq.s32 v6, v2;
	vm4 =	vgt.s32 v6, v2;
	v5 =	vld [tilespmem:s25+$0x0]  }
0x276: {  	[tilespmem:v12+s17+$0x0] =	vst.idx.add.s32.msk vm0, v1;
	v6 =	vnsel vm4, $0x0, v8;
	v8 =	vshrl.u32 v7, $0x10;
	v12 =	vand.u32 $0xFFFF, v7  }
0x277: {  	v3 =	vadd.f32 v6, v3;
	vm0 =	veq.s32 v8, v2;
	vm4 =	vgt.s32 v8, v2;
	v6 =	vld [tilespmem:s25+$0x10]  }
0x278: {  	[tilespmem:v11+s17+$0x0] =	vst.idx.add.s32.msk vm1, v1;
	v7 =	vnsel vm4, $0x0, v7;
	v8 =	vshrl.u32 v4, $0x10;
	v11 =	vand.u32 $0xFFFF, v4  }
0x279: {  	v3 =	vadd.f32 v7, v3;
	vm1 =	veq.s32 v8, v2;
	vm4 =	vgt.s32 v8, v2;
	v7 =	vld [tilespmem:s25+$0x20]  }
0x27a: {  	[tilespmem:v9+s17+$0x0] =	vst.idx.add.s32.msk vm2, v1;
	v4 =	vnsel vm4, $0x0, v4;
	v8 =	vshrl.u32 v5, $0x10;
	v9 =	vand.u32 $0xFFFF, v5  }
0x27b: {  	v3 =	vadd.f32 v4, v3;
	vm2 =	veq.s32 v8, v2;
	vm4 =	vgt.s32 v8, v2;
	v8 =	vld [tilespmem:s25+$0x30]  }
0x27c: {  	[tilespmem:v10+s17+$0x0] =	vst.idx.add.s32.msk vm3, v1;
	v4 =	vnsel vm4, $0x0, v5;
	v5 =	vshrl.u32 v6, $0x10;
	v13 =	vand.u32 $0xFFFF, v6  }
0x27d: {  	v4 =	vadd.f32 v4, v3;
	vm3 =	veq.s32 v5, v2;
	vm4 =	vgt.s32 v5, v2;
	v14 =	vld [tilespmem:s25+$0x40]  }
0x27e: {  	[tilespmem:v12+s17+$0x0] =	vst.idx.add.s32.msk vm0, v1;
	v5 =	vnsel vm4, $0x0, v6;
	v6 =	vshrl.u32 v7, $0x10;
	v3 =	vand.u32 $0xFFFF, v7  }
0x27f: {  	v10 =	vadd.f32 v5, v4;
	vm0 =	veq.s32 v6, v2;
	vm4 =	vgt.s32 v6, v2;
	v5 =	vld [tilespmem:s25+$0x50]  }
.Ltmp10:
0x280: {  	[tilespmem:v11+s17+$0x0] =	vst.idx.add.s32.msk vm1, v1;
	v6 =	vnsel vm4, $0x0, v7;
	v7 =	vshrl.u32 v8, $0x10;
	v4 =	vand.u32 $0xFFFF, v8;
	(pc) =	sbr.rel @p1 .LBB2_19-.Ltmp10, $4  }
0x281: {  	v10 =	vadd.f32 v6, v10;
	vm1 =	veq.s32 v7, v2;
	vm4 =	vgt.s32 v7, v2;
	v7 =	vld [tilespmem:s25+$0x60]  }
0x282: {  	[tilespmem:v9+s17+$0x0] =	vst.idx.add.s32.msk vm2, v1;
	v8 =	vnsel vm4, $0x0, v8;
	v9 =	vshrl.u32 v14, $0x10;
	v6 =	vand.u32 $0xFFFF, v14  }
0x283: {  	v10 =	vadd.f32 v8, v10;
	vm2 =	veq.s32 v9, v2;
	vm4 =	vgt.s32 v9, v2;
	v8 =	vld [tilespmem:s25+$0x70]  }
0x284: {  	s25 =	sadd.s32 $0x400, s25;
	[tilespmem:v13+s17+$0x0] =	vst.idx.add.s32.msk vm3, v1;
	v12 =	vnsel vm4, $0x0, v14;
	v11 =	vshrl.u32 v5, $0x10;
	v9 =	vand.u32 $0xFFFF, v5  }
0x285: {  	_ =	sdelay $0x2  }
0x286: {  	vm3 =	veq.s32 v11, v2;
	v10 =	vadd.f32 v12, v10;
	v13 =	vshrl.u32 v7, $0x10  }
0x287: {  	vm5 =	vgt.s32 v11, v2;
	vm4 =	veq.s32 v13, v2;
	v62 =	vshrl.u32 v8, $0x10  }
0x288: {  	[tilespmem:v3+s17+$0x0] =	vst.idx.add.s32.msk vm0, v1;
	v63 =	vand.u32 $0xFFFF, v7;
	v3 =	vnsel vm5, $0x0, v5;
	vm6 =	veq.s32 v62, v2  }
0x289: {  	v3 =	vadd.f32 v3, v10;
	vm14 =	vgt.s32 v13, v2;
	v5 =	vand.u32 $0xFFFF, v8  }
.Ltmp11:
0x28a: {  	[tilespmem:v4+s17+$0x0] =	vst.idx.add.s32.msk vm1, v1;
	v4 =	vnsel vm14, $0x0, v7;
	(pc) =	sbr.rel @p0 .LBB2_22-.Ltmp11, $4  }
0x28b: {  	[tilespmem:v6+s17+$0x0] =	vst.idx.add.s32.msk vm2, v1;
	v3 =	vadd.f32 v4, v3;
	vm15 =	vgt.s32 v62, v2  }
0x28c: {  	v4 =	vnsel vm15, $0x0, v8;
	[tilespmem:v9+s17+$0x0] =	vst.idx.add.s32.msk vm3, v1  }
0x28d: {  	v3 =	vadd.f32 v4, v3;
	[tilespmem:v63+s17+$0x0] =	vst.idx.add.s32.msk vm4, v1  }
0x28e: {  	[tilespmem:v5+s17+$0x0] =	vst.idx.add.s32.msk vm6, v1  }
.Ltmp12:
0x28f: {  	(pc) =	sbr.rel .LBB2_4-.Ltmp12, $3  }
0x290: {  	_ =	sdelay $0x1  }
0x291: {  	s23 =	sadd.s32 s10, s23;
	s22 =	sadd.s32 $0x1, s22  }
0x292: {  	[tilespmem:s15], [sflag:$0x2] =	stream.strided.gather [hbm4b:s23+s13], $0x4000, s14, s13, $0x38;
	[tilespmem:$0x18100] =	vst v63  }
.LBB2_23:
0x293: {  	_ =	sfence.sel $0x180000  }
0x294: {  	[bflag:$0x0] =	sbarrier.arrive $0xFFFF  }
0x295: {  	p0 =	sne.s32 s0, $0x0;
	_ =	strace $0x9000004A  }
0x296: {  	s0 =	sadd.s32 @!p0 $0x100000, s1;
	[bflag:$0x2] =	sbarrier.arrive $0xFFFF  }
0x297: {  	[sflag:s0] =	ssyncadd.tile.s32 @!p0 $0x1;
	_ =	shalt  }
.Lfunc_end2:
_tile_overlayer_lowered:
.L_overlay_start_2:
0x298: {  	(tag) =	ssettag $0x2  }
0x299: {  	s0 =	rddreg [dreg:$0x0];
	s2 =	stileid.u32  }
0x29a: {  	s1 =	rddreg [dreg:$0x1];
	p0 =	sne.s32 s2, $0x0  }
0x29b: {  	s3 =	rddreg [dreg:$0x2];
	[bflag:$0x3] =	sbarrier.arrive $0xFFFF;
	s2 =	simm.s32 @!p0 $0x1C03  }
0x29c: {  	[timem:s3], [sflag:s2] =	dma.local @!p0 [hbm:s0], s1  }
0x29d: {  	s0 =	simm.s32 @!p0 $0x3  }
0x29e: {  	_ =	swait.ge @!p0 [sflag:s0], s1  }
0x29f: {  	s1 =	ssub.s32 @!p0 $0x0, s1;
	[sflag:s0] =	ssyncset.done @!p0 $0x0  }
0x2a0: {  	[sflag:s0] =	ssyncadd.s32 @!p0 s1  }
0x2a1: {  	[bflag:$0x3] =	sbarrier.arrive $0xFFFF  }
0x2a2: {  	_ =	shalt  }

// kernel: kernel.7.cloned.1.call-start
scs
__scs_entry_jumppad:
0x0: {  	(pc) =	sbr.rel $0x88, $3  }
0x1: {  	(tag) =	ssettag $0x0;
	lr =	simm.s32 $0x1  }
0x2: {  	[smem:$0x3F9D] =	sst lr;
	_ =	strace $0xD0000000  }
0x3: {  	_ = 	snop  }
0x4: {  	_ = 	snop  }
0x5: {  	_ = 	snop  }
0x6: {  	_ = 	snop  }
0x7: {  	_ = 	snop  }
__scs_overlays_trampoline_lowered:
0x8: {  	[smem:$0x3FAC] =	sst s0  }
0x9: {  	[smem:$0x3FAD] =	sst s1  }
0xa: {  	[smem:$0x3FAE] =	sst s2  }
0xb: {  	[smem:$0x3FAF] =	sst s3  }
0xc: {  	[smem:$0x3FB0] =	sst s4  }
0xd: {  	[smem:$0x3FB1] =	sst s5  }
0xe: {  	[smem:$0x3FB2] =	sst s6  }
0xf: {  	[smem:$0x3FB3] =	sst s7  }
0x10: {  	[smem:$0x3FB4] =	sst s8  }
0x11: {  	[smem:$0x3FB5] =	sst s9;
	s0 =	simm.s32 @!p0 $0x0  }
0x12: {  	s1 =	sld [smem:$0x3F9B];
	s0 =	simm.s32 @p0 $0x1  }
0x13: {  	[smem:$0x3FB6] =	sst s0;
	s0 =	simm.s32 @!p1 $0x0  }
0x14: {  	s2 =	sld [smem:$0x3F9A];
	s0 =	simm.s32 @p1 $0x1  }
0x15: {  	[smem:$0x3FB7] =	sst s0;
	s0 =	simm.s32 @!p2 $0x0  }
0x16: {  	s3 =	sld [smem:$0x3FDB];
	s0 =	simm.s32 @p2 $0x1  }
0x17: {  	s4 =	simm.s32 $0x1BF5;
	[smem:$0x3FB9] =	sst s0  }
0x18: {  	s0 =	sld [smem:$0x3F9C];
	_ =	swait.ge [sflag:s4], $0x0  }
0x19: {  	s7 =	sld [smem:$0x3F9D]  }
0x1a: {  	s8 =	sadd.s32 $0xFFFFE003, lr  }
0x1b: {  	s9 =	sadd.s32 $0xFFFFFEF7, lr;
	s5 =	simm.s32 $0xFFFFFFFF;
	p2 =	slt.u32 s8, $0xFFFFF086  }
0x1c: {  	p1 =	slt.u32 s9, $0xF7A;
	s5 =	simm.s32 @!p2 $0x0  }
0x1d: {  	s5 =	simm.s32 @p1 $0x1;
	p0 =	seq.s32 s7, s2  }
0x1e: {  	s7 =	smul.u32 @!p0 $0xF7A, s2;
	p2 =	seq.s32 @!p0 s5, $0x0  }
0x1f: {  	s9 =	smul.u32 $0xF7A, s1;
	s8 =	simm.s32 @!p0 $0x1BF5;
	p2 =	por !p2, p0  }
0x20: {  	[sflag:s8] =	ssyncset.s32 @!p0 $0xFFFFF086;
	s6 =	sadd.s32 @!p0 s3, s7;
	s7 =	simm.s32 @!p0 $0x108  }
0x21: {  	s3 =	sadd.s32 s3, s9;
	s6 =	sadd.s32 @!p0 $0x88, s6;
	s7 =	simm.s32 @p2 $0x1082  }
0x22: {  	[simem:s7], [sflag:s8] =	dma.local @!p0 [hbm:s6], $0xF7A  }
0x23: {  	s9 =	sor.u32 $0xD0000000, s2;
	s6 =	simm.s32 $0x108;
	_ =	swait.ge @!p0 [sflag:s8], $0x0  }
0x24: {  	s3 =	sadd.s32 $0x88, s3;
	s6 =	simm.s32 @!p1 $0x1082;
	[sflag:s4] =	ssyncset.s32 $0xFFFFF086  }
0x25: {  	[simem:s6], [sflag:s4] =	dma.local [hbm:s3], $0xF7A  }
0x26: {  	[smem:$0x3F9D] =	sst s1;
	(tag) =	ssettag s2;
	_ =	strace s9  }
0x27: {  	s1 =	sld [smem:$0x3FAD]  }
0x28: {  	s2 =	sld [smem:$0x3FAE]  }
0x29: {  	s4 =	sld [smem:$0x3FB0]  }
0x2a: {  	p0 =	seq.s32 s5, $0x0;
	s5 =	sld [smem:$0x3FB1]  }
0x2b: {  	s6 =	sld [smem:$0x3FB2]  }
0x2c: {  	s7 =	sld [smem:$0x3FB3]  }
0x2d: {  	s3 =	simm.s32 $0x108;
	s8 =	sld [smem:$0x3FB4]  }
0x2e: {  	s3 =	simm.s32 @!p0 $0x1082;
	s9 =	sld [smem:$0x3FB5]  }
0x2f: {  	lr =	sadd.s32 s0, s3;
	s0 =	sld [smem:$0x3FAC]  }
0x30: {  	s3 =	sld [smem:$0x3FAF]  }
0x31: {  	[smem:$0x3FB8] =	sst s10  }
0x32: {  	s10 =	sld [smem:$0x3FB6];
	_ =	sdelay $0x3  }
0x33: {  	p0 =	seq.s32 s10, $0x1;
	s10 =	sld [smem:$0x3FB8];
	_ =	sdelay $0x3  }
0x34: {  	[smem:$0x3FB8] =	sst s10  }
0x35: {  	s10 =	sld [smem:$0x3FB7];
	_ =	sdelay $0x3  }
0x36: {  	p1 =	seq.s32 s10, $0x1;
	s10 =	sld [smem:$0x3FB8];
	_ =	sdelay $0x3  }
0x37: {  	[smem:$0x3FB8] =	sst s10  }
0x38: {  	s10 =	sld [smem:$0x3FB9]  }
0x39: {  	_ = 	snop;
	(pc) =	sbr.ind lr, $3  }
0x3a: {  	_ = 	snop  }
0x3b: {  	_ = 	snop  }
0x3c: {  	p2 =	seq.s32 s10, $0x1;
	s10 =	sld [smem:$0x3FB8]  }
0x3d: {  	_ =	shalt  }
0x3e: {  	_ =	shalt  }
0x3f: {  	_ =	shalt  }
0x40: {  	_ =	shalt  }
0x41: {  	_ =	shalt  }
0x42: {  	_ =	shalt  }
0x43: {  	_ =	shalt  }
0x44: {  	_ =	shalt  }
0x45: {  	_ =	shalt  }
0x46: {  	_ =	shalt  }
0x47: {  	_ =	shalt  }
0x48: {  	_ =	shalt  }
0x49: {  	_ =	shalt  }
0x4a: {  	_ =	shalt  }
0x4b: {  	_ =	shalt  }
0x4c: {  	_ =	shalt  }
0x4d: {  	_ =	shalt  }
0x4e: {  	_ =	shalt  }
0x4f: {  	_ =	shalt  }
0x50: {  	_ =	shalt  }
0x51: {  	_ =	shalt  }
0x52: {  	_ =	shalt  }
0x53: {  	_ =	shalt  }
0x54: {  	_ =	shalt  }
0x55: {  	_ =	shalt  }
0x56: {  	_ =	shalt  }
0x57: {  	_ =	shalt  }
0x58: {  	_ =	shalt  }
0x59: {  	_ =	shalt  }
0x5a: {  	_ =	shalt  }
0x5b: {  	_ =	shalt  }
0x5c: {  	_ =	shalt  }
0x5d: {  	_ =	shalt  }
0x5e: {  	_ =	shalt  }
0x5f: {  	_ =	shalt  }
0x60: {  	_ =	shalt  }
0x61: {  	_ =	shalt  }
0x62: {  	_ =	shalt  }
0x63: {  	_ =	shalt  }
0x64: {  	_ =	shalt  }
0x65: {  	_ =	shalt  }
0x66: {  	_ =	shalt  }
0x67: {  	_ =	shalt  }
0x68: {  	_ =	shalt  }
0x69: {  	_ =	shalt  }
0x6a: {  	_ =	shalt  }
0x6b: {  	_ =	shalt  }
0x6c: {  	_ =	shalt  }
0x6d: {  	_ =	shalt  }
0x6e: {  	_ =	shalt  }
0x6f: {  	_ =	shalt  }
0x70: {  	_ =	shalt  }
0x71: {  	_ =	shalt  }
0x72: {  	_ =	shalt  }
0x73: {  	_ =	shalt  }
0x74: {  	_ =	shalt  }
0x75: {  	_ =	shalt  }
0x76: {  	_ =	shalt  }
0x77: {  	_ =	shalt  }
0x78: {  	_ =	shalt  }
0x79: {  	_ =	shalt  }
0x7a: {  	_ =	shalt  }
0x7b: {  	_ =	shalt  }
0x7c: {  	_ =	shalt  }
0x7d: {  	_ =	shalt  }
0x7e: {  	_ =	shalt  }
0x7f: {  	_ =	shalt  }
0x80: {  	_ =	shalt  }
0x81: {  	_ =	shalt  }
0x82: {  	_ =	shalt  }
0x83: {  	_ =	shalt  }
0x84: {  	_ =	shalt  }
0x85: {  	_ =	shalt  }
0x86: {  	_ =	shalt  }
0x87: {  	_ =	shalt  }
.Lfunc_end0:
.L_simem_size_0:
called_computation_lowered:
.L_overlay_start_0:
0x88: {  	s2 =	sld [smem:$0x3FD9]  }
0x89: {  	s3 =	sld [smem:$0x3FFE];
	_ =	sdelay $0x1  }
0x8a: {  	s1 =	srdreg.scid  }
0x8b: {  	s0 =	sand.u32 $0x1, s1  }
0x8c: {  	s16 =	sshll.u32 s0, $0xA;
	s2 =	sadd.s32 s3, s2  }
0x8d: {  	s2 =	sadd.s32 s2, s16  }
0x8e: {  	[smem:$0x3FC4] =	sst s2  }
0x8f: {  	_ = 	snop  }
0x90: {  	(tm) =	ssettm $0x1  }
0x91: {  	s17 =	sld [smem:$0x3FFB];
	_ =	sdelay $0x3  }
0x92: {  	_ =	strace s17  }
0x93: {  	s2 =	sld [smem:$0x3FFC];
	_ =	sdelay $0x3  }
0x94: {  	_ =	strace s2  }
0x95: {  	s2 =	sld [smem:$0x3FFD];
	_ =	sdelay $0x3  }
0x96: {  	_ =	strace s2  }
0x97: {  	_ =	strace $0x8FFFFFFF  }
0x98: {  	s18 =	sld [smem:$0x3FDB];
	_ =	sdelay $0x1  }
0x99: {  	s19 =	simm.s32 $_scs_section_size  }
0x9a: {  	s4 =	simm.s32 $_size__tile_overlayer_lowered;
	s5 =	simm.s32 $_tile_overlayer_lowered  }
0x9b: {  	s22 =	simm.s32 $0x1BFF;
	s21 =	sshll.u32 s5, $0x1;
	s2 =	sadd.s32 s19, s18  }
0x9c: {  	s6 =	simm.s32 $0x0;
	s20 =	sshll.u32 s4, $0x1;
	s4 =	sadd.s32 s21, s2  }
0x9d: {  	[timem:s6], [sflag:s22] =	dma.local [hbm:s4], s20  }
0x9e: {  	_ =	swait.ge [sflag:s22], s20  }
0x9f: {  	s3 =	ssub.s32 $0x0, s20;
	[sflag:s22] =	ssyncset.done $0x0  }
0xa0: {  	[sflag:s22] =	ssyncadd.s32 s3;
	_ =	sdelay $0x1  }
0xa1: {  	s23 =	simm.s32 $0x1B8B  }
0xa2: {  	_ =	swait.ge [sflag:s23], $0x1  }
0xa3: {  	[sflag:s23] =	ssyncset.done $0x0  }
0xa4: {  	s25 =	simm.s32 $0x1B8E;
	s24 =	sld [smem:$0x3FFE];
	[sflag:s23] =	ssyncadd.s32 $0xFFFFFFFF  }
0xa5: {  	s26 =	simm.s32 $execute0_lowered;
	[smem:$0x3FD2] =	sst s25  }
0xa6: {  	s4 =	sshll.u32 s26, $0x1;
	_ =	strace $0x80000046;
	[dreg:$0x1] =	wrdreg $0xFFFFFFFF  }
0xa7: {  	s28 =	simm.s32 $_size_execute0_lowered;
	s2 =	sadd.s32 s2, s4;
	[dreg:$0x0] =	wrdreg $0x0  }
0xa8: {  	s4 =	sshll.u32 s28, $0x1;
	[dreg:$0x2] =	wrdreg s2  }
0xa9: {  	[dreg:$0x3] =	wrdreg s4  }
0xaa: {  	[dreg:$0x4] =	wrdreg $0xC0  }
0xab: {  	_ =	task [dreg:s6], $0x5FFFF  }
0xac: {  	[dreg:$0x1] =	wrdreg $0xFFFFFFFF  }
0xad: {  	[dreg:$0x0] =	wrdreg $0x60  }
0xae: {  	[dreg:$0x2] =	wrdreg s24  }
0xaf: {  	[dreg:$0x3] =	wrdreg $0x9  }
0xb0: {  	_ =	task.clear_ibuf [dreg:s6], $0x4FFFF;
	_ =	strace $0x90000046  }
0xb1: {  	s29 =	simm.s32 $0x9;
	_ =	strace $0x80000048  }
0xb2: {  	_ =	swait.ge [sflag:s29], $0x1  }
0xb3: {  	[sflag:s29] =	ssyncadd.s32 $0xFFFFFFFF  }
0xb4: {  	_ =	strace $0x90000048  }
0xb5: {  	_ =	sfence  }
0xb6: {  	s30 =	sld [smem:$0x0];
	_ =	sdelay $0x2  }
0xb7: {  	s31 =	sshll.u32 s1, $0xD;
	s1 =	sshrl.u32 s1, $0x2  }
0xb8: {  	s3 =	sand.u32 $0x4000, s31;
	s1 =	sadd.s32 s1, s30  }
0xb9: {  	s0 =	sor.u32 s3, s0;
	s1 =	sshll.u32 s1, $0x11  }
0xba: {  	s0 =	sor.u32 s1, s0  }
0xbb: {  	s0 =	sadd.s32 $0x8F2B, s0  }
0xbc: {  	[sflag:s0] =	ssyncadd.remote.s32 $0x1  }
0xbd: {  	_ =	sfence.sel $0xFFFF  }
0xbe: {  	[dreg:$0x0] =	wrdreg $0xFFFFFFFF;
	(pc) =	sbr.abs _section_cstart, $3  }
0xbf: {  	[dreg:$0x1] =	wrdreg $0xFFFFFFFF  }
0xc0: {  	_ =	task.clear_ibuf [dreg:s6], $0x2FFFF;
	_ =	strace $0x9FFFFFFF  }
0xc1: {  	(tm) =	ssettm $0x7FFFFFFF  }
tec
execute0_lowered:
.L_overlay_start_1:
0x0: {  	(tag) =	ssettag $0x1  }
0x1: {  	s3 =	rddreg [dreg:$0x0]  }
0x2: {  	s0 =	rddreg [dreg:$0x1];
	s4 =	srdreg.scid  }
0x3: {  	s1 =	stileid.u32;
	s2 =	simm.s32 $0x0;
	s9 =	simm.s32 $0x200  }
0x4: {  	s10 =	simm.s32 $0x400;
	s11 =	simm.s32 $0x4000;
	s12 =	simm.s32 $0x1  }
0x5: {  	s13 =	simm.s32 $0x8000;
	s14 =	simm.s32 $0x2;
	s15 =	simm.s32 $0x80  }
0x6: {  	s16 =	simm.s32 $0x3;
	s4 =	sand.u32 $0x1, s4;
	s5 =	sshll.u32 s1, $0x1  }
0x7: {  	[smem:$0x7FF] =	sst s2;
	s31 =	sshll.u32 s1, $0xD;
	s5 =	sor.u32 s4, s5  }
0x8: {  	_ =	strace $0x80000047;
	s4 =	ssub.s32 $0x2, s4;
	s6 =	sshll.u32 s5, $0xE  }
.Ltmp0:
0x9: {  	s7 =	sshrl.u32 s4, $0x1;
	s5 =	sshll.u32 s5, $0x4;
	(pc) =	sbr.rel .LBB2_1-.Ltmp0, $4  }
0xa: {  	s8 =	sadd.s32 s6, s3;
	s6 =	sand.u32 $0x18000, s31;
	s7 =	ssub.s32 s4, s7  }
0xb: {  	s5 =	sand.u32 $0x70, s5;
	s6 =	sadd.s32 s6, s3;
	s3 =	sadd.s32 $0x1200, s8  }
0xc: {  	s4 =	sadd.s32 $0x1240, s8;
	s7 =	smax.u32 s7, $0x1;
	s6 =	sadd.s32 s5, s6  }
0xd: {  	v0 =	vimm.s32 $0x0;
	v1 =	vimm.s32 $0x1;
	s5 =	sadd.s32 $0x2200, s8;
	s8 =	sadd.s32 $0x2240, s8;
	s6 =	sadd.s32 $0x81200, s6  }
.LBB2_22:
0xe: {  	s2 =	sadd.s32 $0x1, s2  }
0xf: {  	p0 =	sne.s32 s2, s7  }
.Ltmp1:
0x10: {  	_ = 	snop;
	(pc) =	sbr.rel @!p0 .LBB2_23-.Ltmp1, $4  }
0x11: {  	[hbm4b:s6+s15] =	stream.strided.scatter [tilespmem:s13], [sflag:$0x3], $0x8000, s10, s15, $0x38;
	[tilespmem:$0x10000] =	vst v63  }
0x12: {  	_ =	swait.ge [sflag:s16], $0x8000  }
0x13: {  	[sflag:s16] =	ssyncset.done $0x0  }
0x14: {  	[sflag:s16] =	ssyncadd.s32 $0xFFFF8000  }
.LBB2_1:
0x15: {  	s17 =	simm.s32 $0x8080  }
0x16: {  	[tilespmem:s17+$0xFFFFFF80] =	vst v0  }
0x17: {  	[tilespmem:s17+$0x70] =	vst v0  }
0x18: {  	[tilespmem:s17+$0x60] =	vst v0  }
0x19: {  	[tilespmem:s17+$0x50] =	vst v0  }
0x1a: {  	[tilespmem:s17+$0x40] =	vst v0  }
0x1b: {  	[tilespmem:s17+$0x30] =	vst v0  }
0x1c: {  	[tilespmem:s17+$0x20] =	vst v0  }
0x1d: {  	[tilespmem:s17+$0x10] =	vst v0  }
0x1e: {  	[tilespmem:s17+$0x0] =	vst v0  }
0x1f: {  	[tilespmem:s17+$0xFFFFFFF0] =	vst v0  }
0x20: {  	[tilespmem:s17+$0xFFFFFFE0] =	vst v0  }
0x21: {  	[tilespmem:s17+$0xFFFFFFD0] =	vst v0  }
0x22: {  	[tilespmem:s17+$0xFFFFFFC0] =	vst v0  }
0x23: {  	[tilespmem:s17+$0xFFFFFFB0] =	vst v0  }
0x24: {  	s18 =	simm.s32 $0x0;
	[tilespmem:s17+$0xFFFFFFA0] =	vst v0  }
.LBB2_2:
0x25: {  	s18 =	sadd.s32 $0x10, s18;
	[tilespmem:s17+$0xFFFFFF90] =	vst v0;
	s17 =	sadd.s32 $0x100, s17  }
0x26: {  	[tilespmem:s17+$0xFFFFFF80] =	vst v0;
	p0 =	slt.u32 s18, $0x7F0  }
0x27: {  	[tilespmem:s17+$0x70] =	vst v0  }
0x28: {  	[tilespmem:s17+$0x60] =	vst v0  }
0x29: {  	[tilespmem:s17+$0x50] =	vst v0  }
0x2a: {  	[tilespmem:s17+$0x40] =	vst v0  }
0x2b: {  	[tilespmem:s17+$0x30] =	vst v0  }
0x2c: {  	[tilespmem:s17+$0x20] =	vst v0  }
0x2d: {  	[tilespmem:s17+$0x10] =	vst v0  }
0x2e: {  	[tilespmem:s17+$0x0] =	vst v0  }
0x2f: {  	[tilespmem:s17+$0xFFFFFFF0] =	vst v0  }
.Ltmp2:
0x30: {  	[tilespmem:s17+$0xFFFFFFE0] =	vst v0;
	(pc) =	sbr.rel @p0 .LBB2_2-.Ltmp2, $4  }
0x31: {  	[tilespmem:s17+$0xFFFFFFD0] =	vst v0  }
0x32: {  	[tilespmem:s17+$0xFFFFFFC0] =	vst v0  }
0x33: {  	[tilespmem:s17+$0xFFFFFFB0] =	vst v0  }
0x34: {  	[tilespmem:s17+$0xFFFFFFA0] =	vst v0  }
0x35: {  	[tilespmem:s17+$0xFFFFFF90] =	vst v0;
	s17 =	simm.s32 $0x0  }
0x36: {  	[tilespmem:s17], [sflag:$0x1] =	stream.strided.gather [hbm4b:s3+s9], $0x4000, s10, s9, $0x38;
	[tilespmem:$0x10000] =	vst v63  }
0x37: {  	_ = 	snop  }
0x38: {  	[tilespmem:s11], [sflag:$0x2] =	stream.strided.gather [hbm4b:s4+s9], $0x4000, s10, s9, $0x38;
	[tilespmem:$0x10000] =	vst v63  }
.LBB2_4:
0x39: {  	_ =	swait.ge [sflag:s12], $0x4000  }
0x3a: {  	[sflag:s12] =	ssyncset.done $0x0  }
0x3b: {  	s18 =	simm.s32 $0x200;
	[sflag:s12] =	ssyncadd.s32 $0xFFFFC000  }
0x3c: {  	v3 =	vld [tilespmem:s18+$0xFFFFFE10]  }
0x3d: {  	v2 =	vld [tilespmem:s18+$0xFFFFFE30]  }
0x3e: {  	v4 =	vld [tilespmem:s18+$0xFFFFFE40]  }
0x3f: {  	v5 =	vld [tilespmem:s18+$0xFFFFFE00]  }
0x40: {  	v6 =	vld [tilespmem:s18+$0x70]  }
0x41: {  	v7 =	vld [tilespmem:s18+$0x60]  }
0x42: {  	v8 =	vld [tilespmem:s18+$0x50]  }
0x43: {  	v9 =	vld [tilespmem:s18+$0x40]  }
0x44: {  	v10 =	vld [tilespmem:s18+$0x30]  }
0x45: {  	v11 =	vld [tilespmem:s18+$0x20];
	v5 =	vshrl.u32 v5, $0x10  }
0x46: {  	v14 =	vld [tilespmem:s18+$0xFFFFFE70];
	v6 =	vshrl.u32 v6, $0x10;
	vm0 =	vne.s32 v5, $0x0  }
0x47: {  	v12 =	vld [tilespmem:s18+$0x10];
	v8 =	vshrl.u32 v8, $0x10;
	vm1 =	vne.s32 v6, $0x0  }
0x48: {  	v15 =	vld [tilespmem:s18+$0xFFFFFE60];
	v9 =	vshrl.u32 v9, $0x10;
	vm2 =	vne.s32 v8, $0x0  }
0x49: {  	v13 =	vld [tilespmem:s18+$0x0];
	v10 =	vshrl.u32 v10, $0x10;
	vm3 =	vne.s32 v9, $0x0  }
0x4a: {  	v16 =	vld [tilespmem:s18+$0xFFFFFE50];
	v11 =	vshrl.u32 v11, $0x10;
	vm4 =	vne.s32 v10, $0x0  }
0x4b: {  	v58 =	vld [tilespmem:s18+$0xFFFFFE20];
	v59 =	vshrl.u32 v14, $0x10;
	vm5 =	vne.s32 v11, $0x0  }
0x4c: {  	v7 =	vshrl.u32 v7, $0x10;
	vm6 =	vne.s32 v59, $0x0;
	[tilespmem:v5+s13+$0x0] =	vst.idx.add.s32.msk vm0, v1  }
0x4d: {  	v60 =	vshrl.u32 v15, $0x10;
	vm0 =	vne.s32 v7, $0x0;
	[tilespmem:v6+s13+$0x0] =	vst.idx.add.s32.msk vm1, v1  }
0x4e: {  	v5 =	vshrl.u32 v13, $0x10;
	[tilespmem:v8+s13+$0x0] =	vst.idx.add.s32.msk vm2, v1;
	vm2 =	vne.s32 v60, $0x0  }
0x4f: {  	v62 =	vshrl.u32 v12, $0x10;
	[tilespmem:v9+s13+$0x0] =	vst.idx.add.s32.msk vm3, v1;
	vm1 =	vne.s32 v5, $0x0  }
0x50: {  	v61 =	vshrl.u32 v16, $0x10;
	vm14 =	vne.s32 v62, $0x0;
	[tilespmem:v10+s13+$0x0] =	vst.idx.add.s32.msk vm4, v1  }
0x51: {  	vm3 =	vne.s32 v61, $0x0;
	v6 =	vshrl.u32 v58, $0x10;
	[tilespmem:v11+s13+$0x0] =	vst.idx.add.s32.msk vm5, v1  }
0x52: {  	v63 =	vshrl.u32 v2, $0x10;
	[tilespmem:v59+s13+$0x0] =	vst.idx.add.s32.msk vm6, v1;
	vm15 =	vne.s32 v6, $0x0  }
0x53: {  	v3 =	vshrl.u32 v3, $0x10;
	[tilespmem:v7+s13+$0x0] =	vst.idx.add.s32.msk vm0, v1;
	vm0 =	vne.s32 v63, $0x0  }
0x54: {  	v2 =	vshrl.u32 v4, $0x10;
	[tilespmem:v60+s13+$0x0] =	vst.idx.add.s32.msk vm2, v1;
	vm2 =	vne.s32 v3, $0x0  }
0x55: {  	[tilespmem:v5+s13+$0x0] =	vst.idx.add.s32.msk vm1, v1;
	vm1 =	vne.s32 v2, $0x0  }
0x56: {  	[tilespmem:v62+s13+$0x0] =	vst.idx.add.s32.msk vm14, v1  }
0x57: {  	[tilespmem:v61+s13+$0x0] =	vst.idx.add.s32.msk vm3, v1  }
0x58: {  	[tilespmem:v6+s13+$0x0] =	vst.idx.add.s32.msk vm15, v1  }
0x59: {  	s20 =	simm.s32 $0x0;
	[tilespmem:v63+s13+$0x0] =	vst.idx.add.s32.msk vm0, v1  }
.LBB2_5:
0x5a: {  	s20 =	sadd.s32 $0x10, s20;
	[tilespmem:v3+s13+$0x0] =	vst.idx.add.s32.msk vm2, v1;
	s18 =	sadd.s32 $0x400, s18;
	s19 =	simm.s32 $0x280  }
0x5b: {  	p0 =	slt.u32 s20, $0xF0;
	[tilespmem:v2+s13+$0x0] =	vst.idx.add.s32.msk vm1, v1  }
0x5c: {  	v3 =	vld [tilespmem:s18+$0xFFFFFE10]  }
0x5d: {  	v4 =	vld [tilespmem:s18+$0xFFFFFE30]  }
0x5e: {  	v2 =	vld [tilespmem:s18+$0xFFFFFE40]  }
0x5f: {  	v5 =	vld [tilespmem:s18+$0xFFFFFE00]  }
0x60: {  	v6 =	vld [tilespmem:s18+$0x70]  }
0x61: {  	v7 =	vld [tilespmem:s18+$0x60]  }
0x62: {  	v8 =	vld [tilespmem:s18+$0x50]  }
0x63: {  	v9 =	vld [tilespmem:s18+$0x40]  }
0x64: {  	v5 =	vshrl.u32 v5, $0x10;
	v10 =	vld [tilespmem:s18+$0x30]  }
0x65: {  	vm0 =	vne.s32 v5, $0x0;
	v11 =	vld [tilespmem:s18+$0x20];
	v6 =	vshrl.u32 v6, $0x10  }
0x66: {  	v12 =	vld [tilespmem:s18+$0x10];
	vm1 =	vne.s32 v6, $0x0  }
0x67: {  	v13 =	vld [tilespmem:s18+$0x0];
	v8 =	vshrl.u32 v8, $0x10  }
0x68: {  	v14 =	vld [tilespmem:s18+$0xFFFFFE70];
	v9 =	vshrl.u32 v9, $0x10;
	vm2 =	vne.s32 v8, $0x0  }
0x69: {  	v15 =	vld [tilespmem:s18+$0xFFFFFE60];
	v10 =	vshrl.u32 v10, $0x10;
	vm3 =	vne.s32 v9, $0x0  }
0x6a: {  	v7 =	vshrl.u32 v7, $0x10;
	v16 =	vld [tilespmem:s18+$0xFFFFFE50];
	v11 =	vshrl.u32 v11, $0x10;
	vm4 =	vne.s32 v10, $0x0  }
0x6b: {  	vm6 =	vne.s32 v7, $0x0;
	[tilespmem:v5+s13+$0x0] =	vst.idx.add.s32.msk vm0, v1;
	v5 =	vshrl.u32 v12, $0x10;
	vm5 =	vne.s32 v11, $0x0  }
0x6c: {  	v12 =	vshrl.u32 v13, $0x10;
	vm0 =	vne.s32 v5, $0x0;
	[tilespmem:v6+s13+$0x0] =	vst.idx.add.s32.msk vm1, v1  }
0x6d: {  	v6 =	vld [tilespmem:s18+$0xFFFFFE20];
	v13 =	vshrl.u32 v14, $0x10;
	vm7 =	vne.s32 v12, $0x0  }
0x6e: {  	v14 =	vshrl.u32 v15, $0x10;
	vm8 =	vne.s32 v13, $0x0;
	[tilespmem:v8+s13+$0x0] =	vst.idx.add.s32.msk vm2, v1  }
0x6f: {  	v8 =	vshrl.u32 v16, $0x10;
	vm9 =	vne.s32 v14, $0x0;
	[tilespmem:v9+s13+$0x0] =	vst.idx.add.s32.msk vm3, v1  }
0x70: {  	v2 =	vshrl.u32 v2, $0x10;
	vm3 =	vne.s32 v8, $0x0;
	[tilespmem:v10+s13+$0x0] =	vst.idx.add.s32.msk vm4, v1  }
0x71: {  	v4 =	vshrl.u32 v4, $0x10;
	vm1 =	vne.s32 v2, $0x0;
	[tilespmem:v7+s13+$0x0] =	vst.idx.add.s32.msk vm6, v1  }
0x72: {  	vm4 =	vne.s32 v4, $0x0;
	v6 =	vshrl.u32 v6, $0x10;
	[tilespmem:v11+s13+$0x0] =	vst.idx.add.s32.msk vm5, v1  }
0x73: {  	v3 =	vshrl.u32 v3, $0x10;
	vm5 =	vne.s32 v6, $0x0;
	[tilespmem:v12+s13+$0x0] =	vst.idx.add.s32.msk vm7, v1  }
0x74: {  	vm2 =	vne.s32 v3, $0x0;
	[tilespmem:v13+s13+$0x0] =	vst.idx.add.s32.msk vm8, v1  }
.Ltmp3:
0x75: {  	[tilespmem:v14+s13+$0x0] =	vst.idx.add.s32.msk vm9, v1;
	(pc) =	sbr.rel @p0 .LBB2_5-.Ltmp3, $4  }
0x76: {  	[tilespmem:v8+s13+$0x0] =	vst.idx.add.s32.msk vm3, v1  }
0x77: {  	[tilespmem:v5+s13+$0x0] =	vst.idx.add.s32.msk vm0, v1  }
0x78: {  	[tilespmem:v4+s13+$0x0] =	vst.idx.add.s32.msk vm4, v1  }
0x79: {  	[tilespmem:v6+s13+$0x0] =	vst.idx.add.s32.msk vm5, v1  }
0x7a: {  	_ =	sdelay $0x4  }
0x7b: {  	[tilespmem:v3+s13+$0x0] =	vst.idx.add.s32.msk vm2, v1  }
0x7c: {  	[tilespmem:v2+s13+$0x0] =	vst.idx.add.s32.msk vm1, v1  }
0x7d: {  	v4 =	vld [tilespmem:s19+$0xFFFFFE10]  }
0x7e: {  	v3 =	vld [tilespmem:s19+$0xFFFFFE00]  }
0x7f: {  	v2 =	vld [tilespmem:s19+$0xFFFFFE40]  }
0x80: {  	v5 =	vld [tilespmem:s19+$0x70]  }
0x81: {  	v7 =	vld [tilespmem:s19+$0x50]  }
0x82: {  	v8 =	vld [tilespmem:s19+$0x40]  }
0x83: {  	v6 =	vld [tilespmem:s19+$0x60];
	v3 =	vshrl.u32 v3, $0x10  }
0x84: {  	v9 =	vld [tilespmem:s19+$0x30];
	vm0 =	vne.s32 v3, $0x0  }
0x85: {  	v10 =	vld [tilespmem:s19+$0x20]  }
0x86: {  	v12 =	vld [tilespmem:s19+$0x0];
	v7 =	vshrl.u32 v7, $0x10  }
0x87: {  	v13 =	vld [tilespmem:s19+$0xFFFFFE70];
	v8 =	vshrl.u32 v8, $0x10;
	vm1 =	vne.s32 v7, $0x0  }
0x88: {  	v14 =	vld [tilespmem:s19+$0xFFFFFE60];
	vm2 =	vne.s32 v8, $0x0  }
0x89: {  	v15 =	vld [tilespmem:s19+$0xFFFFFE50];
	v6 =	vshrl.u32 v6, $0x10  }
0x8a: {  	v9 =	vshrl.u32 v9, $0x10;
	[tilespmem:v3+s13+$0x0] =	vst.idx.add.s32.msk vm0, v1;
	vm0 =	vne.s32 v6, $0x0  }
0x8b: {  	v61 =	vld [tilespmem:s19+$0xFFFFFE30];
	v5 =	vshrl.u32 v5, $0x10;
	vm3 =	vne.s32 v9, $0x0  }
0x8c: {  	v16 =	vld [tilespmem:s19+$0xFFFFFE20];
	vm4 =	vne.s32 v5, $0x0;
	v3 =	vshrl.u32 v10, $0x10  }
0x8d: {  	[tilespmem:v7+s13+$0x0] =	vst.idx.add.s32.msk vm1, v1;
	v7 =	vshrl.u32 v14, $0x10;
	vm5 =	vne.s32 v3, $0x0  }
0x8e: {  	v13 =	vshrl.u32 v13, $0x10;
	[tilespmem:v8+s13+$0x0] =	vst.idx.add.s32.msk vm2, v1;
	vm2 =	vne.s32 v7, $0x0  }
0x8f: {  	v11 =	vld [tilespmem:s19+$0x10];
	v63 =	vshrl.u32 v2, $0x10;
	vm1 =	vne.s32 v13, $0x0  }
0x90: {  	v12 =	vshrl.u32 v12, $0x10;
	[tilespmem:v6+s13+$0x0] =	vst.idx.add.s32.msk vm0, v1;
	vm0 =	vne.s32 v63, $0x0  }
0x91: {  	v62 =	vshrl.u32 v15, $0x10;
	vm6 =	vne.s32 v12, $0x0;
	[tilespmem:v9+s13+$0x0] =	vst.idx.add.s32.msk vm3, v1  }
0x92: {  	vm3 =	vne.s32 v62, $0x0;
	[tilespmem:v5+s13+$0x0] =	vst.idx.add.s32.msk vm4, v1;
	v6 =	vshrl.u32 v61, $0x10  }
0x93: {  	vm15 =	vne.s32 v6, $0x0;
	[tilespmem:v3+s13+$0x0] =	vst.idx.add.s32.msk vm5, v1;
	v3 =	vshrl.u32 v16, $0x10  }
0x94: {  	v4 =	vshrl.u32 v4, $0x10;
	[tilespmem:v7+s13+$0x0] =	vst.idx.add.s32.msk vm2, v1;
	vm2 =	vne.s32 v3, $0x0  }
0x95: {  	v2 =	vshrl.u32 v11, $0x10;
	[tilespmem:v13+s13+$0x0] =	vst.idx.add.s32.msk vm1, v1;
	vm1 =	vne.s32 v4, $0x0  }
0x96: {  	[tilespmem:v63+s13+$0x0] =	vst.idx.add.s32.msk vm0, v1;
	vm0 =	vne.s32 v2, $0x0  }
0x97: {  	[tilespmem:v12+s13+$0x0] =	vst.idx.add.s32.msk vm6, v1  }
0x98: {  	[tilespmem:v62+s13+$0x0] =	vst.idx.add.s32.msk vm3, v1  }
0x99: {  	s20 =	simm.s32 $0x0;
	s18 =	simm.s32 $0x300;
	[tilespmem:v6+s13+$0x0] =	vst.idx.add.s32.msk vm15, v1  }
.LBB2_7:
0x9a: {  	s20 =	sadd.s32 $0x10, s20;
	[tilespmem:v3+s13+$0x0] =	vst.idx.add.s32.msk vm2, v1;
	s19 =	sadd.s32 $0x400, s19  }
0x9b: {  	p0 =	slt.u32 s20, $0xF0;
	[tilespmem:v4+s13+$0x0] =	vst.idx.add.s32.msk vm1, v1  }
0x9c: {  	[tilespmem:v2+s13+$0x0] =	vst.idx.add.s32.msk vm0, v1  }
0x9d: {  	v4 =	vld [tilespmem:s19+$0xFFFFFE10]  }
0x9e: {  	v3 =	vld [tilespmem:s19+$0xFFFFFE40]  }
0x9f: {  	v2 =	vld [tilespmem:s19+$0xFFFFFE00]  }
0xa0: {  	v5 =	vld [tilespmem:s19+$0x70]  }
0xa1: {  	v6 =	vld [tilespmem:s19+$0x60]  }
0xa2: {  	v7 =	vld [tilespmem:s19+$0x50]  }
0xa3: {  	v8 =	vld [tilespmem:s19+$0x40]  }
0xa4: {  	v2 =	vshrl.u32 v2, $0x10;
	v9 =	vld [tilespmem:s19+$0x30]  }
0xa5: {  	vm0 =	vne.s32 v2, $0x0;
	v10 =	vld [tilespmem:s19+$0x20]  }
0xa6: {  	v11 =	vld [tilespmem:s19+$0x10]  }
0xa7: {  	v12 =	vld [tilespmem:s19+$0x0];
	v7 =	vshrl.u32 v7, $0x10  }
0xa8: {  	v13 =	vld [tilespmem:s19+$0xFFFFFE70];
	v8 =	vshrl.u32 v8, $0x10;
	vm2 =	vne.s32 v7, $0x0  }
0xa9: {  	v5 =	vshrl.u32 v5, $0x10;
	v14 =	vld [tilespmem:s19+$0xFFFFFE60];
	v9 =	vshrl.u32 v9, $0x10;
	vm3 =	vne.s32 v8, $0x0  }
0xaa: {  	v6 =	vshrl.u32 v6, $0x10;
	v15 =	vld [tilespmem:s19+$0xFFFFFE50];
	v10 =	vshrl.u32 v10, $0x10;
	vm4 =	vne.s32 v9, $0x0  }
0xab: {  	vm5 =	vne.s32 v6, $0x0;
	[tilespmem:v2+s13+$0x0] =	vst.idx.add.s32.msk vm0, v1;
	v2 =	vshrl.u32 v11, $0x10;
	vm1 =	vne.s32 v10, $0x0  }
0xac: {  	vm6 =	vne.s32 v5, $0x0;
	v11 =	vld [tilespmem:s19+$0xFFFFFE30];
	v12 =	vshrl.u32 v12, $0x10;
	vm0 =	vne.s32 v2, $0x0  }
0xad: {  	v16 =	vld [tilespmem:s19+$0xFFFFFE20];
	v13 =	vshrl.u32 v13, $0x10;
	vm7 =	vne.s32 v12, $0x0  }
0xae: {  	v14 =	vshrl.u32 v14, $0x10;
	vm8 =	vne.s32 v13, $0x0;
	[tilespmem:v7+s13+$0x0] =	vst.idx.add.s32.msk vm2, v1  }
0xaf: {  	v7 =	vshrl.u32 v15, $0x10;
	vm9 =	vne.s32 v14, $0x0;
	[tilespmem:v8+s13+$0x0] =	vst.idx.add.s32.msk vm3, v1  }
0xb0: {  	v8 =	vshrl.u32 v3, $0x10;
	vm3 =	vne.s32 v7, $0x0;
	[tilespmem:v9+s13+$0x0] =	vst.idx.add.s32.msk vm4, v1  }
0xb1: {  	vm4 =	vne.s32 v8, $0x0;
	v9 =	vshrl.u32 v11, $0x10;
	[tilespmem:v6+s13+$0x0] =	vst.idx.add.s32.msk vm5, v1  }
0xb2: {  	v3 =	vshrl.u32 v16, $0x10;
	vm5 =	vne.s32 v9, $0x0;
	[tilespmem:v5+s13+$0x0] =	vst.idx.add.s32.msk vm6, v1  }
0xb3: {  	v4 =	vshrl.u32 v4, $0x10;
	vm2 =	vne.s32 v3, $0x0;
	[tilespmem:v10+s13+$0x0] =	vst.idx.add.s32.msk vm1, v1  }
0xb4: {  	vm1 =	vne.s32 v4, $0x0;
	[tilespmem:v12+s13+$0x0] =	vst.idx.add.s32.msk vm7, v1  }
.Ltmp4:
0xb5: {  	[tilespmem:v13+s13+$0x0] =	vst.idx.add.s32.msk vm8, v1;
	(pc) =	sbr.rel @p0 .LBB2_7-.Ltmp4, $4  }
0xb6: {  	[tilespmem:v14+s13+$0x0] =	vst.idx.add.s32.msk vm9, v1  }
0xb7: {  	[tilespmem:v7+s13+$0x0] =	vst.idx.add.s32.msk vm3, v1  }
0xb8: {  	[tilespmem:v8+s13+$0x0] =	vst.idx.add.s32.msk vm4, v1  }
0xb9: {  	[tilespmem:v9+s13+$0x0] =	vst.idx.add.s32.msk vm5, v1  }
0xba: {  	_ =	sdelay $0x4  }
0xbb: {  	[tilespmem:v3+s13+$0x0] =	vst.idx.add.s32.msk vm2, v1  }
0xbc: {  	[tilespmem:v4+s13+$0x0] =	vst.idx.add.s32.msk vm1, v1  }
0xbd: {  	[tilespmem:v2+s13+$0x0] =	vst.idx.add.s32.msk vm0, v1  }
0xbe: {  	v3 =	vld [tilespmem:s18+$0xFFFFFE10]  }
0xbf: {  	v2 =	vld [tilespmem:s18+$0xFFFFFE30]  }
0xc0: {  	v4 =	vld [tilespmem:s18+$0xFFFFFE40]  }
0xc1: {  	v5 =	vld [tilespmem:s18+$0xFFFFFE00]  }
0xc2: {  	v6 =	vld [tilespmem:s18+$0x70]  }
0xc3: {  	v7 =	vld [tilespmem:s18+$0x60]  }
0xc4: {  	v8 =	vld [tilespmem:s18+$0x50]  }
0xc5: {  	v9 =	vld [tilespmem:s18+$0x40]  }
0xc6: {  	v10 =	vld [tilespmem:s18+$0x30]  }
0xc7: {  	v11 =	vld [tilespmem:s18+$0x20];
	v5 =	vshrl.u32 v5, $0x10  }
0xc8: {  	v14 =	vld [tilespmem:s18+$0xFFFFFE70];
	v6 =	vshrl.u32 v6, $0x10;
	vm0 =	vne.s32 v5, $0x0  }
0xc9: {  	v12 =	vld [tilespmem:s18+$0x10];
	v8 =	vshrl.u32 v8, $0x10;
	vm1 =	vne.s32 v6, $0x0  }
0xca: {  	v15 =	vld [tilespmem:s18+$0xFFFFFE60];
	v9 =	vshrl.u32 v9, $0x10;
	vm2 =	vne.s32 v8, $0x0  }
0xcb: {  	v13 =	vld [tilespmem:s18+$0x0];
	v10 =	vshrl.u32 v10, $0x10;
	vm3 =	vne.s32 v9, $0x0  }
0xcc: {  	v16 =	vld [tilespmem:s18+$0xFFFFFE50];
	v11 =	vshrl.u32 v11, $0x10;
	vm4 =	vne.s32 v10, $0x0  }
0xcd: {  	v58 =	vld [tilespmem:s18+$0xFFFFFE20];
	v59 =	vshrl.u32 v14, $0x10;
	vm5 =	vne.s32 v11, $0x0  }
0xce: {  	v7 =	vshrl.u32 v7, $0x10;
	vm6 =	vne.s32 v59, $0x0;
	[tilespmem:v5+s13+$0x0] =	vst.idx.add.s32.msk vm0, v1  }
0xcf: {  	v60 =	vshrl.u32 v15, $0x10;
	vm0 =	vne.s32 v7, $0x0;
	[tilespmem:v6+s13+$0x0] =	vst.idx.add.s32.msk vm1, v1  }
0xd0: {  	v5 =	vshrl.u32 v13, $0x10;
	[tilespmem:v8+s13+$0x0] =	vst.idx.add.s32.msk vm2, v1;
	vm2 =	vne.s32 v60, $0x0  }
0xd1: {  	v62 =	vshrl.u32 v12, $0x10;
	[tilespmem:v9+s13+$0x0] =	vst.idx.add.s32.msk vm3, v1;
	vm1 =	vne.s32 v5, $0x0  }
0xd2: {  	v61 =	vshrl.u32 v16, $0x10;
	vm14 =	vne.s32 v62, $0x0;
	[tilespmem:v10+s13+$0x0] =	vst.idx.add.s32.msk vm4, v1  }
0xd3: {  	vm3 =	vne.s32 v61, $0x0;
	v6 =	vshrl.u32 v58, $0x10;
	[tilespmem:v11+s13+$0x0] =	vst.idx.add.s32.msk vm5, v1  }
0xd4: {  	v63 =	vshrl.u32 v2, $0x10;
	[tilespmem:v59+s13+$0x0] =	vst.idx.add.s32.msk vm6, v1;
	vm15 =	vne.s32 v6, $0x0  }
0xd5: {  	v3 =	vshrl.u32 v3, $0x10;
	[tilespmem:v7+s13+$0x0] =	vst.idx.add.s32.msk vm0, v1;
	vm0 =	vne.s32 v63, $0x0  }
0xd6: {  	v2 =	vshrl.u32 v4, $0x10;
	[tilespmem:v60+s13+$0x0] =	vst.idx.add.s32.msk vm2, v1;
	vm2 =	vne.s32 v3, $0x0  }
0xd7: {  	[tilespmem:v5+s13+$0x0] =	vst.idx.add.s32.msk vm1, v1;
	vm1 =	vne.s32 v2, $0x0  }
0xd8: {  	[tilespmem:v62+s13+$0x0] =	vst.idx.add.s32.msk vm14, v1  }
0xd9: {  	[tilespmem:v61+s13+$0x0] =	vst.idx.add.s32.msk vm3, v1  }
0xda: {  	[tilespmem:v6+s13+$0x0] =	vst.idx.add.s32.msk vm15, v1  }
0xdb: {  	s20 =	simm.s32 $0x0;
	[tilespmem:v63+s13+$0x0] =	vst.idx.add.s32.msk vm0, v1  }
.LBB2_9:
0xdc: {  	s20 =	sadd.s32 $0x10, s20;
	[tilespmem:v3+s13+$0x0] =	vst.idx.add.s32.msk vm2, v1;
	s18 =	sadd.s32 $0x400, s18;
	s19 =	simm.s32 $0x380  }
0xdd: {  	p0 =	slt.u32 s20, $0xF0;
	[tilespmem:v2+s13+$0x0] =	vst.idx.add.s32.msk vm1, v1  }
0xde: {  	v3 =	vld [tilespmem:s18+$0xFFFFFE10]  }
0xdf: {  	v4 =	vld [tilespmem:s18+$0xFFFFFE30]  }
0xe0: {  	v2 =	vld [tilespmem:s18+$0xFFFFFE40]  }
0xe1: {  	v5 =	vld [tilespmem:s18+$0xFFFFFE00]  }
0xe2: {  	v6 =	vld [tilespmem:s18+$0x70]  }
0xe3: {  	v7 =	vld [tilespmem:s18+$0x60]  }
0xe4: {  	v8 =	vld [tilespmem:s18+$0x50]  }
0xe5: {  	v9 =	vld [tilespmem:s18+$0x40]  }
0xe6: {  	v5 =	vshrl.u32 v5, $0x10;
	v10 =	vld [tilespmem:s18+$0x30]  }
0xe7: {  	vm0 =	vne.s32 v5, $0x0;
	v11 =	vld [tilespmem:s18+$0x20];
	v6 =	vshrl.u32 v6, $0x10  }
0xe8: {  	v12 =	vld [tilespmem:s18+$0x10];
	vm1 =	vne.s32 v6, $0x0  }
0xe9: {  	v13 =	vld [tilespmem:s18+$0x0];
	v8 =	vshrl.u32 v8, $0x10  }
0xea: {  	v14 =	vld [tilespmem:s18+$0xFFFFFE70];
	v9 =	vshrl.u32 v9, $0x10;
	vm2 =	vne.s32 v8, $0x0  }
0xeb: {  	v15 =	vld [tilespmem:s18+$0xFFFFFE60];
	v10 =	vshrl.u32 v10, $0x10;
	vm3 =	vne.s32 v9, $0x0  }
0xec: {  	v7 =	vshrl.u32 v7, $0x10;
	v16 =	vld [tilespmem:s18+$0xFFFFFE50];
	v11 =	vshrl.u32 v11, $0x10;
	vm4 =	vne.s32 v10, $0x0  }
0xed: {  	vm6 =	vne.s32 v7, $0x0;
	[tilespmem:v5+s13+$0x0] =	vst.idx.add.s32.msk vm0, v1;
	v5 =	vshrl.u32 v12, $0x10;
	vm5 =	vne.s32 v11, $0x0  }
0xee: {  	v12 =	vshrl.u32 v13, $0x10;
	vm0 =	vne.s32 v5, $0x0;
	[tilespmem:v6+s13+$0x0] =	vst.idx.add.s32.msk vm1, v1  }
0xef: {  	v6 =	vld [tilespmem:s18+$0xFFFFFE20];
	v13 =	vshrl.u32 v14, $0x10;
	vm7 =	vne.s32 v12, $0x0  }
0xf0: {  	v14 =	vshrl.u32 v15, $0x10;
	vm8 =	vne.s32 v13, $0x0;
	[tilespmem:v8+s13+$0x0] =	vst.idx.add.s32.msk vm2, v1  }
0xf1: {  	v8 =	vshrl.u32 v16, $0x10;
	vm9 =	vne.s32 v14, $0x0;
	[tilespmem:v9+s13+$0x0] =	vst.idx.add.s32.msk vm3, v1  }
0xf2: {  	v2 =	vshrl.u32 v2, $0x10;
	vm3 =	vne.s32 v8, $0x0;
	[tilespmem:v10+s13+$0x0] =	vst.idx.add.s32.msk vm4, v1  }
0xf3: {  	v4 =	vshrl.u32 v4, $0x10;
	vm1 =	vne.s32 v2, $0x0;
	[tilespmem:v7+s13+$0x0] =	vst.idx.add.s32.msk vm6, v1  }
0xf4: {  	vm4 =	vne.s32 v4, $0x0;
	v6 =	vshrl.u32 v6, $0x10;
	[tilespmem:v11+s13+$0x0] =	vst.idx.add.s32.msk vm5, v1  }
0xf5: {  	v3 =	vshrl.u32 v3, $0x10;
	vm5 =	vne.s32 v6, $0x0;
	[tilespmem:v12+s13+$0x0] =	vst.idx.add.s32.msk vm7, v1  }
0xf6: {  	vm2 =	vne.s32 v3, $0x0;
	[tilespmem:v13+s13+$0x0] =	vst.idx.add.s32.msk vm8, v1  }
.Ltmp5:
0xf7: {  	[tilespmem:v14+s13+$0x0] =	vst.idx.add.s32.msk vm9, v1;
	(pc) =	sbr.rel @p0 .LBB2_9-.Ltmp5, $4  }
0xf8: {  	[tilespmem:v8+s13+$0x0] =	vst.idx.add.s32.msk vm3, v1  }
0xf9: {  	[tilespmem:v5+s13+$0x0] =	vst.idx.add.s32.msk vm0, v1  }
0xfa: {  	[tilespmem:v4+s13+$0x0] =	vst.idx.add.s32.msk vm4, v1  }
0xfb: {  	[tilespmem:v6+s13+$0x0] =	vst.idx.add.s32.msk vm5, v1  }
0xfc: {  	_ =	sdelay $0x4  }
0xfd: {  	[tilespmem:v3+s13+$0x0] =	vst.idx.add.s32.msk vm2, v1  }
0xfe: {  	[tilespmem:v2+s13+$0x0] =	vst.idx.add.s32.msk vm1, v1  }
0xff: {  	v3 =	vld [tilespmem:s19+$0xFFFFFE10]  }
0x100: {  	v2 =	vld [tilespmem:s19+$0xFFFFFE40]  }
0x101: {  	v4 =	vld [tilespmem:s19+$0xFFFFFE00]  }
0x102: {  	v5 =	vld [tilespmem:s19+$0x70]  }
0x103: {  	v6 =	vld [tilespmem:s19+$0x60]  }
0x104: {  	v7 =	vld [tilespmem:s19+$0x50]  }
0x105: {  	v9 =	vld [tilespmem:s19+$0x30]  }
0x106: {  	v8 =	vld [tilespmem:s19+$0x40];
	v4 =	vshrl.u32 v4, $0x10  }
0x107: {  	v10 =	vld [tilespmem:s19+$0x20];
	vm0 =	vne.s32 v4, $0x0  }
0x108: {  	v11 =	vld [tilespmem:s19+$0x10]  }
0x109: {  	v12 =	vld [tilespmem:s19+$0x0];
	v7 =	vshrl.u32 v7, $0x10  }
0x10a: {  	v13 =	vld [tilespmem:s19+$0xFFFFFE70];
	v9 =	vshrl.u32 v9, $0x10;
	vm1 =	vne.s32 v7, $0x0  }
0x10b: {  	v15 =	vld [tilespmem:s19+$0xFFFFFE50];
	v8 =	vshrl.u32 v8, $0x10;
	vm3 =	vne.s32 v9, $0x0  }
0x10c: {  	v14 =	vld [tilespmem:s19+$0xFFFFFE60];
	v6 =	vshrl.u32 v6, $0x10;
	vm2 =	vne.s32 v8, $0x0  }
0x10d: {  	[tilespmem:v4+s13+$0x0] =	vst.idx.add.s32.msk vm0, v1;
	vm0 =	vne.s32 v6, $0x0  }
0x10e: {  	v61 =	vld [tilespmem:s19+$0xFFFFFE30];
	v12 =	vshrl.u32 v12, $0x10  }
0x10f: {  	v16 =	vld [tilespmem:s19+$0xFFFFFE20];
	vm5 =	vne.s32 v12, $0x0;
	v4 =	vshrl.u32 v11, $0x10  }
0x110: {  	v62 =	vshrl.u32 v15, $0x10;
	[tilespmem:v7+s13+$0x0] =	vst.idx.add.s32.msk vm1, v1;
	vm4 =	vne.s32 v4, $0x0  }
0x111: {  	v7 =	vshrl.u32 v14, $0x10;
	[tilespmem:v9+s13+$0x0] =	vst.idx.add.s32.msk vm3, v1;
	vm3 =	vne.s32 v62, $0x0  }
0x112: {  	v63 =	vshrl.u32 v2, $0x10;
	[tilespmem:v8+s13+$0x0] =	vst.idx.add.s32.msk vm2, v1;
	vm2 =	vne.s32 v7, $0x0  }
0x113: {  	v10 =	vshrl.u32 v10, $0x10;
	[tilespmem:v6+s13+$0x0] =	vst.idx.add.s32.msk vm0, v1;
	vm0 =	vne.s32 v63, $0x0  }
0x114: {  	v5 =	vshrl.u32 v5, $0x10;
	vm6 =	vne.s32 v10, $0x0  }
0x115: {  	vm1 =	vne.s32 v5, $0x0;
	[tilespmem:v12+s13+$0x0] =	vst.idx.add.s32.msk vm5, v1;
	v6 =	vshrl.u32 v61, $0x10  }
0x116: {  	[tilespmem:v4+s13+$0x0] =	vst.idx.add.s32.msk vm4, v1;
	vm4 =	vne.s32 v6, $0x0;
	v4 =	vshrl.u32 v16, $0x10  }
0x117: {  	v3 =	vshrl.u32 v3, $0x10;
	[tilespmem:v62+s13+$0x0] =	vst.idx.add.s32.msk vm3, v1;
	vm3 =	vne.s32 v4, $0x0  }
0x118: {  	v2 =	vshrl.u32 v13, $0x10;
	[tilespmem:v7+s13+$0x0] =	vst.idx.add.s32.msk vm2, v1;
	vm2 =	vne.s32 v3, $0x0  }
0x119: {  	[tilespmem:v63+s13+$0x0] =	vst.idx.add.s32.msk vm0, v1;
	vm0 =	vne.s32 v2, $0x0  }
0x11a: {  	[tilespmem:v10+s13+$0x0] =	vst.idx.add.s32.msk vm6, v1  }
0x11b: {  	[tilespmem:v5+s13+$0x0] =	vst.idx.add.s32.msk vm1, v1  }
0x11c: {  	s18 =	simm.s32 $0x0;
	[tilespmem:v6+s13+$0x0] =	vst.idx.add.s32.msk vm4, v1  }
.LBB2_11:
0x11d: {  	s18 =	sadd.s32 $0x10, s18;
	[tilespmem:v4+s13+$0x0] =	vst.idx.add.s32.msk vm3, v1;
	s19 =	sadd.s32 $0x400, s19  }
0x11e: {  	p0 =	slt.u32 s18, $0xF0;
	[tilespmem:v3+s13+$0x0] =	vst.idx.add.s32.msk vm2, v1  }
0x11f: {  	[tilespmem:v2+s13+$0x0] =	vst.idx.add.s32.msk vm0, v1  }
0x120: {  	v3 =	vld [tilespmem:s19+$0xFFFFFE10]  }
0x121: {  	v4 =	vld [tilespmem:s19+$0xFFFFFE40]  }
0x122: {  	v2 =	vld [tilespmem:s19+$0xFFFFFE00]  }
0x123: {  	v5 =	vld [tilespmem:s19+$0x70]  }
0x124: {  	v6 =	vld [tilespmem:s19+$0x60]  }
0x125: {  	v7 =	vld [tilespmem:s19+$0x50]  }
0x126: {  	v8 =	vld [tilespmem:s19+$0x40]  }
0x127: {  	v2 =	vshrl.u32 v2, $0x10;
	v9 =	vld [tilespmem:s19+$0x30]  }
0x128: {  	vm0 =	vne.s32 v2, $0x0;
	v10 =	vld [tilespmem:s19+$0x20]  }
0x129: {  	v11 =	vld [tilespmem:s19+$0x10]  }
0x12a: {  	v12 =	vld [tilespmem:s19+$0x0];
	v7 =	vshrl.u32 v7, $0x10  }
0x12b: {  	v13 =	vld [tilespmem:s19+$0xFFFFFE70];
	v8 =	vshrl.u32 v8, $0x10;
	vm2 =	vne.s32 v7, $0x0  }
0x12c: {  	v14 =	vld [tilespmem:s19+$0xFFFFFE60];
	v9 =	vshrl.u32 v9, $0x10;
	vm3 =	vne.s32 v8, $0x0  }
0x12d: {  	v6 =	vshrl.u32 v6, $0x10;
	v15 =	vld [tilespmem:s19+$0xFFFFFE50];
	v10 =	vshrl.u32 v10, $0x10;
	vm4 =	vne.s32 v9, $0x0  }
0x12e: {  	vm5 =	vne.s32 v6, $0x0;
	[tilespmem:v2+s13+$0x0] =	vst.idx.add.s32.msk vm0, v1;
	v11 =	vshrl.u32 v11, $0x10;
	vm1 =	vne.s32 v10, $0x0  }
0x12f: {  	v16 =	vld [tilespmem:s19+$0xFFFFFE30];
	v12 =	vshrl.u32 v12, $0x10;
	vm6 =	vne.s32 v11, $0x0  }
0x130: {  	v5 =	vshrl.u32 v5, $0x10;
	v17 =	vld [tilespmem:s19+$0xFFFFFE20];
	v2 =	vshrl.u32 v13, $0x10;
	vm7 =	vne.s32 v12, $0x0  }
0x131: {  	vm8 =	vne.s32 v5, $0x0;
	v13 =	vshrl.u32 v14, $0x10;
	vm0 =	vne.s32 v2, $0x0;
	[tilespmem:v7+s13+$0x0] =	vst.idx.add.s32.msk vm2, v1  }
0x132: {  	v7 =	vshrl.u32 v15, $0x10;
	vm9 =	vne.s32 v13, $0x0;
	[tilespmem:v8+s13+$0x0] =	vst.idx.add.s32.msk vm3, v1  }
0x133: {  	v8 =	vshrl.u32 v4, $0x10;
	vm10 =	vne.s32 v7, $0x0;
	[tilespmem:v9+s13+$0x0] =	vst.idx.add.s32.msk vm4, v1  }
0x134: {  	vm4 =	vne.s32 v8, $0x0;
	v9 =	vshrl.u32 v16, $0x10;
	[tilespmem:v6+s13+$0x0] =	vst.idx.add.s32.msk vm5, v1  }
0x135: {  	v4 =	vshrl.u32 v17, $0x10;
	vm5 =	vne.s32 v9, $0x0;
	[tilespmem:v11+s13+$0x0] =	vst.idx.add.s32.msk vm6, v1  }
0x136: {  	v3 =	vshrl.u32 v3, $0x10;
	vm3 =	vne.s32 v4, $0x0;
	[tilespmem:v12+s13+$0x0] =	vst.idx.add.s32.msk vm7, v1  }
0x137: {  	vm2 =	vne.s32 v3, $0x0;
	[tilespmem:v10+s13+$0x0] =	vst.idx.add.s32.msk vm1, v1  }
.Ltmp6:
0x138: {  	[tilespmem:v5+s13+$0x0] =	vst.idx.add.s32.msk vm8, v1;
	(pc) =	sbr.rel @p0 .LBB2_11-.Ltmp6, $4  }
0x139: {  	[tilespmem:v13+s13+$0x0] =	vst.idx.add.s32.msk vm9, v1  }
0x13a: {  	[tilespmem:v7+s13+$0x0] =	vst.idx.add.s32.msk vm10, v1  }
0x13b: {  	[tilespmem:v8+s13+$0x0] =	vst.idx.add.s32.msk vm4, v1  }
0x13c: {  	[tilespmem:v9+s13+$0x0] =	vst.idx.add.s32.msk vm5, v1  }
0x13d: {  	_ =	sdelay $0x4  }
0x13e: {  	[tilespmem:v4+s13+$0x0] =	vst.idx.add.s32.msk vm3, v1;
	s18 =	sshll.u32 s17, $0xC;
	p0 =	seq.s32 s17, $0x3  }
0x13f: {  	[tilespmem:v3+s13+$0x0] =	vst.idx.add.s32.msk vm2, v1;
	s19 =	sadd.s32 @!p0 s18, s5  }
0x140: {  	[tilespmem:v2+s13+$0x0] =	vst.idx.add.s32.msk vm0, v1;
	s20 =	simm.s32 @!p0 $0x200;
	s21 =	simm.s32 @!p0 $0x400;
	s22 =	simm.s32 @!p0 $0x0  }
0x141: {  	[tilespmem:s22], [sflag:$0x1] =	stream.strided.gather @!p0 [hbm4b:s19+s20], $0x4000, s21, s20, $0x38;
	[tilespmem:$0x10000] =	vst v63  }
0x142: {  	_ =	swait.ge [sflag:s14], $0x4000  }
0x143: {  	[sflag:s14] =	ssyncset.done $0x0  }
0x144: {  	s19 =	simm.s32 $0x4200;
	[sflag:s14] =	ssyncadd.s32 $0xFFFFC000  }
0x145: {  	v3 =	vld [tilespmem:s19+$0xFFFFFE10]  }
0x146: {  	v2 =	vld [tilespmem:s19+$0xFFFFFE30]  }
0x147: {  	v4 =	vld [tilespmem:s19+$0xFFFFFE40]  }
0x148: {  	v5 =	vld [tilespmem:s19+$0xFFFFFE00]  }
0x149: {  	v6 =	vld [tilespmem:s19+$0x70]  }
0x14a: {  	v7 =	vld [tilespmem:s19+$0x60]  }
0x14b: {  	v8 =	vld [tilespmem:s19+$0x50]  }
0x14c: {  	v9 =	vld [tilespmem:s19+$0x40]  }
0x14d: {  	v10 =	vld [tilespmem:s19+$0x30]  }
0x14e: {  	v11 =	vld [tilespmem:s19+$0x20];
	v5 =	vshrl.u32 v5, $0x10  }
0x14f: {  	v14 =	vld [tilespmem:s19+$0xFFFFFE70];
	v6 =	vshrl.u32 v6, $0x10;
	vm0 =	vne.s32 v5, $0x0  }
0x150: {  	v12 =	vld [tilespmem:s19+$0x10];
	v8 =	vshrl.u32 v8, $0x10;
	vm1 =	vne.s32 v6, $0x0  }
0x151: {  	v15 =	vld [tilespmem:s19+$0xFFFFFE60];
	v9 =	vshrl.u32 v9, $0x10;
	vm2 =	vne.s32 v8, $0x0  }
0x152: {  	v13 =	vld [tilespmem:s19+$0x0];
	v10 =	vshrl.u32 v10, $0x10;
	vm3 =	vne.s32 v9, $0x0  }
0x153: {  	v16 =	vld [tilespmem:s19+$0xFFFFFE50];
	v11 =	vshrl.u32 v11, $0x10;
	vm4 =	vne.s32 v10, $0x0  }
0x154: {  	v58 =	vld [tilespmem:s19+$0xFFFFFE20];
	v59 =	vshrl.u32 v14, $0x10;
	vm5 =	vne.s32 v11, $0x0  }
0x155: {  	v7 =	vshrl.u32 v7, $0x10;
	vm6 =	vne.s32 v59, $0x0;
	[tilespmem:v5+s13+$0x0] =	vst.idx.add.s32.msk vm0, v1  }
0x156: {  	v60 =	vshrl.u32 v15, $0x10;
	vm0 =	vne.s32 v7, $0x0;
	[tilespmem:v6+s13+$0x0] =	vst.idx.add.s32.msk vm1, v1  }
0x157: {  	v5 =	vshrl.u32 v13, $0x10;
	[tilespmem:v8+s13+$0x0] =	vst.idx.add.s32.msk vm2, v1;
	vm2 =	vne.s32 v60, $0x0  }
0x158: {  	v62 =	vshrl.u32 v12, $0x10;
	[tilespmem:v9+s13+$0x0] =	vst.idx.add.s32.msk vm3, v1;
	vm1 =	vne.s32 v5, $0x0  }
0x159: {  	v61 =	vshrl.u32 v16, $0x10;
	vm14 =	vne.s32 v62, $0x0;
	[tilespmem:v10+s13+$0x0] =	vst.idx.add.s32.msk vm4, v1  }
0x15a: {  	vm3 =	vne.s32 v61, $0x0;
	v6 =	vshrl.u32 v58, $0x10;
	[tilespmem:v11+s13+$0x0] =	vst.idx.add.s32.msk vm5, v1  }
0x15b: {  	v63 =	vshrl.u32 v2, $0x10;
	[tilespmem:v59+s13+$0x0] =	vst.idx.add.s32.msk vm6, v1;
	vm15 =	vne.s32 v6, $0x0  }
0x15c: {  	v3 =	vshrl.u32 v3, $0x10;
	[tilespmem:v7+s13+$0x0] =	vst.idx.add.s32.msk vm0, v1;
	vm0 =	vne.s32 v63, $0x0  }
0x15d: {  	v2 =	vshrl.u32 v4, $0x10;
	[tilespmem:v60+s13+$0x0] =	vst.idx.add.s32.msk vm2, v1;
	vm2 =	vne.s32 v3, $0x0  }
0x15e: {  	[tilespmem:v5+s13+$0x0] =	vst.idx.add.s32.msk vm1, v1;
	vm1 =	vne.s32 v2, $0x0  }
0x15f: {  	[tilespmem:v62+s13+$0x0] =	vst.idx.add.s32.msk vm14, v1  }
0x160: {  	[tilespmem:v61+s13+$0x0] =	vst.idx.add.s32.msk vm3, v1  }
0x161: {  	[tilespmem:v6+s13+$0x0] =	vst.idx.add.s32.msk vm15, v1  }
0x162: {  	s21 =	simm.s32 $0x0;
	[tilespmem:v63+s13+$0x0] =	vst.idx.add.s32.msk vm0, v1  }
.LBB2_13:
0x163: {  	s21 =	sadd.s32 $0x10, s21;
	[tilespmem:v3+s13+$0x0] =	vst.idx.add.s32.msk vm2, v1;
	s19 =	sadd.s32 $0x400, s19;
	s20 =	simm.s32 $0x4280  }
0x164: {  	p1 =	slt.u32 s21, $0xF0;
	[tilespmem:v2+s13+$0x0] =	vst.idx.add.s32.msk vm1, v1  }
0x165: {  	v3 =	vld [tilespmem:s19+$0xFFFFFE10]  }
0x166: {  	v4 =	vld [tilespmem:s19+$0xFFFFFE30]  }
0x167: {  	v2 =	vld [tilespmem:s19+$0xFFFFFE40]  }
0x168: {  	v5 =	vld [tilespmem:s19+$0xFFFFFE00]  }
0x169: {  	v6 =	vld [tilespmem:s19+$0x70]  }
0x16a: {  	v7 =	vld [tilespmem:s19+$0x60]  }
0x16b: {  	v8 =	vld [tilespmem:s19+$0x50]  }
0x16c: {  	v9 =	vld [tilespmem:s19+$0x40]  }
0x16d: {  	v5 =	vshrl.u32 v5, $0x10;
	v10 =	vld [tilespmem:s19+$0x30]  }
0x16e: {  	vm0 =	vne.s32 v5, $0x0;
	v11 =	vld [tilespmem:s19+$0x20];
	v6 =	vshrl.u32 v6, $0x10  }
0x16f: {  	v12 =	vld [tilespmem:s19+$0x10];
	vm1 =	vne.s32 v6, $0x0  }
0x170: {  	v13 =	vld [tilespmem:s19+$0x0];
	v8 =	vshrl.u32 v8, $0x10  }
0x171: {  	v14 =	vld [tilespmem:s19+$0xFFFFFE70];
	v9 =	vshrl.u32 v9, $0x10;
	vm2 =	vne.s32 v8, $0x0  }
0x172: {  	v15 =	vld [tilespmem:s19+$0xFFFFFE60];
	v10 =	vshrl.u32 v10, $0x10;
	vm3 =	vne.s32 v9, $0x0  }
0x173: {  	v7 =	vshrl.u32 v7, $0x10;
	v16 =	vld [tilespmem:s19+$0xFFFFFE50];
	v11 =	vshrl.u32 v11, $0x10;
	vm4 =	vne.s32 v10, $0x0  }
0x174: {  	vm6 =	vne.s32 v7, $0x0;
	[tilespmem:v5+s13+$0x0] =	vst.idx.add.s32.msk vm0, v1;
	v5 =	vshrl.u32 v12, $0x10;
	vm5 =	vne.s32 v11, $0x0  }
0x175: {  	v12 =	vshrl.u32 v13, $0x10;
	vm0 =	vne.s32 v5, $0x0;
	[tilespmem:v6+s13+$0x0] =	vst.idx.add.s32.msk vm1, v1  }
0x176: {  	v6 =	vld [tilespmem:s19+$0xFFFFFE20];
	v13 =	vshrl.u32 v14, $0x10;
	vm7 =	vne.s32 v12, $0x0  }
0x177: {  	v14 =	vshrl.u32 v15, $0x10;
	vm8 =	vne.s32 v13, $0x0;
	[tilespmem:v8+s13+$0x0] =	vst.idx.add.s32.msk vm2, v1  }
0x178: {  	v8 =	vshrl.u32 v16, $0x10;
	vm9 =	vne.s32 v14, $0x0;
	[tilespmem:v9+s13+$0x0] =	vst.idx.add.s32.msk vm3, v1  }
0x179: {  	v2 =	vshrl.u32 v2, $0x10;
	vm3 =	vne.s32 v8, $0x0;
	[tilespmem:v10+s13+$0x0] =	vst.idx.add.s32.msk vm4, v1  }
0x17a: {  	v4 =	vshrl.u32 v4, $0x10;
	vm1 =	vne.s32 v2, $0x0;
	[tilespmem:v7+s13+$0x0] =	vst.idx.add.s32.msk vm6, v1  }
0x17b: {  	vm4 =	vne.s32 v4, $0x0;
	v6 =	vshrl.u32 v6, $0x10;
	[tilespmem:v11+s13+$0x0] =	vst.idx.add.s32.msk vm5, v1  }
0x17c: {  	v3 =	vshrl.u32 v3, $0x10;
	vm5 =	vne.s32 v6, $0x0;
	[tilespmem:v12+s13+$0x0] =	vst.idx.add.s32.msk vm7, v1  }
0x17d: {  	vm2 =	vne.s32 v3, $0x0;
	[tilespmem:v13+s13+$0x0] =	vst.idx.add.s32.msk vm8, v1  }
.Ltmp7:
0x17e: {  	[tilespmem:v14+s13+$0x0] =	vst.idx.add.s32.msk vm9, v1;
	(pc) =	sbr.rel @p1 .LBB2_13-.Ltmp7, $4  }
0x17f: {  	[tilespmem:v8+s13+$0x0] =	vst.idx.add.s32.msk vm3, v1  }
0x180: {  	[tilespmem:v5+s13+$0x0] =	vst.idx.add.s32.msk vm0, v1  }
0x181: {  	[tilespmem:v4+s13+$0x0] =	vst.idx.add.s32.msk vm4, v1  }
0x182: {  	[tilespmem:v6+s13+$0x0] =	vst.idx.add.s32.msk vm5, v1  }
0x183: {  	_ =	sdelay $0x4  }
0x184: {  	[tilespmem:v3+s13+$0x0] =	vst.idx.add.s32.msk vm2, v1  }
0x185: {  	[tilespmem:v2+s13+$0x0] =	vst.idx.add.s32.msk vm1, v1  }
0x186: {  	v4 =	vld [tilespmem:s20+$0xFFFFFE10]  }
0x187: {  	v3 =	vld [tilespmem:s20+$0xFFFFFE00]  }
0x188: {  	v2 =	vld [tilespmem:s20+$0xFFFFFE40]  }
0x189: {  	v5 =	vld [tilespmem:s20+$0x70]  }
0x18a: {  	v7 =	vld [tilespmem:s20+$0x50]  }
0x18b: {  	v8 =	vld [tilespmem:s20+$0x40]  }
0x18c: {  	v6 =	vld [tilespmem:s20+$0x60];
	v3 =	vshrl.u32 v3, $0x10  }
0x18d: {  	v9 =	vld [tilespmem:s20+$0x30];
	vm0 =	vne.s32 v3, $0x0  }
0x18e: {  	v10 =	vld [tilespmem:s20+$0x20]  }
0x18f: {  	v12 =	vld [tilespmem:s20+$0x0];
	v7 =	vshrl.u32 v7, $0x10  }
0x190: {  	v13 =	vld [tilespmem:s20+$0xFFFFFE70];
	v8 =	vshrl.u32 v8, $0x10;
	vm1 =	vne.s32 v7, $0x0  }
0x191: {  	v14 =	vld [tilespmem:s20+$0xFFFFFE60];
	vm2 =	vne.s32 v8, $0x0  }
0x192: {  	v15 =	vld [tilespmem:s20+$0xFFFFFE50];
	v6 =	vshrl.u32 v6, $0x10  }
0x193: {  	v9 =	vshrl.u32 v9, $0x10;
	[tilespmem:v3+s13+$0x0] =	vst.idx.add.s32.msk vm0, v1;
	vm0 =	vne.s32 v6, $0x0  }
0x194: {  	v61 =	vld [tilespmem:s20+$0xFFFFFE30];
	v5 =	vshrl.u32 v5, $0x10;
	vm3 =	vne.s32 v9, $0x0  }
0x195: {  	v16 =	vld [tilespmem:s20+$0xFFFFFE20];
	vm4 =	vne.s32 v5, $0x0;
	v3 =	vshrl.u32 v10, $0x10  }
0x196: {  	[tilespmem:v7+s13+$0x0] =	vst.idx.add.s32.msk vm1, v1;
	v7 =	vshrl.u32 v14, $0x10;
	vm5 =	vne.s32 v3, $0x0  }
0x197: {  	v13 =	vshrl.u32 v13, $0x10;
	[tilespmem:v8+s13+$0x0] =	vst.idx.add.s32.msk vm2, v1;
	vm2 =	vne.s32 v7, $0x0  }
0x198: {  	v11 =	vld [tilespmem:s20+$0x10];
	v63 =	vshrl.u32 v2, $0x10;
	vm1 =	vne.s32 v13, $0x0  }
0x199: {  	v12 =	vshrl.u32 v12, $0x10;
	[tilespmem:v6+s13+$0x0] =	vst.idx.add.s32.msk vm0, v1;
	vm0 =	vne.s32 v63, $0x0  }
0x19a: {  	v62 =	vshrl.u32 v15, $0x10;
	vm6 =	vne.s32 v12, $0x0;
	[tilespmem:v9+s13+$0x0] =	vst.idx.add.s32.msk vm3, v1  }
0x19b: {  	vm3 =	vne.s32 v62, $0x0;
	[tilespmem:v5+s13+$0x0] =	vst.idx.add.s32.msk vm4, v1;
	v6 =	vshrl.u32 v61, $0x10  }
0x19c: {  	vm15 =	vne.s32 v6, $0x0;
	[tilespmem:v3+s13+$0x0] =	vst.idx.add.s32.msk vm5, v1;
	v3 =	vshrl.u32 v16, $0x10  }
0x19d: {  	v4 =	vshrl.u32 v4, $0x10;
	[tilespmem:v7+s13+$0x0] =	vst.idx.add.s32.msk vm2, v1;
	vm2 =	vne.s32 v3, $0x0  }
0x19e: {  	v2 =	vshrl.u32 v11, $0x10;
	[tilespmem:v13+s13+$0x0] =	vst.idx.add.s32.msk vm1, v1;
	vm1 =	vne.s32 v4, $0x0  }
0x19f: {  	[tilespmem:v63+s13+$0x0] =	vst.idx.add.s32.msk vm0, v1;
	vm0 =	vne.s32 v2, $0x0  }
0x1a0: {  	[tilespmem:v12+s13+$0x0] =	vst.idx.add.s32.msk vm6, v1  }
0x1a1: {  	[tilespmem:v62+s13+$0x0] =	vst.idx.add.s32.msk vm3, v1  }
0x1a2: {  	s21 =	simm.s32 $0x0;
	s19 =	simm.s32 $0x4300;
	[tilespmem:v6+s13+$0x0] =	vst.idx.add.s32.msk vm15, v1  }
.LBB2_15:
0x1a3: {  	s21 =	sadd.s32 $0x10, s21;
	[tilespmem:v3+s13+$0x0] =	vst.idx.add.s32.msk vm2, v1;
	s20 =	sadd.s32 $0x400, s20  }
0x1a4: {  	p1 =	slt.u32 s21, $0xF0;
	[tilespmem:v4+s13+$0x0] =	vst.idx.add.s32.msk vm1, v1  }
0x1a5: {  	[tilespmem:v2+s13+$0x0] =	vst.idx.add.s32.msk vm0, v1  }
0x1a6: {  	v4 =	vld [tilespmem:s20+$0xFFFFFE10]  }
0x1a7: {  	v3 =	vld [tilespmem:s20+$0xFFFFFE40]  }
0x1a8: {  	v2 =	vld [tilespmem:s20+$0xFFFFFE00]  }
0x1a9: {  	v5 =	vld [tilespmem:s20+$0x70]  }
0x1aa: {  	v6 =	vld [tilespmem:s20+$0x60]  }
0x1ab: {  	v7 =	vld [tilespmem:s20+$0x50]  }
0x1ac: {  	v8 =	vld [tilespmem:s20+$0x40]  }
0x1ad: {  	v2 =	vshrl.u32 v2, $0x10;
	v9 =	vld [tilespmem:s20+$0x30]  }
0x1ae: {  	vm0 =	vne.s32 v2, $0x0;
	v10 =	vld [tilespmem:s20+$0x20]  }
0x1af: {  	v11 =	vld [tilespmem:s20+$0x10]  }
0x1b0: {  	v12 =	vld [tilespmem:s20+$0x0];
	v7 =	vshrl.u32 v7, $0x10  }
0x1b1: {  	v13 =	vld [tilespmem:s20+$0xFFFFFE70];
	v8 =	vshrl.u32 v8, $0x10;
	vm2 =	vne.s32 v7, $0x0  }
0x1b2: {  	v5 =	vshrl.u32 v5, $0x10;
	v14 =	vld [tilespmem:s20+$0xFFFFFE60];
	v9 =	vshrl.u32 v9, $0x10;
	vm3 =	vne.s32 v8, $0x0  }
0x1b3: {  	v6 =	vshrl.u32 v6, $0x10;
	v15 =	vld [tilespmem:s20+$0xFFFFFE50];
	v10 =	vshrl.u32 v10, $0x10;
	vm4 =	vne.s32 v9, $0x0  }
0x1b4: {  	vm5 =	vne.s32 v6, $0x0;
	[tilespmem:v2+s13+$0x0] =	vst.idx.add.s32.msk vm0, v1;
	v2 =	vshrl.u32 v11, $0x10;
	vm1 =	vne.s32 v10, $0x0  }
0x1b5: {  	vm6 =	vne.s32 v5, $0x0;
	v11 =	vld [tilespmem:s20+$0xFFFFFE30];
	v12 =	vshrl.u32 v12, $0x10;
	vm0 =	vne.s32 v2, $0x0  }
0x1b6: {  	v16 =	vld [tilespmem:s20+$0xFFFFFE20];
	v13 =	vshrl.u32 v13, $0x10;
	vm7 =	vne.s32 v12, $0x0  }
0x1b7: {  	v14 =	vshrl.u32 v14, $0x10;
	vm8 =	vne.s32 v13, $0x0;
	[tilespmem:v7+s13+$0x0] =	vst.idx.add.s32.msk vm2, v1  }
0x1b8: {  	v7 =	vshrl.u32 v15, $0x10;
	vm9 =	vne.s32 v14, $0x0;
	[tilespmem:v8+s13+$0x0] =	vst.idx.add.s32.msk vm3, v1  }
0x1b9: {  	v8 =	vshrl.u32 v3, $0x10;
	vm3 =	vne.s32 v7, $0x0;
	[tilespmem:v9+s13+$0x0] =	vst.idx.add.s32.msk vm4, v1  }
0x1ba: {  	vm4 =	vne.s32 v8, $0x0;
	v9 =	vshrl.u32 v11, $0x10;
	[tilespmem:v6+s13+$0x0] =	vst.idx.add.s32.msk vm5, v1  }
0x1bb: {  	v3 =	vshrl.u32 v16, $0x10;
	vm5 =	vne.s32 v9, $0x0;
	[tilespmem:v5+s13+$0x0] =	vst.idx.add.s32.msk vm6, v1  }
0x1bc: {  	v4 =	vshrl.u32 v4, $0x10;
	vm2 =	vne.s32 v3, $0x0;
	[tilespmem:v10+s13+$0x0] =	vst.idx.add.s32.msk vm1, v1  }
0x1bd: {  	vm1 =	vne.s32 v4, $0x0;
	[tilespmem:v12+s13+$0x0] =	vst.idx.add.s32.msk vm7, v1  }
.Ltmp8:
0x1be: {  	[tilespmem:v13+s13+$0x0] =	vst.idx.add.s32.msk vm8, v1;
	(pc) =	sbr.rel @p1 .LBB2_15-.Ltmp8, $4  }
0x1bf: {  	[tilespmem:v14+s13+$0x0] =	vst.idx.add.s32.msk vm9, v1  }
0x1c0: {  	[tilespmem:v7+s13+$0x0] =	vst.idx.add.s32.msk vm3, v1  }
0x1c1: {  	[tilespmem:v8+s13+$0x0] =	vst.idx.add.s32.msk vm4, v1  }
0x1c2: {  	[tilespmem:v9+s13+$0x0] =	vst.idx.add.s32.msk vm5, v1  }
0x1c3: {  	_ =	sdelay $0x4  }
0x1c4: {  	[tilespmem:v3+s13+$0x0] =	vst.idx.add.s32.msk vm2, v1  }
0x1c5: {  	[tilespmem:v4+s13+$0x0] =	vst.idx.add.s32.msk vm1, v1  }
0x1c6: {  	[tilespmem:v2+s13+$0x0] =	vst.idx.add.s32.msk vm0, v1  }
0x1c7: {  	v3 =	vld [tilespmem:s19+$0xFFFFFE10]  }
0x1c8: {  	v2 =	vld [tilespmem:s19+$0xFFFFFE30]  }
0x1c9: {  	v4 =	vld [tilespmem:s19+$0xFFFFFE40]  }
0x1ca: {  	v5 =	vld [tilespmem:s19+$0xFFFFFE00]  }
0x1cb: {  	v6 =	vld [tilespmem:s19+$0x70]  }
0x1cc: {  	v7 =	vld [tilespmem:s19+$0x60]  }
0x1cd: {  	v8 =	vld [tilespmem:s19+$0x50]  }
0x1ce: {  	v9 =	vld [tilespmem:s19+$0x40]  }
0x1cf: {  	v10 =	vld [tilespmem:s19+$0x30]  }
0x1d0: {  	v11 =	vld [tilespmem:s19+$0x20];
	v5 =	vshrl.u32 v5, $0x10  }
0x1d1: {  	v14 =	vld [tilespmem:s19+$0xFFFFFE70];
	v6 =	vshrl.u32 v6, $0x10;
	vm0 =	vne.s32 v5, $0x0  }
0x1d2: {  	v12 =	vld [tilespmem:s19+$0x10];
	v8 =	vshrl.u32 v8, $0x10;
	vm1 =	vne.s32 v6, $0x0  }
0x1d3: {  	v15 =	vld [tilespmem:s19+$0xFFFFFE60];
	v9 =	vshrl.u32 v9, $0x10;
	vm2 =	vne.s32 v8, $0x0  }
0x1d4: {  	v13 =	vld [tilespmem:s19+$0x0];
	v10 =	vshrl.u32 v10, $0x10;
	vm3 =	vne.s32 v9, $0x0  }
0x1d5: {  	v16 =	vld [tilespmem:s19+$0xFFFFFE50];
	v11 =	vshrl.u32 v11, $0x10;
	vm4 =	vne.s32 v10, $0x0  }
0x1d6: {  	v58 =	vld [tilespmem:s19+$0xFFFFFE20];
	v59 =	vshrl.u32 v14, $0x10;
	vm5 =	vne.s32 v11, $0x0  }
0x1d7: {  	v7 =	vshrl.u32 v7, $0x10;
	vm6 =	vne.s32 v59, $0x0;
	[tilespmem:v5+s13+$0x0] =	vst.idx.add.s32.msk vm0, v1  }
0x1d8: {  	v60 =	vshrl.u32 v15, $0x10;
	vm0 =	vne.s32 v7, $0x0;
	[tilespmem:v6+s13+$0x0] =	vst.idx.add.s32.msk vm1, v1  }
0x1d9: {  	v5 =	vshrl.u32 v13, $0x10;
	[tilespmem:v8+s13+$0x0] =	vst.idx.add.s32.msk vm2, v1;
	vm2 =	vne.s32 v60, $0x0  }
0x1da: {  	v62 =	vshrl.u32 v12, $0x10;
	[tilespmem:v9+s13+$0x0] =	vst.idx.add.s32.msk vm3, v1;
	vm1 =	vne.s32 v5, $0x0  }
0x1db: {  	v61 =	vshrl.u32 v16, $0x10;
	vm14 =	vne.s32 v62, $0x0;
	[tilespmem:v10+s13+$0x0] =	vst.idx.add.s32.msk vm4, v1  }
0x1dc: {  	vm3 =	vne.s32 v61, $0x0;
	v6 =	vshrl.u32 v58, $0x10;
	[tilespmem:v11+s13+$0x0] =	vst.idx.add.s32.msk vm5, v1  }
0x1dd: {  	v63 =	vshrl.u32 v2, $0x10;
	[tilespmem:v59+s13+$0x0] =	vst.idx.add.s32.msk vm6, v1;
	vm15 =	vne.s32 v6, $0x0  }
0x1de: {  	v3 =	vshrl.u32 v3, $0x10;
	[tilespmem:v7+s13+$0x0] =	vst.idx.add.s32.msk vm0, v1;
	vm0 =	vne.s32 v63, $0x0  }
0x1df: {  	v2 =	vshrl.u32 v4, $0x10;
	[tilespmem:v60+s13+$0x0] =	vst.idx.add.s32.msk vm2, v1;
	vm2 =	vne.s32 v3, $0x0  }
0x1e0: {  	[tilespmem:v5+s13+$0x0] =	vst.idx.add.s32.msk vm1, v1;
	vm1 =	vne.s32 v2, $0x0  }
0x1e1: {  	[tilespmem:v62+s13+$0x0] =	vst.idx.add.s32.msk vm14, v1  }
0x1e2: {  	[tilespmem:v61+s13+$0x0] =	vst.idx.add.s32.msk vm3, v1  }
0x1e3: {  	[tilespmem:v6+s13+$0x0] =	vst.idx.add.s32.msk vm15, v1  }
0x1e4: {  	s21 =	simm.s32 $0x0;
	[tilespmem:v63+s13+$0x0] =	vst.idx.add.s32.msk vm0, v1  }
.LBB2_17:
0x1e5: {  	s21 =	sadd.s32 $0x10, s21;
	[tilespmem:v3+s13+$0x0] =	vst.idx.add.s32.msk vm2, v1;
	s19 =	sadd.s32 $0x400, s19;
	s20 =	simm.s32 $0x4380  }
0x1e6: {  	p1 =	slt.u32 s21, $0xF0;
	[tilespmem:v2+s13+$0x0] =	vst.idx.add.s32.msk vm1, v1  }
0x1e7: {  	v3 =	vld [tilespmem:s19+$0xFFFFFE10]  }
0x1e8: {  	v4 =	vld [tilespmem:s19+$0xFFFFFE30]  }
0x1e9: {  	v2 =	vld [tilespmem:s19+$0xFFFFFE40]  }
0x1ea: {  	v5 =	vld [tilespmem:s19+$0xFFFFFE00]  }
0x1eb: {  	v6 =	vld [tilespmem:s19+$0x70]  }
0x1ec: {  	v7 =	vld [tilespmem:s19+$0x60]  }
0x1ed: {  	v8 =	vld [tilespmem:s19+$0x50]  }
0x1ee: {  	v9 =	vld [tilespmem:s19+$0x40]  }
0x1ef: {  	v5 =	vshrl.u32 v5, $0x10;
	v10 =	vld [tilespmem:s19+$0x30]  }
0x1f0: {  	vm0 =	vne.s32 v5, $0x0;
	v11 =	vld [tilespmem:s19+$0x20];
	v6 =	vshrl.u32 v6, $0x10  }
0x1f1: {  	v12 =	vld [tilespmem:s19+$0x10];
	vm1 =	vne.s32 v6, $0x0  }
0x1f2: {  	v13 =	vld [tilespmem:s19+$0x0];
	v8 =	vshrl.u32 v8, $0x10  }
0x1f3: {  	v14 =	vld [tilespmem:s19+$0xFFFFFE70];
	v9 =	vshrl.u32 v9, $0x10;
	vm2 =	vne.s32 v8, $0x0  }
0x1f4: {  	v15 =	vld [tilespmem:s19+$0xFFFFFE60];
	v10 =	vshrl.u32 v10, $0x10;
	vm3 =	vne.s32 v9, $0x0  }
0x1f5: {  	v7 =	vshrl.u32 v7, $0x10;
	v16 =	vld [tilespmem:s19+$0xFFFFFE50];
	v11 =	vshrl.u32 v11, $0x10;
	vm4 =	vne.s32 v10, $0x0  }
0x1f6: {  	vm6 =	vne.s32 v7, $0x0;
	[tilespmem:v5+s13+$0x0] =	vst.idx.add.s32.msk vm0, v1;
	v5 =	vshrl.u32 v12, $0x10;
	vm5 =	vne.s32 v11, $0x0  }
0x1f7: {  	v12 =	vshrl.u32 v13, $0x10;
	vm0 =	vne.s32 v5, $0x0;
	[tilespmem:v6+s13+$0x0] =	vst.idx.add.s32.msk vm1, v1  }
0x1f8: {  	v6 =	vld [tilespmem:s19+$0xFFFFFE20];
	v13 =	vshrl.u32 v14, $0x10;
	vm7 =	vne.s32 v12, $0x0  }
0x1f9: {  	v14 =	vshrl.u32 v15, $0x10;
	vm8 =	vne.s32 v13, $0x0;
	[tilespmem:v8+s13+$0x0] =	vst.idx.add.s32.msk vm2, v1  }
0x1fa: {  	v8 =	vshrl.u32 v16, $0x10;
	vm9 =	vne.s32 v14, $0x0;
	[tilespmem:v9+s13+$0x0] =	vst.idx.add.s32.msk vm3, v1  }
0x1fb: {  	v2 =	vshrl.u32 v2, $0x10;
	vm3 =	vne.s32 v8, $0x0;
	[tilespmem:v10+s13+$0x0] =	vst.idx.add.s32.msk vm4, v1  }
0x1fc: {  	v4 =	vshrl.u32 v4, $0x10;
	vm1 =	vne.s32 v2, $0x0;
	[tilespmem:v7+s13+$0x0] =	vst.idx.add.s32.msk vm6, v1  }
0x1fd: {  	vm4 =	vne.s32 v4, $0x0;
	v6 =	vshrl.u32 v6, $0x10;
	[tilespmem:v11+s13+$0x0] =	vst.idx.add.s32.msk vm5, v1  }
0x1fe: {  	v3 =	vshrl.u32 v3, $0x10;
	vm5 =	vne.s32 v6, $0x0;
	[tilespmem:v12+s13+$0x0] =	vst.idx.add.s32.msk vm7, v1  }
0x1ff: {  	vm2 =	vne.s32 v3, $0x0;
	[tilespmem:v13+s13+$0x0] =	vst.idx.add.s32.msk vm8, v1  }
.Ltmp9:
0x200: {  	[tilespmem:v14+s13+$0x0] =	vst.idx.add.s32.msk vm9, v1;
	(pc) =	sbr.rel @p1 .LBB2_17-.Ltmp9, $4  }
0x201: {  	[tilespmem:v8+s13+$0x0] =	vst.idx.add.s32.msk vm3, v1  }
0x202: {  	[tilespmem:v5+s13+$0x0] =	vst.idx.add.s32.msk vm0, v1  }
0x203: {  	[tilespmem:v4+s13+$0x0] =	vst.idx.add.s32.msk vm4, v1  }
0x204: {  	[tilespmem:v6+s13+$0x0] =	vst.idx.add.s32.msk vm5, v1  }
0x205: {  	_ =	sdelay $0x4  }
0x206: {  	[tilespmem:v3+s13+$0x0] =	vst.idx.add.s32.msk vm2, v1  }
0x207: {  	[tilespmem:v2+s13+$0x0] =	vst.idx.add.s32.msk vm1, v1  }
0x208: {  	v4 =	vld [tilespmem:s20+$0xFFFFFE10]  }
0x209: {  	v2 =	vld [tilespmem:s20+$0xFFFFFE40]  }
0x20a: {  	v3 =	vld [tilespmem:s20+$0xFFFFFE00]  }
0x20b: {  	v5 =	vld [tilespmem:s20+$0x70]  }
0x20c: {  	v6 =	vld [tilespmem:s20+$0x60]  }
0x20d: {  	v7 =	vld [tilespmem:s20+$0x50]  }
0x20e: {  	v9 =	vld [tilespmem:s20+$0x30]  }
0x20f: {  	v8 =	vld [tilespmem:s20+$0x40];
	v3 =	vshrl.u32 v3, $0x10  }
0x210: {  	v10 =	vld [tilespmem:s20+$0x20];
	vm0 =	vne.s32 v3, $0x0  }
0x211: {  	v11 =	vld [tilespmem:s20+$0x10]  }
0x212: {  	v12 =	vld [tilespmem:s20+$0x0];
	v7 =	vshrl.u32 v7, $0x10  }
0x213: {  	v13 =	vld [tilespmem:s20+$0xFFFFFE70];
	v9 =	vshrl.u32 v9, $0x10;
	vm1 =	vne.s32 v7, $0x0  }
0x214: {  	v15 =	vld [tilespmem:s20+$0xFFFFFE50];
	v8 =	vshrl.u32 v8, $0x10;
	vm3 =	vne.s32 v9, $0x0  }
0x215: {  	v14 =	vld [tilespmem:s20+$0xFFFFFE60];
	v6 =	vshrl.u32 v6, $0x10;
	vm2 =	vne.s32 v8, $0x0  }
0x216: {  	[tilespmem:v3+s13+$0x0] =	vst.idx.add.s32.msk vm0, v1;
	vm0 =	vne.s32 v6, $0x0  }
0x217: {  	v61 =	vld [tilespmem:s20+$0xFFFFFE30];
	v12 =	vshrl.u32 v12, $0x10  }
0x218: {  	v16 =	vld [tilespmem:s20+$0xFFFFFE20];
	vm5 =	vne.s32 v12, $0x0;
	v3 =	vshrl.u32 v11, $0x10  }
0x219: {  	v62 =	vshrl.u32 v15, $0x10;
	[tilespmem:v7+s13+$0x0] =	vst.idx.add.s32.msk vm1, v1;
	vm4 =	vne.s32 v3, $0x0  }
0x21a: {  	v7 =	vshrl.u32 v14, $0x10;
	[tilespmem:v9+s13+$0x0] =	vst.idx.add.s32.msk vm3, v1;
	vm3 =	vne.s32 v62, $0x0  }
0x21b: {  	v63 =	vshrl.u32 v2, $0x10;
	[tilespmem:v8+s13+$0x0] =	vst.idx.add.s32.msk vm2, v1;
	vm2 =	vne.s32 v7, $0x0  }
0x21c: {  	v10 =	vshrl.u32 v10, $0x10;
	[tilespmem:v6+s13+$0x0] =	vst.idx.add.s32.msk vm0, v1;
	vm0 =	vne.s32 v63, $0x0  }
0x21d: {  	v5 =	vshrl.u32 v5, $0x10;
	vm6 =	vne.s32 v10, $0x0  }
0x21e: {  	vm1 =	vne.s32 v5, $0x0;
	[tilespmem:v12+s13+$0x0] =	vst.idx.add.s32.msk vm5, v1;
	v6 =	vshrl.u32 v61, $0x10  }
0x21f: {  	[tilespmem:v3+s13+$0x0] =	vst.idx.add.s32.msk vm4, v1;
	vm4 =	vne.s32 v6, $0x0;
	v3 =	vshrl.u32 v16, $0x10  }
0x220: {  	v4 =	vshrl.u32 v4, $0x10;
	[tilespmem:v62+s13+$0x0] =	vst.idx.add.s32.msk vm3, v1;
	vm3 =	vne.s32 v3, $0x0  }
0x221: {  	v2 =	vshrl.u32 v13, $0x10;
	[tilespmem:v7+s13+$0x0] =	vst.idx.add.s32.msk vm2, v1;
	vm2 =	vne.s32 v4, $0x0  }
0x222: {  	[tilespmem:v63+s13+$0x0] =	vst.idx.add.s32.msk vm0, v1;
	vm0 =	vne.s32 v2, $0x0  }
0x223: {  	[tilespmem:v10+s13+$0x0] =	vst.idx.add.s32.msk vm6, v1  }
0x224: {  	[tilespmem:v5+s13+$0x0] =	vst.idx.add.s32.msk vm1, v1  }
0x225: {  	s19 =	simm.s32 $0x0;
	[tilespmem:v6+s13+$0x0] =	vst.idx.add.s32.msk vm4, v1  }
.LBB2_19:
0x226: {  	s19 =	sadd.s32 $0x10, s19;
	[tilespmem:v3+s13+$0x0] =	vst.idx.add.s32.msk vm3, v1;
	s20 =	sadd.s32 $0x400, s20  }
0x227: {  	p1 =	slt.u32 s19, $0xF0;
	[tilespmem:v4+s13+$0x0] =	vst.idx.add.s32.msk vm2, v1  }
0x228: {  	[tilespmem:v2+s13+$0x0] =	vst.idx.add.s32.msk vm0, v1  }
0x229: {  	v4 =	vld [tilespmem:s20+$0xFFFFFE10]  }
0x22a: {  	v3 =	vld [tilespmem:s20+$0xFFFFFE40]  }
0x22b: {  	v2 =	vld [tilespmem:s20+$0xFFFFFE00]  }
0x22c: {  	v5 =	vld [tilespmem:s20+$0x70]  }
0x22d: {  	v6 =	vld [tilespmem:s20+$0x60]  }
0x22e: {  	v7 =	vld [tilespmem:s20+$0x50]  }
0x22f: {  	v8 =	vld [tilespmem:s20+$0x40]  }
0x230: {  	v2 =	vshrl.u32 v2, $0x10;
	v9 =	vld [tilespmem:s20+$0x30]  }
0x231: {  	vm0 =	vne.s32 v2, $0x0;
	v10 =	vld [tilespmem:s20+$0x20]  }
0x232: {  	v11 =	vld [tilespmem:s20+$0x10]  }
0x233: {  	v12 =	vld [tilespmem:s20+$0x0];
	v7 =	vshrl.u32 v7, $0x10  }
0x234: {  	v13 =	vld [tilespmem:s20+$0xFFFFFE70];
	v8 =	vshrl.u32 v8, $0x10;
	vm2 =	vne.s32 v7, $0x0  }
0x235: {  	v14 =	vld [tilespmem:s20+$0xFFFFFE60];
	v9 =	vshrl.u32 v9, $0x10;
	vm3 =	vne.s32 v8, $0x0  }
0x236: {  	v6 =	vshrl.u32 v6, $0x10;
	v15 =	vld [tilespmem:s20+$0xFFFFFE50];
	v10 =	vshrl.u32 v10, $0x10;
	vm4 =	vne.s32 v9, $0x0  }
0x237: {  	vm5 =	vne.s32 v6, $0x0;
	[tilespmem:v2+s13+$0x0] =	vst.idx.add.s32.msk vm0, v1;
	v11 =	vshrl.u32 v11, $0x10;
	vm1 =	vne.s32 v10, $0x0  }
0x238: {  	v16 =	vld [tilespmem:s20+$0xFFFFFE30];
	v12 =	vshrl.u32 v12, $0x10;
	vm6 =	vne.s32 v11, $0x0  }
0x239: {  	v5 =	vshrl.u32 v5, $0x10;
	v17 =	vld [tilespmem:s20+$0xFFFFFE20];
	v2 =	vshrl.u32 v13, $0x10;
	vm7 =	vne.s32 v12, $0x0  }
0x23a: {  	vm8 =	vne.s32 v5, $0x0;
	v13 =	vshrl.u32 v14, $0x10;
	vm0 =	vne.s32 v2, $0x0;
	[tilespmem:v7+s13+$0x0] =	vst.idx.add.s32.msk vm2, v1  }
0x23b: {  	v7 =	vshrl.u32 v15, $0x10;
	vm9 =	vne.s32 v13, $0x0;
	[tilespmem:v8+s13+$0x0] =	vst.idx.add.s32.msk vm3, v1  }
0x23c: {  	v8 =	vshrl.u32 v3, $0x10;
	vm10 =	vne.s32 v7, $0x0;
	[tilespmem:v9+s13+$0x0] =	vst.idx.add.s32.msk vm4, v1  }
0x23d: {  	vm4 =	vne.s32 v8, $0x0;
	v9 =	vshrl.u32 v16, $0x10;
	[tilespmem:v6+s13+$0x0] =	vst.idx.add.s32.msk vm5, v1  }
0x23e: {  	v3 =	vshrl.u32 v17, $0x10;
	vm5 =	vne.s32 v9, $0x0;
	[tilespmem:v11+s13+$0x0] =	vst.idx.add.s32.msk vm6, v1  }
0x23f: {  	v4 =	vshrl.u32 v4, $0x10;
	vm3 =	vne.s32 v3, $0x0;
	[tilespmem:v12+s13+$0x0] =	vst.idx.add.s32.msk vm7, v1  }
0x240: {  	vm2 =	vne.s32 v4, $0x0;
	[tilespmem:v10+s13+$0x0] =	vst.idx.add.s32.msk vm1, v1  }
.Ltmp10:
0x241: {  	[tilespmem:v5+s13+$0x0] =	vst.idx.add.s32.msk vm8, v1;
	(pc) =	sbr.rel @p1 .LBB2_19-.Ltmp10, $4  }
0x242: {  	[tilespmem:v13+s13+$0x0] =	vst.idx.add.s32.msk vm9, v1  }
0x243: {  	[tilespmem:v7+s13+$0x0] =	vst.idx.add.s32.msk vm10, v1  }
0x244: {  	[tilespmem:v8+s13+$0x0] =	vst.idx.add.s32.msk vm4, v1  }
0x245: {  	[tilespmem:v9+s13+$0x0] =	vst.idx.add.s32.msk vm5, v1  }
0x246: {  	_ =	sdelay $0x2  }
.Ltmp11:
0x247: {  	_ = 	snop;
	(pc) =	sbr.rel @p0 .LBB2_22-.Ltmp11, $4  }
0x248: {  	_ = 	snop  }
0x249: {  	[tilespmem:v3+s13+$0x0] =	vst.idx.add.s32.msk vm3, v1  }
0x24a: {  	[tilespmem:v4+s13+$0x0] =	vst.idx.add.s32.msk vm2, v1  }
0x24b: {  	[tilespmem:v2+s13+$0x0] =	vst.idx.add.s32.msk vm0, v1  }
.Ltmp12:
0x24c: {  	(pc) =	sbr.rel .LBB2_4-.Ltmp12, $3  }
0x24d: {  	_ =	sdelay $0x1  }
0x24e: {  	s18 =	sadd.s32 s8, s18;
	s17 =	sadd.s32 $0x1, s17  }
0x24f: {  	[tilespmem:s11], [sflag:$0x2] =	stream.strided.gather [hbm4b:s18+s9], $0x4000, s10, s9, $0x38;
	[tilespmem:$0x10000] =	vst v63  }
.LBB2_23:
0x250: {  	_ =	sfence.sel $0x180000  }
0x251: {  	[bflag:$0x0] =	sbarrier.arrive $0xFFFF  }
0x252: {  	p0 =	sne.s32 s1, $0x0;
	_ =	strace $0x90000047  }
0x253: {  	s0 =	sadd.s32 @!p0 $0x100000, s0;
	[bflag:$0x2] =	sbarrier.arrive $0xFFFF  }
0x254: {  	[sflag:s0] =	ssyncadd.tile.s32 @!p0 $0x1;
	_ =	shalt  }
.Lfunc_end2:
_tile_overlayer_lowered:
.L_overlay_start_2:
0x255: {  	(tag) =	ssettag $0x2  }
0x256: {  	s0 =	rddreg [dreg:$0x0];
	s2 =	stileid.u32  }
0x257: {  	s1 =	rddreg [dreg:$0x1];
	p0 =	sne.s32 s2, $0x0  }
0x258: {  	s3 =	rddreg [dreg:$0x2];
	[bflag:$0x3] =	sbarrier.arrive $0xFFFF;
	s2 =	simm.s32 @!p0 $0x1C03  }
0x259: {  	[timem:s3], [sflag:s2] =	dma.local @!p0 [hbm:s0], s1  }
0x25a: {  	s0 =	simm.s32 @!p0 $0x3  }
0x25b: {  	_ =	swait.ge @!p0 [sflag:s0], s1  }
0x25c: {  	s1 =	ssub.s32 @!p0 $0x0, s1;
	[sflag:s0] =	ssyncset.done @!p0 $0x0  }
0x25d: {  	[sflag:s0] =	ssyncadd.s32 @!p0 s1  }
0x25e: {  	[bflag:$0x3] =	sbarrier.arrive $0xFFFF  }
0x25f: {  	_ =	shalt  }

</sc_bundles>
